<compile_context>
chip_gen: v7x
topology: tpu7x:2x2x1
jax: 0.10.2.dev20260603
libtpu: 0.0.44.dev20260713+nightly
codegen_flags: <defaults>
</compile_context>

<pallas_src>
import dataclasses
import functools

import jax
import jax.numpy as jnp
from jax import lax
from jax.experimental import pallas as pl
from jax.experimental.pallas import tpu as pltpu
from jax.experimental.pallas import tpu_sc as plsc

IN_DIM = 4096
HID = 4096
FS = IN_DIM * HID
NSUB = 16
NCORE = 2
NW = NSUB * NCORE
SHARD = 65536
SSH = 16
NSH = FS // SHARD
NGEN = NSH // NW
OTBL = 272
NLANE = 4
CHUNK = 1024
WIN = 512


def _mesh_and_params():
    mesh = plsc.VectorSubcoreMesh(core_axis_name="c", subcore_axis_name="s")
    cp = pltpu.CompilerParams()
    if "needs_layout_passes" in pltpu.CompilerParams.__dataclass_fields__:
        cp = dataclasses.replace(cp, needs_layout_passes=False)
    return mesh, cp


def _bin_phase(rows_p, cols_p, vals_p):
    nnzp = rows_p.shape[0]
    share = nnzp // NW
    n_pairs = share // (2 * CHUNK)
    scap = (share // WIN + 1) * WIN
    mesh, cp = _mesh_and_params()

    @functools.partial(
        pl.kernel,
        compiler_params=cp,
        out_type=(
            jax.ShapeDtypeStruct((NW, scap), jnp.int32),
            jax.ShapeDtypeStruct((NW, scap), jnp.float32),
            jax.ShapeDtypeStruct((NW, OTBL), jnp.int32),
        ),
        mesh=mesh,
        scratch_types=[
            pltpu.VMEM((CHUNK,), jnp.int32),
            pltpu.VMEM((CHUNK,), jnp.int32),
            pltpu.VMEM((CHUNK,), jnp.float32),
            pltpu.VMEM((CHUNK,), jnp.int32),
            pltpu.VMEM((CHUNK,), jnp.int32),
            pltpu.VMEM((CHUNK,), jnp.float32),
            pltpu.VMEM((OTBL,), jnp.int32),
            pltpu.VMEM((OTBL,), jnp.int32),
            pltpu.VMEM((OTBL,), jnp.int32),
            pltpu.VMEM((OTBL,), jnp.int32),
            pltpu.VMEM((OTBL,), jnp.int32),
            pltpu.VMEM((OTBL,), jnp.int32),
            pltpu.VMEM((OTBL,), jnp.int32),
            pltpu.VMEM((OTBL,), jnp.int32),
            pltpu.VMEM((OTBL,), jnp.int32),
            pltpu.VMEM((scap,), jnp.int32),
            pltpu.VMEM((scap,), jnp.float32),
            pltpu.SemaphoreType.DMA,
            pltpu.SemaphoreType.DMA,
        ],
    )
    def bin_kernel(rows_hbm, cols_hbm, vals_hbm,
                   sidx_hbm, sval_hbm, offs_hbm,
                   r_a, c_a, v_a, r_b, c_b, v_b,
                   cnt0, cnt1, cnt2, cnt3, offs,
                   cur0, cur1, cur2, cur3, sidx_v, sval_v,
                   sem_a, sem_b):
        cnts_l = [cnt0, cnt1, cnt2, cnt3]
        curs_l = [cur0, cur1, cur2, cur3]
        c = lax.axis_index("c")
        s = lax.axis_index("s")
        w = s * NCORE + c
        my_off = w * share

        zero16 = jnp.zeros((16,), jnp.int32)

        @pl.loop(0, OTBL // 16)
        def _z(g):
            for u in range(NLANE):
                cnts_l[u][pl.ds(g * 16, 16)] = zero16

        def load_chunk(ci, r_v, c_v, v_v, sem, with_vals):
            off = my_off + ci * CHUNK
            pltpu.async_copy(rows_hbm.at[pl.ds(off, CHUNK)], r_v, sem)
            pltpu.async_copy(cols_hbm.at[pl.ds(off, CHUNK)], c_v, sem)
            if with_vals:
                pltpu.async_copy(vals_hbm.at[pl.ds(off, CHUNK)], v_v, sem)

        def wait_inputs(r_v, sem, n):
            for _ in range(n):
                pltpu.make_async_copy(
                    rows_hbm.at[pl.ds(0, CHUNK)], r_v, sem).wait()

        def count_chunk(r_v, c_v):
            @pl.loop(0, CHUNK // 64)
            def _b(it):
                for u in range(NLANE):
                    g = it * 64 + u * 16
                    rv = r_v[pl.ds(g, 16)]
                    cv = c_v[pl.ds(g, 16)]
                    t = lax.shift_right_logical(rv * HID + cv, SSH)
                    cnt, lastm = plsc.scan_count(t)
                    cur = plsc.load_gather(cnts_l[u], [t])
                    plsc.store_scatter(cnts_l[u], [t], cur + cnt,
                                       mask=lastm)

        def place_chunk(r_v, c_v, v_v):
            @pl.loop(0, CHUNK // 64)
            def _b(it):
                for u in range(NLANE):
                    g = it * 64 + u * 16
                    rv = r_v[pl.ds(g, 16)]
                    cv = c_v[pl.ds(g, 16)]
                    vv = v_v[pl.ds(g, 16)]
                    flat = rv * HID + cv
                    t = lax.shift_right_logical(flat, SSH)
                    lidx = flat & (SHARD - 1)
                    cnt, lastm = plsc.scan_count(t)
                    cur = plsc.load_gather(curs_l[u], [t])
                    pos = cur + cnt - 1
                    plsc.store_scatter(sidx_v, [pos], lidx)
                    plsc.store_scatter(sval_v, [pos], vv)
                    plsc.store_scatter(curs_l[u], [t], cur + cnt,
                                       mask=lastm)

        load_chunk(0, r_a, c_a, v_a, sem_a, False)
        load_chunk(1, r_b, c_b, v_b, sem_b, False)

        @pl.loop(0, n_pairs)
        def _pa(i):
            wait_inputs(r_a, sem_a, 2)
            count_chunk(r_a, c_a)

            @pl.when(i < n_pairs - 1)
            def _():
                load_chunk(2 * i + 2, r_a, c_a, v_a, sem_a, False)

            wait_inputs(r_b, sem_b, 2)
            count_chunk(r_b, c_b)

            @pl.when(i < n_pairs - 1)
            def _():
                load_chunk(2 * i + 3, r_b, c_b, v_b, sem_b, False)

        def pfx_body(g, carry):
            sl = pl.ds(g * 16, 16)
            c0 = cnt0[sl]
            c1 = cnt1[sl]
            c2 = cnt2[sl]
            c3 = cnt3[sl]
            tot = c0 + c1 + c2 + c3
            inc = plsc.cumsum(tot)
            ex = inc - tot + carry
            offs[sl] = ex
            cur0[sl] = ex
            cur1[sl] = ex + c0
            cur2[sl] = ex + c0 + c1
            cur3[sl] = ex + c0 + c1 + c2
            return carry + jnp.max(inc)

        lax.fori_loop(0, OTBL // 16, pfx_body, 0)
        pltpu.sync_copy(offs, offs_hbm.at[w])

        load_chunk(0, r_a, c_a, v_a, sem_a, True)
        load_chunk(1, r_b, c_b, v_b, sem_b, True)

        @pl.loop(0, n_pairs)
        def _pb(i):
            wait_inputs(r_a, sem_a, 3)
            place_chunk(r_a, c_a, v_a)

            @pl.when(i < n_pairs - 1)
            def _():
                load_chunk(2 * i + 2, r_a, c_a, v_a, sem_a, True)

            wait_inputs(r_b, sem_b, 3)
            place_chunk(r_b, c_b, v_b)

            @pl.when(i < n_pairs - 1)
            def _():
                load_chunk(2 * i + 3, r_b, c_b, v_b, sem_b, True)

        pltpu.sync_copy(sidx_v, sidx_hbm.at[w])
        pltpu.sync_copy(sval_v, sval_hbm.at[w])

    return bin_kernel(rows_p, cols_p, vals_p)


def _accum_phase(sidx, sval, offs):
    mesh, cp = _mesh_and_params()

    @functools.partial(
        pl.kernel,
        compiler_params=cp,
        out_type=jax.ShapeDtypeStruct((FS,), jnp.float32),
        mesh=mesh,
        scratch_types=[
            pltpu.VMEM((SHARD,), jnp.float32),
            pltpu.VMEM((NW, WIN), jnp.int32),
            pltpu.VMEM((NW, WIN), jnp.float32),
            pltpu.VMEM((NW, OTBL), jnp.int32),
            pltpu.SemaphoreType.DMA,
        ],
    )
    def accum_kernel(sidx_hbm, sval_hbm, offs_hbm, w_hbm,
                     acc, widx, wval, offs_all, sem):
        c = lax.axis_index("c")
        s = lax.axis_index("s")
        w = s * NCORE + c

        pltpu.sync_copy(offs_hbm, offs_all)
        zero16f = jnp.zeros((16,), jnp.float32)
        lanes = jnp.arange(16, dtype=jnp.int32)
        imin = jnp.int32(-(2 ** 31))

        def tbl_at(p, j):
            jal = pl.multiple_of(j & ~15, 8)
            vec = offs_all[p, pl.ds(jal, 16)]
            return jnp.max(jnp.where(lanes == j - jal, vec, imin))

        def seg_bounds(p, shc):
            return tbl_at(p, shc), tbl_at(p, shc + 1)

        @pl.loop(0, NGEN)
        def _gen(g):
            sh = g * NW + w
            shc = jnp.minimum(sh, OTBL - 2)

            @pl.loop(0, NW)
            def _iss(p):
                st, _ = seg_bounds(p, shc)
                sal = pl.multiple_of(st & ~(WIN - 1), WIN)
                pltpu.async_copy(sidx_hbm.at[p, pl.ds(sal, WIN)],
                                 widx.at[p], sem)
                pltpu.async_copy(sval_hbm.at[p, pl.ds(sal, WIN)],
                                 wval.at[p], sem)

            @pl.loop(0, SHARD // 256)
            def _zb(j):
                for l in range(16):
                    acc[pl.ds(j * 256 + l * 16, 16)] = zero16f

            @pl.loop(0, NW)
            def _drn(p):
                pltpu.make_async_copy(
                    sidx_hbm.at[0, pl.ds(0, WIN)], widx.at[p], sem).wait()
                pltpu.make_async_copy(
                    sval_hbm.at[0, pl.ds(0, WIN)], wval.at[p], sem).wait()

            @pl.loop(0, NW)
            def _proc(p):
                st, en = seg_bounds(p, shc)
                sal = pl.multiple_of(st & ~(WIN - 1), WIN)

                @pl.when(jnp.logical_and(en > st, sh < NSH))
                def _():
                    @pl.loop(0, WIN // 16)
                    def _g(gg):
                        posv = sal + gg * 16 + lanes
                        m = jnp.logical_and(posv >= st, posv < en)
                        lidx = widx[p, pl.ds(gg * 16, 16)]
                        vv = wval[p, pl.ds(gg * 16, 16)]
                        plsc.addupdate_scatter(acc, [lidx], vv, mask=m)

                    def rem_body(nxt):
                        wo = pl.multiple_of(nxt, WIN)
                        pltpu.sync_copy(
                            sidx_hbm.at[p, pl.ds(wo, WIN)],
                            widx.at[p])
                        pltpu.sync_copy(
                            sval_hbm.at[p, pl.ds(wo, WIN)],
                            wval.at[p])

                        @pl.loop(0, WIN // 16)
                        def _g2(gg):
                            posv = nxt + gg * 16 + lanes
                            m = posv < en
                            lidx = widx[p, pl.ds(gg * 16, 16)]
                            vv = wval[p, pl.ds(gg * 16, 16)]
                            plsc.addupdate_scatter(acc, [lidx], vv,
                                                   mask=m)

                        return nxt + WIN

                    lax.while_loop(lambda nxt: nxt < en, rem_body,
                                   sal + WIN)

            pltpu.sync_copy(
                acc, w_hbm.at[pl.ds(pl.multiple_of(sh * SHARD, 8), SHARD)])


    return accum_kernel(sidx, sval, offs)


def _mm_body(x_ref, w_ref, b_ref, o_ref):
    xb = x_ref[...]
    wb = w_ref[...].astype(jnp.bfloat16)
    acc = jnp.dot(xb, wb, preferred_element_type=jnp.float32)
    o_ref[...] = jnp.tanh(acc + b_ref[...])


def _matmul(xb, w, bias2d):
    batch = xb.shape[0]
    bn = 512
    return pl.pallas_call(
        _mm_body,
        grid=(HID // bn,),
        in_specs=[
            pl.BlockSpec((batch, IN_DIM), lambda j: (0, 0)),
            pl.BlockSpec((IN_DIM, bn), lambda j: (0, j)),
            pl.BlockSpec((1, bn), lambda j: (0, j)),
        ],
        out_specs=pl.BlockSpec((batch, bn), lambda j: (0, j)),
        out_shape=jax.ShapeDtypeStruct((batch, HID), jnp.float32),
    )(xb, w, bias2d)


def kernel(x, values, bias, rows, cols):
    nnz = rows.shape[0]
    grain = NW * 2 * CHUNK
    nnzp = -(-nnz // grain) * grain
    pad = nnzp - nnz
    rows_p = jnp.concatenate(
        [rows, jnp.full((pad,), IN_DIM, jnp.int32)])
    cols_p = jnp.concatenate([cols, jnp.zeros((pad,), jnp.int32)])
    vals_p = jnp.concatenate([values, jnp.zeros((pad,), jnp.float32)])

    sidx, sval, offs = _bin_phase(rows_p, cols_p, vals_p)
    w_flat = _accum_phase(sidx, sval, offs)
    w = w_flat.reshape(IN_DIM, HID)
    xb = x.astype(jnp.bfloat16)
    return _matmul(xb, w, bias.reshape(1, HID))

# --- scband reference (transcript-rebuilt; emitter-appended) ---
"""Pipeline reference for scband-titans-memory-37014028157459 (READ-ONLY COPY).

The authoritative reference and input builder live on the scoring server;
editing this copy changes nothing except your own understanding.
"""

import jax, jax.numpy as jnp
import numpy as np

INPUT_DIM = 4096
HIDDEN_DIM = 4096
SPARSITY = 0.95
BATCH = 1024
NUM_WEIGHTS = int(INPUT_DIM * HIDDEN_DIM * (1.0 - SPARSITY))


def setup_inputs(seed: int = 0) -> dict:
    key = jax.random.key(seed)
    k1, k2, k3, k4 = jax.random.split(key, 4)
    rows = jax.random.randint(k1, (NUM_WEIGHTS,), 0, INPUT_DIM, dtype=jnp.int32)
    cols = jax.random.randint(k2, (NUM_WEIGHTS,), 0, HIDDEN_DIM, dtype=jnp.int32)
    values = jax.random.normal(k3, (NUM_WEIGHTS,), dtype=jnp.float32) * 0.01
    bias = jnp.zeros((HIDDEN_DIM,), dtype=jnp.float32)
    x = jax.random.normal(k4, (BATCH, INPUT_DIM), dtype=jnp.float32)
    return {"x": x, "values": values, "bias": bias, "rows": rows, "cols": cols}


def reference(x, values, bias, rows, cols):
    # Coalesce-equivalent: duplicates in (rows, cols) are summed by scatter-add,
    # matching torch.sparse_coo_tensor(...).coalesce() semantics.
    W = jnp.zeros((INPUT_DIM, HIDDEN_DIM), dtype=values.dtype).at[rows, cols].add(values)
    # torch: sparse.mm(W_t, x.t()).t() == x @ W
    out = x @ W
    return jnp.tanh(out + bias)

if __name__ == "__main__":
    import jax
    _d = setup_inputs()
    print(jax.jit(kernel)(*tuple(_d.values())))

</pallas_src>

<mosaic_0001>
#map = affine_map<(d0, d1) -> (0, 0)>
#map1 = affine_map<(d0, d1) -> (0)>
module attributes {stable_mosaic.version = 14 : i64} {
  func.func @accum_kernel(%arg0: i32, %arg1: i32, %arg2: memref<32x27136xi32, #tpu.memory_space<hbm>>, %arg3: memref<32x27136xf32, #tpu.memory_space<hbm>>, %arg4: memref<32x272xi32, #tpu.memory_space<hbm>>, %arg5: memref<16777216xf32, #tpu.memory_space<hbm>>, %arg6: memref<65536xf32, #tpu.memory_space<vmem>>, %arg7: memref<32x512xi32, #tpu.memory_space<vmem>>, %arg8: memref<32x512xf32, #tpu.memory_space<vmem>>, %arg9: memref<32x272xi32, #tpu.memory_space<vmem>>, %arg10: memref<!tpu.dma_semaphore, #tpu.memory_space<semaphore_mem>>) attributes {dimension_semantics = [#tpu.dimension_semantics<core_parallel>, #tpu.dimension_semantics<subcore_parallel>], iteration_bounds = array<i64: 2, 16>, scalar_prefetch = 0 : i64, scratch_operands = 5 : i64, tpu.core_type = #tpu.core_type<sc_vector_subcore>, window_params = [{transform_indices = #map}, {transform_indices = #map}, {transform_indices = #map}, {transform_indices = #map1}]} {
    %mul3A = arith.constant 2 : i32
    %mul3A_0 = arith.muli %arg1, %mul3A : i32
    %add3A = arith.addi %mul3A_0, %arg0 : i32
    "tpu.region"() ({
      %run_scoped3A = tpu.sem_alloc : memref<!tpu.dma_semaphore, #tpu.memory_space<semaphore_mem>>
      tpu.enqueue_dma source(%arg4 : memref<32x272xi32, #tpu.memory_space<hbm>>) target(%arg9 : memref<32x272xi32, #tpu.memory_space<vmem>>) target_semaphore(%run_scoped3A : memref<!tpu.dma_semaphore, #tpu.memory_space<semaphore_mem>>)
      tpu.wait_dma2 semaphore(%run_scoped3A : memref<!tpu.dma_semaphore, #tpu.memory_space<semaphore_mem>>) src(%arg4 : memref<32x272xi32, #tpu.memory_space<hbm>>) dst(%arg9 : memref<32x272xi32, #tpu.memory_space<vmem>>)
      tpu.yield
    }) : () -> ()
    %broadcast_in_dim3A = arith.constant 0.000000e+00 : f32
    %broadcast_in_dim3A_1 = vector.broadcast %broadcast_in_dim3A : f32 to vector<16xf32>
    %iota3A = tpu.iota {dimensions = array<i32: 0>} : vector<16xi32>
    %scan3A = arith.constant -2147483648 : i32
    %scan3A_2 = arith.constant 0 : i32
    %scan3A_3 = arith.constant 8 : i32
    %scan3A_4 = arith.addi %scan3A_2, %scan3A_3 : i32
    %scan3A_5 = arith.constant 1 : i32
    scf.for %scan3A_7 = %scan3A_2 to %scan3A_4 step %scan3A_5  : i32 {
      %mul3A_8 = arith.constant 1 : i32
      %mul3A_9 = arith.muli %scan3A_7, %mul3A_8 : i32
      %add3A_10 = arith.constant 0 : i32
      %add3A_11 = arith.addi %add3A_10, %mul3A_9 : i32
      %mul3A_12 = arith.constant 32 : i32
      %mul3A_13 = arith.muli %add3A_11, %mul3A_12 : i32
      %add3A_14 = arith.addi %mul3A_13, %add3A : i32
      %min3A = arith.constant 270 : i32
      %min3A_15 = arith.minsi %add3A_14, %min3A : i32
      %scan3A_16 = arith.constant 0 : i32
      %scan3A_17 = arith.constant 32 : i32
      %scan3A_18 = arith.addi %scan3A_16, %scan3A_17 : i32
      %scan3A_19 = arith.constant 1 : i32
      scf.for %scan3A_38 = %scan3A_16 to %scan3A_18 step %scan3A_19  : i32 {
        %mul3A_39 = arith.constant 1 : i32
        %mul3A_40 = arith.muli %scan3A_38, %mul3A_39 : i32
        %add3A_41 = arith.constant 0 : i32
        %add3A_42 = arith.addi %add3A_41, %mul3A_40 : i32
        %and3A = arith.constant -16 : i32
        %and3A_43 = arith.andi %min3A_15, %and3A : i32
        %multiple_of3A_44 = tpu.assume_multiple %and3A_43, 8 : i32
        %get3A = arith.index_cast %add3A_42 : i32 to index
        %get3A_45 = arith.index_cast %multiple_of3A_44 : i32 to index
        %get3A_46 = tpu.vector_load %arg9[%get3A, %get3A_45] {strides = array<i32>} : memref<32x272xi32, #tpu.memory_space<vmem>>, vector<16xi32>,
        %sub3A = arith.subi %min3A_15, %multiple_of3A_44 : i32
        %eq3A = vector.broadcast %sub3A : i32 to vector<16xi32>
        %eq3A_47 = arith.cmpi eq, %iota3A, %eq3A : vector<16xi32>
        %broadcast_in_dim3A_48 = vector.broadcast %scan3A : i32 to vector<16xi32>
        %select_n3A = arith.select %eq3A_47, %get3A_46, %broadcast_in_dim3A_48 : vector<16xi1>, vector<16xi32>
        %reduce_max3A = arith.constant true
        %reduce_max3A_49 = vector.broadcast %reduce_max3A : i1 to vector<16xi1>
        %reduce_max3A_50 = arith.constant -2147483648 : i32
        %reduce_max3A_51 = vector.broadcast %reduce_max3A_50 : i32 to vector<16xi32>
        %reduce_max3A_52 = arith.xori %select_n3A, %reduce_max3A_51 : vector<16xi32>
        %reduce_max3A_53 = tpu.scan <max>, %reduce_max3A_52 masked %reduce_max3A_49 : vector<16xi32>, vector<16xi1> -> vector<16xi32>
        %reduce_max3A_54 = arith.xori %reduce_max3A_53, %reduce_max3A_51 : vector<16xi32>
        %reduce_max3A_55 = vector.extract %reduce_max3A_54[15] : i32 from vector<16xi32>
        %add3A_56 = arith.constant 1 : i32
        %add3A_57 = arith.addi %min3A_15, %add3A_56 : i32
        %and3A_58 = arith.constant -16 : i32
        %and3A_59 = arith.andi %add3A_57, %and3A_58 : i32
        %multiple_of3A_60 = tpu.assume_multiple %and3A_59, 8 : i32
        %get3A_61 = arith.index_cast %add3A_42 : i32 to index
        %get3A_62 = arith.index_cast %multiple_of3A_60 : i32 to index
        %get3A_63 = tpu.vector_load %arg9[%get3A_61, %get3A_62] {strides = array<i32>} : memref<32x272xi32, #tpu.memory_space<vmem>>, vector<16xi32>,
        %sub3A_64 = arith.subi %add3A_57, %multiple_of3A_60 : i32
        %eq3A_65 = vector.broadcast %sub3A_64 : i32 to vector<16xi32>
        %eq3A_66 = arith.cmpi eq, %iota3A, %eq3A_65 : vector<16xi32>
        %broadcast_in_dim3A_67 = vector.broadcast %scan3A : i32 to vector<16xi32>
        %select_n3A_68 = arith.select %eq3A_66, %get3A_63, %broadcast_in_dim3A_67 : vector<16xi1>, vector<16xi32>
        %reduce_max3A_69 = arith.constant true
        %reduce_max3A_70 = vector.broadcast %reduce_max3A_69 : i1 to vector<16xi1>
        %reduce_max3A_71 = arith.constant -2147483648 : i32
        %reduce_max3A_72 = vector.broadcast %reduce_max3A_71 : i32 to vector<16xi32>
        %reduce_max3A_73 = arith.xori %select_n3A_68, %reduce_max3A_72 : vector<16xi32>
        %reduce_max3A_74 = tpu.scan <max>, %reduce_max3A_73 masked %reduce_max3A_70 : vector<16xi32>, vector<16xi1> -> vector<16xi32>
        %reduce_max3A_75 = arith.xori %reduce_max3A_74, %reduce_max3A_72 : vector<16xi32>
        %reduce_max3A_76 = vector.extract %reduce_max3A_75[15] : i32 from vector<16xi32>
        %and3A_77 = arith.constant -512 : i32
        %and3A_78 = arith.andi %reduce_max3A_55, %and3A_77 : i32
        %multiple_of3A_79 = tpu.assume_multiple %and3A_78, 512 : i32
        %dma_start3A = arith.constant 0 : i32
        %dma_start3A_80 = tpu.memref_slice %arg7[%add3A_42, %dma_start3A] : memref<32x512xi32, #tpu.memory_space<vmem>> -> memref<1x512xi32, #tpu.memory_space<vmem>>
        %dma_start3A_81 = tpu.memref_squeeze %dma_start3A_80 : memref<1x512xi32, #tpu.memory_space<vmem>> -> memref<512xi32, #tpu.memory_space<vmem>>
        %dma_start3A_82 = tpu.memref_slice %arg2[%add3A_42, %multiple_of3A_79] : memref<32x27136xi32, #tpu.memory_space<hbm>> -> memref<1x512xi32, #tpu.memory_space<hbm>>
        %dma_start3A_83 = tpu.memref_squeeze %dma_start3A_82 : memref<1x512xi32, #tpu.memory_space<hbm>> -> memref<512xi32, #tpu.memory_space<hbm>>
        %dma_start3A_84 = arith.constant 0 : i32
        %dma_start3A_85 = tpu.memref_slice %arg7[%add3A_42, %dma_start3A_84] : memref<32x512xi32, #tpu.memory_space<vmem>> -> memref<1x512xi32, #tpu.memory_space<vmem>>
        %dma_start3A_86 = tpu.memref_squeeze %dma_start3A_85 : memref<1x512xi32, #tpu.memory_space<vmem>> -> memref<512xi32, #tpu.memory_space<vmem>>
        %dma_start3A_87 = tpu.memref_slice %arg2[%add3A_42, %multiple_of3A_79] : memref<32x27136xi32, #tpu.memory_space<hbm>> -> memref<1x512xi32, #tpu.memory_space<hbm>>
        %dma_start3A_88 = tpu.memref_squeeze %dma_start3A_87 : memref<1x512xi32, #tpu.memory_space<hbm>> -> memref<512xi32, #tpu.memory_space<hbm>>
        tpu.enqueue_dma source(%dma_start3A_88 : memref<512xi32, #tpu.memory_space<hbm>>) target(%dma_start3A_86 : memref<512xi32, #tpu.memory_space<vmem>>) target_semaphore(%arg10 : memref<!tpu.dma_semaphore, #tpu.memory_space<semaphore_mem>>)
        %dma_start3A_89 = arith.constant 0 : i32
        %dma_start3A_90 = tpu.memref_slice %arg8[%add3A_42, %dma_start3A_89] : memref<32x512xf32, #tpu.memory_space<vmem>> -> memref<1x512xf32, #tpu.memory_space<vmem>>
        %dma_start3A_91 = tpu.memref_squeeze %dma_start3A_90 : memref<1x512xf32, #tpu.memory_space<vmem>> -> memref<512xf32, #tpu.memory_space<vmem>>
        %dma_start3A_92 = tpu.memref_slice %arg3[%add3A_42, %multiple_of3A_79] : memref<32x27136xf32, #tpu.memory_space<hbm>> -> memref<1x512xf32, #tpu.memory_space<hbm>>
        %dma_start3A_93 = tpu.memref_squeeze %dma_start3A_92 : memref<1x512xf32, #tpu.memory_space<hbm>> -> memref<512xf32, #tpu.memory_space<hbm>>
        %dma_start3A_94 = arith.constant 0 : i32
        %dma_start3A_95 = tpu.memref_slice %arg8[%add3A_42, %dma_start3A_94] : memref<32x512xf32, #tpu.memory_space<vmem>> -> memref<1x512xf32, #tpu.memory_space<vmem>>
        %dma_start3A_96 = tpu.memref_squeeze %dma_start3A_95 : memref<1x512xf32, #tpu.memory_space<vmem>> -> memref<512xf32, #tpu.memory_space<vmem>>
        %dma_start3A_97 = tpu.memref_slice %arg3[%add3A_42, %multiple_of3A_79] : memref<32x27136xf32, #tpu.memory_space<hbm>> -> memref<1x512xf32, #tpu.memory_space<hbm>>
        %dma_start3A_98 = tpu.memref_squeeze %dma_start3A_97 : memref<1x512xf32, #tpu.memory_space<hbm>> -> memref<512xf32, #tpu.memory_space<hbm>>
        tpu.enqueue_dma source(%dma_start3A_98 : memref<512xf32, #tpu.memory_space<hbm>>) target(%dma_start3A_96 : memref<512xf32, #tpu.memory_space<vmem>>) target_semaphore(%arg10 : memref<!tpu.dma_semaphore, #tpu.memory_space<semaphore_mem>>)
      }
      %scan3A_20 = arith.constant 32 : i32
      %scan3A_21 = arith.constant 0 : i32
      %scan3A_22 = arith.constant 256 : i32
      %scan3A_23 = arith.addi %scan3A_21, %scan3A_22 : i32
      %scan3A_24 = arith.constant 1 : i32
      scf.for %scan3A_38 = %scan3A_21 to %scan3A_23 step %scan3A_24  : i32 {
        %mul3A_39 = arith.constant 1 : i32
        %mul3A_40 = arith.muli %scan3A_38, %mul3A_39 : i32
        %add3A_41 = arith.constant 0 : i32
        %add3A_42 = arith.addi %add3A_41, %mul3A_40 : i32
        %mul3A_43 = arith.constant 256 : i32
        %mul3A_44 = arith.muli %add3A_42, %mul3A_43 : i32
        %add3A_45 = arith.constant 0 : i32
        %add3A_46 = arith.addi %mul3A_44, %add3A_45 : i32
        %swap3A = arith.index_cast %add3A_46 : i32 to index
        %swap3A_47 = tpu.vector_load %arg6[%swap3A] {strides = array<i32>} : memref<65536xf32, #tpu.memory_space<vmem>>, vector<16xf32>,
        tpu.vector_store %arg6[%swap3A], %broadcast_in_dim3A_1 {strides = array<i32>} : memref<65536xf32, #tpu.memory_space<vmem>>, vector<16xf32>,
        %mul3A_48 = arith.constant 256 : i32
        %mul3A_49 = arith.muli %add3A_42, %mul3A_48 : i32
        %add3A_50 = arith.constant 16 : i32
        %add3A_51 = arith.addi %mul3A_49, %add3A_50 : i32
        %swap3A_52 = arith.index_cast %add3A_51 : i32 to index
        %swap3A_53 = tpu.vector_load %arg6[%swap3A_52] {strides = array<i32>} : memref<65536xf32, #tpu.memory_space<vmem>>, vector<16xf32>,
        tpu.vector_store %arg6[%swap3A_52], %broadcast_in_dim3A_1 {strides = array<i32>} : memref<65536xf32, #tpu.memory_space<vmem>>, vector<16xf32>,
        %mul3A_54 = arith.constant 256 : i32
        %mul3A_55 = arith.muli %add3A_42, %mul3A_54 : i32
        %add3A_56 = arith.constant 32 : i32
        %add3A_57 = arith.addi %mul3A_55, %add3A_56 : i32
        %swap3A_58 = arith.index_cast %add3A_57 : i32 to index
        %swap3A_59 = tpu.vector_load %arg6[%swap3A_58] {strides = array<i32>} : memref<65536xf32, #tpu.memory_space<vmem>>, vector<16xf32>,
        tpu.vector_store %arg6[%swap3A_58], %broadcast_in_dim3A_1 {strides = array<i32>} : memref<65536xf32, #tpu.memory_space<vmem>>, vector<16xf32>,
        %mul3A_60 = arith.constant 256 : i32
        %mul3A_61 = arith.muli %add3A_42, %mul3A_60 : i32
        %add3A_62 = arith.constant 48 : i32
        %add3A_63 = arith.addi %mul3A_61, %add3A_62 : i32
        %swap3A_64 = arith.index_cast %add3A_63 : i32 to index
        %swap3A_65 = tpu.vector_load %arg6[%swap3A_64] {strides = array<i32>} : memref<65536xf32, #tpu.memory_space<vmem>>, vector<16xf32>,
        tpu.vector_store %arg6[%swap3A_64], %broadcast_in_dim3A_1 {strides = array<i32>} : memref<65536xf32, #tpu.memory_space<vmem>>, vector<16xf32>,
        %mul3A_66 = arith.constant 256 : i32
        %mul3A_67 = arith.muli %add3A_42, %mul3A_66 : i32
        %add3A_68 = arith.constant 64 : i32
        %add3A_69 = arith.addi %mul3A_67, %add3A_68 : i32
        %swap3A_70 = arith.index_cast %add3A_69 : i32 to index
        %swap3A_71 = tpu.vector_load %arg6[%swap3A_70] {strides = array<i32>} : memref<65536xf32, #tpu.memory_space<vmem>>, vector<16xf32>,
        tpu.vector_store %arg6[%swap3A_70], %broadcast_in_dim3A_1 {strides = array<i32>} : memref<65536xf32, #tpu.memory_space<vmem>>, vector<16xf32>,
        %mul3A_72 = arith.constant 256 : i32
        %mul3A_73 = arith.muli %add3A_42, %mul3A_72 : i32
        %add3A_74 = arith.constant 80 : i32
        %add3A_75 = arith.addi %mul3A_73, %add3A_74 : i32
        %swap3A_76 = arith.index_cast %add3A_75 : i32 to index
        %swap3A_77 = tpu.vector_load %arg6[%swap3A_76] {strides = array<i32>} : memref<65536xf32, #tpu.memory_space<vmem>>, vector<16xf32>,
        tpu.vector_store %arg6[%swap3A_76], %broadcast_in_dim3A_1 {strides = array<i32>} : memref<65536xf32, #tpu.memory_space<vmem>>, vector<16xf32>,
        %mul3A_78 = arith.constant 256 : i32
        %mul3A_79 = arith.muli %add3A_42, %mul3A_78 : i32
        %add3A_80 = arith.constant 96 : i32
        %add3A_81 = arith.addi %mul3A_79, %add3A_80 : i32
        %swap3A_82 = arith.index_cast %add3A_81 : i32 to index
        %swap3A_83 = tpu.vector_load %arg6[%swap3A_82] {strides = array<i32>} : memref<65536xf32, #tpu.memory_space<vmem>>, vector<16xf32>,
        tpu.vector_store %arg6[%swap3A_82], %broadcast_in_dim3A_1 {strides = array<i32>} : memref<65536xf32, #tpu.memory_space<vmem>>, vector<16xf32>,
        %mul3A_84 = arith.constant 256 : i32
        %mul3A_85 = arith.muli %add3A_42, %mul3A_84 : i32
        %add3A_86 = arith.constant 112 : i32
        %add3A_87 = arith.addi %mul3A_85, %add3A_86 : i32
        %swap3A_88 = arith.index_cast %add3A_87 : i32 to index
        %swap3A_89 = tpu.vector_load %arg6[%swap3A_88] {strides = array<i32>} : memref<65536xf32, #tpu.memory_space<vmem>>, vector<16xf32>,
        tpu.vector_store %arg6[%swap3A_88], %broadcast_in_dim3A_1 {strides = array<i32>} : memref<65536xf32, #tpu.memory_space<vmem>>, vector<16xf32>,
        %mul3A_90 = arith.constant 256 : i32
        %mul3A_91 = arith.muli %add3A_42, %mul3A_90 : i32
        %add3A_92 = arith.constant 128 : i32
        %add3A_93 = arith.addi %mul3A_91, %add3A_92 : i32
        %swap3A_94 = arith.index_cast %add3A_93 : i32 to index
        %swap3A_95 = tpu.vector_load %arg6[%swap3A_94] {strides = array<i32>} : memref<65536xf32, #tpu.memory_space<vmem>>, vector<16xf32>,
        tpu.vector_store %arg6[%swap3A_94], %broadcast_in_dim3A_1 {strides = array<i32>} : memref<65536xf32, #tpu.memory_space<vmem>>, vector<16xf32>,
        %mul3A_96 = arith.constant 256 : i32
        %mul3A_97 = arith.muli %add3A_42, %mul3A_96 : i32
        %add3A_98 = arith.constant 144 : i32
        %add3A_99 = arith.addi %mul3A_97, %add3A_98 : i32
        %swap3A_100 = arith.index_cast %add3A_99 : i32 to index
        %swap3A_101 = tpu.vector_load %arg6[%swap3A_100] {strides = array<i32>} : memref<65536xf32, #tpu.memory_space<vmem>>, vector<16xf32>,
        tpu.vector_store %arg6[%swap3A_100], %broadcast_in_dim3A_1 {strides = array<i32>} : memref<65536xf32, #tpu.memory_space<vmem>>, vector<16xf32>,
        %mul3A_102 = arith.constant 256 : i32
        %mul3A_103 = arith.muli %add3A_42, %mul3A_102 : i32
        %add3A_104 = arith.constant 160 : i32
        %add3A_105 = arith.addi %mul3A_103, %add3A_104 : i32
        %swap3A_106 = arith.index_cast %add3A_105 : i32 to index
        %swap3A_107 = tpu.vector_load %arg6[%swap3A_106] {strides = array<i32>} : memref<65536xf32, #tpu.memory_space<vmem>>, vector<16xf32>,
        tpu.vector_store %arg6[%swap3A_106], %broadcast_in_dim3A_1 {strides = array<i32>} : memref<65536xf32, #tpu.memory_space<vmem>>, vector<16xf32>,
        %mul3A_108 = arith.constant 256 : i32
        %mul3A_109 = arith.muli %add3A_42, %mul3A_108 : i32
        %add3A_110 = arith.constant 176 : i32
        %add3A_111 = arith.addi %mul3A_109, %add3A_110 : i32
        %swap3A_112 = arith.index_cast %add3A_111 : i32 to index
        %swap3A_113 = tpu.vector_load %arg6[%swap3A_112] {strides = array<i32>} : memref<65536xf32, #tpu.memory_space<vmem>>, vector<16xf32>,
        tpu.vector_store %arg6[%swap3A_112], %broadcast_in_dim3A_1 {strides = array<i32>} : memref<65536xf32, #tpu.memory_space<vmem>>, vector<16xf32>,
        %mul3A_114 = arith.constant 256 : i32
        %mul3A_115 = arith.muli %add3A_42, %mul3A_114 : i32
        %add3A_116 = arith.constant 192 : i32
        %add3A_117 = arith.addi %mul3A_115, %add3A_116 : i32
        %swap3A_118 = arith.index_cast %add3A_117 : i32 to index
        %swap3A_119 = tpu.vector_load %arg6[%swap3A_118] {strides = array<i32>} : memref<65536xf32, #tpu.memory_space<vmem>>, vector<16xf32>,
        tpu.vector_store %arg6[%swap3A_118], %broadcast_in_dim3A_1 {strides = array<i32>} : memref<65536xf32, #tpu.memory_space<vmem>>, vector<16xf32>,
        %mul3A_120 = arith.constant 256 : i32
        %mul3A_121 = arith.muli %add3A_42, %mul3A_120 : i32
        %add3A_122 = arith.constant 208 : i32
        %add3A_123 = arith.addi %mul3A_121, %add3A_122 : i32
        %swap3A_124 = arith.index_cast %add3A_123 : i32 to index
        %swap3A_125 = tpu.vector_load %arg6[%swap3A_124] {strides = array<i32>} : memref<65536xf32, #tpu.memory_space<vmem>>, vector<16xf32>,
        tpu.vector_store %arg6[%swap3A_124], %broadcast_in_dim3A_1 {strides = array<i32>} : memref<65536xf32, #tpu.memory_space<vmem>>, vector<16xf32>,
        %mul3A_126 = arith.constant 256 : i32
        %mul3A_127 = arith.muli %add3A_42, %mul3A_126 : i32
        %add3A_128 = arith.constant 224 : i32
        %add3A_129 = arith.addi %mul3A_127, %add3A_128 : i32
        %swap3A_130 = arith.index_cast %add3A_129 : i32 to index
        %swap3A_131 = tpu.vector_load %arg6[%swap3A_130] {strides = array<i32>} : memref<65536xf32, #tpu.memory_space<vmem>>, vector<16xf32>,
        tpu.vector_store %arg6[%swap3A_130], %broadcast_in_dim3A_1 {strides = array<i32>} : memref<65536xf32, #tpu.memory_space<vmem>>, vector<16xf32>,
        %mul3A_132 = arith.constant 256 : i32
        %mul3A_133 = arith.muli %add3A_42, %mul3A_132 : i32
        %add3A_134 = arith.constant 240 : i32
        %add3A_135 = arith.addi %mul3A_133, %add3A_134 : i32
        %swap3A_136 = arith.index_cast %add3A_135 : i32 to index
        %swap3A_137 = tpu.vector_load %arg6[%swap3A_136] {strides = array<i32>} : memref<65536xf32, #tpu.memory_space<vmem>>, vector<16xf32>,
        tpu.vector_store %arg6[%swap3A_136], %broadcast_in_dim3A_1 {strides = array<i32>} : memref<65536xf32, #tpu.memory_space<vmem>>, vector<16xf32>,
      }
      %scan3A_25 = arith.constant 256 : i32
      %scan3A_26 = arith.constant 0 : i32
      %scan3A_27 = arith.constant 32 : i32
      %scan3A_28 = arith.addi %scan3A_26, %scan3A_27 : i32
      %scan3A_29 = arith.constant 1 : i32
      scf.for %scan3A_38 = %scan3A_26 to %scan3A_28 step %scan3A_29  : i32 {
        %mul3A_39 = arith.constant 1 : i32
        %mul3A_40 = arith.muli %scan3A_38, %mul3A_39 : i32
        %add3A_41 = arith.constant 0 : i32
        %add3A_42 = arith.addi %add3A_41, %mul3A_40 : i32
        %dma_wait3A = arith.constant 0 : i32
        %dma_wait3A_43 = arith.constant 0 : i32
        %dma_wait3A_44 = tpu.memref_slice %arg7[%add3A_42, %dma_wait3A_43] : memref<32x512xi32, #tpu.memory_space<vmem>> -> memref<1x512xi32, #tpu.memory_space<vmem>>
        %dma_wait3A_45 = tpu.memref_squeeze %dma_wait3A_44 : memref<1x512xi32, #tpu.memory_space<vmem>> -> memref<512xi32, #tpu.memory_space<vmem>>
        %dma_wait3A_46 = arith.constant 0 : i32
        %dma_wait3A_47 = tpu.memref_slice %arg2[%dma_wait3A, %dma_wait3A_46] : memref<32x27136xi32, #tpu.memory_space<hbm>> -> memref<1x512xi32, #tpu.memory_space<hbm>>
        %dma_wait3A_48 = tpu.memref_squeeze %dma_wait3A_47 : memref<1x512xi32, #tpu.memory_space<hbm>> -> memref<512xi32, #tpu.memory_space<hbm>>
        %dma_wait3A_49 = arith.constant 0 : i32
        %dma_wait3A_50 = tpu.memref_slice %arg7[%add3A_42, %dma_wait3A_49] : memref<32x512xi32, #tpu.memory_space<vmem>> -> memref<1x512xi32, #tpu.memory_space<vmem>>
        %dma_wait3A_51 = tpu.memref_squeeze %dma_wait3A_50 : memref<1x512xi32, #tpu.memory_space<vmem>> -> memref<512xi32, #tpu.memory_space<vmem>>
        %dma_wait3A_52 = arith.constant 0 : i32
        %dma_wait3A_53 = tpu.memref_slice %arg2[%dma_wait3A, %dma_wait3A_52] : memref<32x27136xi32, #tpu.memory_space<hbm>> -> memref<1x512xi32, #tpu.memory_space<hbm>>
        %dma_wait3A_54 = tpu.memref_squeeze %dma_wait3A_53 : memref<1x512xi32, #tpu.memory_space<hbm>> -> memref<512xi32, #tpu.memory_space<hbm>>
        tpu.wait_dma2 semaphore(%arg10 : memref<!tpu.dma_semaphore, #tpu.memory_space<semaphore_mem>>) src(%dma_wait3A_54 : memref<512xi32, #tpu.memory_space<hbm>>) dst(%dma_wait3A_51 : memref<512xi32, #tpu.memory_space<vmem>>)
        %dma_wait3A_55 = arith.constant 0 : i32
        %dma_wait3A_56 = arith.constant 0 : i32
        %dma_wait3A_57 = tpu.memref_slice %arg8[%add3A_42, %dma_wait3A_56] : memref<32x512xf32, #tpu.memory_space<vmem>> -> memref<1x512xf32, #tpu.memory_space<vmem>>
        %dma_wait3A_58 = tpu.memref_squeeze %dma_wait3A_57 : memref<1x512xf32, #tpu.memory_space<vmem>> -> memref<512xf32, #tpu.memory_space<vmem>>
        %dma_wait3A_59 = arith.constant 0 : i32
        %dma_wait3A_60 = tpu.memref_slice %arg3[%dma_wait3A_55, %dma_wait3A_59] : memref<32x27136xf32, #tpu.memory_space<hbm>> -> memref<1x512xf32, #tpu.memory_space<hbm>>
        %dma_wait3A_61 = tpu.memref_squeeze %dma_wait3A_60 : memref<1x512xf32, #tpu.memory_space<hbm>> -> memref<512xf32, #tpu.memory_space<hbm>>
        %dma_wait3A_62 = arith.constant 0 : i32
        %dma_wait3A_63 = tpu.memref_slice %arg8[%add3A_42, %dma_wait3A_62] : memref<32x512xf32, #tpu.memory_space<vmem>> -> memref<1x512xf32, #tpu.memory_space<vmem>>
        %dma_wait3A_64 = tpu.memref_squeeze %dma_wait3A_63 : memref<1x512xf32, #tpu.memory_space<vmem>> -> memref<512xf32, #tpu.memory_space<vmem>>
        %dma_wait3A_65 = arith.constant 0 : i32
        %dma_wait3A_66 = tpu.memref_slice %arg3[%dma_wait3A_55, %dma_wait3A_65] : memref<32x27136xf32, #tpu.memory_space<hbm>> -> memref<1x512xf32, #tpu.memory_space<hbm>>
        %dma_wait3A_67 = tpu.memref_squeeze %dma_wait3A_66 : memref<1x512xf32, #tpu.memory_space<hbm>> -> memref<512xf32, #tpu.memory_space<hbm>>
        tpu.wait_dma2 semaphore(%arg10 : memref<!tpu.dma_semaphore, #tpu.memory_space<semaphore_mem>>) src(%dma_wait3A_67 : memref<512xf32, #tpu.memory_space<hbm>>) dst(%dma_wait3A_64 : memref<512xf32, #tpu.memory_space<vmem>>)
      }
      %scan3A_30 = arith.constant 32 : i32
      %scan3A_31 = arith.constant 0 : i32
      %scan3A_32 = arith.constant 32 : i32
      %scan3A_33 = arith.addi %scan3A_31, %scan3A_32 : i32
      %scan3A_34 = arith.constant 1 : i32
      scf.for %scan3A_38 = %scan3A_31 to %scan3A_33 step %scan3A_34  : i32 {
        %mul3A_39 = arith.constant 1 : i32
        %mul3A_40 = arith.muli %scan3A_38, %mul3A_39 : i32
        %add3A_41 = arith.constant 0 : i32
        %add3A_42 = arith.addi %add3A_41, %mul3A_40 : i32
        %and3A = arith.constant -16 : i32
        %and3A_43 = arith.andi %min3A_15, %and3A : i32
        %multiple_of3A_44 = tpu.assume_multiple %and3A_43, 8 : i32
        %get3A = arith.index_cast %add3A_42 : i32 to index
        %get3A_45 = arith.index_cast %multiple_of3A_44 : i32 to index
        %get3A_46 = tpu.vector_load %arg9[%get3A, %get3A_45] {strides = array<i32>} : memref<32x272xi32, #tpu.memory_space<vmem>>, vector<16xi32>,
        %sub3A = arith.subi %min3A_15, %multiple_of3A_44 : i32
        %eq3A = vector.broadcast %sub3A : i32 to vector<16xi32>
        %eq3A_47 = arith.cmpi eq, %iota3A, %eq3A : vector<16xi32>
        %broadcast_in_dim3A_48 = vector.broadcast %scan3A : i32 to vector<16xi32>
        %select_n3A = arith.select %eq3A_47, %get3A_46, %broadcast_in_dim3A_48 : vector<16xi1>, vector<16xi32>
        %reduce_max3A = arith.constant true
        %reduce_max3A_49 = vector.broadcast %reduce_max3A : i1 to vector<16xi1>
        %reduce_max3A_50 = arith.constant -2147483648 : i32
        %reduce_max3A_51 = vector.broadcast %reduce_max3A_50 : i32 to vector<16xi32>
        %reduce_max3A_52 = arith.xori %select_n3A, %reduce_max3A_51 : vector<16xi32>
        %reduce_max3A_53 = tpu.scan <max>, %reduce_max3A_52 masked %reduce_max3A_49 : vector<16xi32>, vector<16xi1> -> vector<16xi32>
        %reduce_max3A_54 = arith.xori %reduce_max3A_53, %reduce_max3A_51 : vector<16xi32>
        %reduce_max3A_55 = vector.extract %reduce_max3A_54[15] : i32 from vector<16xi32>
        %add3A_56 = arith.constant 1 : i32
        %add3A_57 = arith.addi %min3A_15, %add3A_56 : i32
        %and3A_58 = arith.constant -16 : i32
        %and3A_59 = arith.andi %add3A_57, %and3A_58 : i32
        %multiple_of3A_60 = tpu.assume_multiple %and3A_59, 8 : i32
        %get3A_61 = arith.index_cast %add3A_42 : i32 to index
        %get3A_62 = arith.index_cast %multiple_of3A_60 : i32 to index
        %get3A_63 = tpu.vector_load %arg9[%get3A_61, %get3A_62] {strides = array<i32>} : memref<32x272xi32, #tpu.memory_space<vmem>>, vector<16xi32>,
        %sub3A_64 = arith.subi %add3A_57, %multiple_of3A_60 : i32
        %eq3A_65 = vector.broadcast %sub3A_64 : i32 to vector<16xi32>
        %eq3A_66 = arith.cmpi eq, %iota3A, %eq3A_65 : vector<16xi32>
        %broadcast_in_dim3A_67 = vector.broadcast %scan3A : i32 to vector<16xi32>
        %select_n3A_68 = arith.select %eq3A_66, %get3A_63, %broadcast_in_dim3A_67 : vector<16xi1>, vector<16xi32>
        %reduce_max3A_69 = arith.constant true
        %reduce_max3A_70 = vector.broadcast %reduce_max3A_69 : i1 to vector<16xi1>
        %reduce_max3A_71 = arith.constant -2147483648 : i32
        %reduce_max3A_72 = vector.broadcast %reduce_max3A_71 : i32 to vector<16xi32>
        %reduce_max3A_73 = arith.xori %select_n3A_68, %reduce_max3A_72 : vector<16xi32>
        %reduce_max3A_74 = tpu.scan <max>, %reduce_max3A_73 masked %reduce_max3A_70 : vector<16xi32>, vector<16xi1> -> vector<16xi32>
        %reduce_max3A_75 = arith.xori %reduce_max3A_74, %reduce_max3A_72 : vector<16xi32>
        %reduce_max3A_76 = vector.extract %reduce_max3A_75[15] : i32 from vector<16xi32>
        %and3A_77 = arith.constant -512 : i32
        %and3A_78 = arith.andi %reduce_max3A_55, %and3A_77 : i32
        %multiple_of3A_79 = tpu.assume_multiple %and3A_78, 512 : i32
        %gt3A = arith.cmpi sgt, %reduce_max3A_76, %reduce_max3A_55 : i32
        %lt3A = arith.constant 256 : i32
        %lt3A_80 = arith.cmpi slt, %add3A_14, %lt3A : i32
        %and3A_81 = arith.andi %gt3A, %lt3A_80 : i1
        %convert_element_type3A = arith.extui %and3A_81 : i1 to i32
        %cond3A = arith.constant 0 : i32
        %cond3A_82 = arith.cmpi ne, %convert_element_type3A, %cond3A : i32
        scf.if %cond3A_82 {
          %scan3A_83 = arith.constant 0 : i32
          %scan3A_84 = arith.constant 32 : i32
          %scan3A_85 = arith.addi %scan3A_83, %scan3A_84 : i32
          %scan3A_86 = arith.constant 1 : i32
          scf.for %scan3A_90 = %scan3A_83 to %scan3A_85 step %scan3A_86  : i32 {
            %mul3A_91 = arith.constant 1 : i32
            %mul3A_92 = arith.muli %scan3A_90, %mul3A_91 : i32
            %add3A_93 = arith.constant 0 : i32
            %add3A_94 = arith.addi %add3A_93, %mul3A_92 : i32
            %mul3A_95 = arith.constant 16 : i32
            %mul3A_96 = arith.muli %add3A_94, %mul3A_95 : i32
            %add3A_97 = arith.addi %multiple_of3A_79, %mul3A_96 : i32
            %add3A_98 = vector.broadcast %add3A_97 : i32 to vector<16xi32>
            %add3A_99 = arith.addi %add3A_98, %iota3A : vector<16xi32>
            %ge3A = vector.broadcast %reduce_max3A_55 : i32 to vector<16xi32>
            %ge3A_100 = arith.cmpi sge, %add3A_99, %ge3A : vector<16xi32>
            %lt3A_101 = vector.broadcast %reduce_max3A_76 : i32 to vector<16xi32>
            %lt3A_102 = arith.cmpi slt, %add3A_99, %lt3A_101 : vector<16xi32>
            %and3A_103 = arith.andi %ge3A_100, %lt3A_102 : vector<16xi1>
            %mul3A_104 = arith.constant 16 : i32
            %mul3A_105 = arith.muli %add3A_94, %mul3A_104 : i32
            %get3A_106 = arith.index_cast %add3A_42 : i32 to index
            %get3A_107 = arith.index_cast %mul3A_105 : i32 to index
            %get3A_108 = tpu.vector_load %arg7[%get3A_106, %get3A_107] {strides = array<i32>} : memref<32x512xi32, #tpu.memory_space<vmem>>, vector<16xi32>,
            %mul3A_109 = arith.constant 16 : i32
            %mul3A_110 = arith.muli %add3A_94, %mul3A_109 : i32
            %get3A_111 = arith.index_cast %add3A_42 : i32 to index
            %get3A_112 = arith.index_cast %mul3A_110 : i32 to index
            %get3A_113 = tpu.vector_load %arg8[%get3A_111, %get3A_112] {strides = array<i32>} : memref<32x512xf32, #tpu.memory_space<vmem>>, vector<16xf32>,
            tpu.vector_store_idx %arg6[%get3A_108], %get3A_113 masked %and3A_103 {add = true} : memref<65536xf32, #tpu.memory_space<vmem>>[vector<16xi32>], vector<16xf32>, vector<16xi1>
          }
          %scan3A_87 = arith.constant 32 : i32
          %add3A_88 = arith.constant 512 : i32
          %add3A_89 = arith.addi %multiple_of3A_79, %add3A_88 : i32
          %while3A = scf.while (%while3A_90 = %add3A_89) : (i32) -> i32 {
            %lt3A_91 = arith.cmpi slt, %while3A_90, %reduce_max3A_76 : i32
            scf.condition(%lt3A_91) %while3A_90 : i32
          } do {
          ^bb0(%while3A_90: i32):
            %multiple_of3A_91 = tpu.assume_multiple %while3A_90, 512 : i32
            "tpu.region"() ({
              %run_scoped3A = tpu.sem_alloc : memref<!tpu.dma_semaphore, #tpu.memory_space<semaphore_mem>>
              %dma_start3A = arith.constant 0 : i32
              %dma_start3A_99 = tpu.memref_slice %arg7[%add3A_42, %dma_start3A] : memref<32x512xi32, #tpu.memory_space<vmem>> -> memref<1x512xi32, #tpu.memory_space<vmem>>
              %dma_start3A_100 = tpu.memref_squeeze %dma_start3A_99 : memref<1x512xi32, #tpu.memory_space<vmem>> -> memref<512xi32, #tpu.memory_space<vmem>>
              %dma_start3A_101 = tpu.memref_slice %arg2[%add3A_42, %multiple_of3A_91] : memref<32x27136xi32, #tpu.memory_space<hbm>> -> memref<1x512xi32, #tpu.memory_space<hbm>>
              %dma_start3A_102 = tpu.memref_squeeze %dma_start3A_101 : memref<1x512xi32, #tpu.memory_space<hbm>> -> memref<512xi32, #tpu.memory_space<hbm>>
              %dma_start3A_103 = arith.constant 0 : i32
              %dma_start3A_104 = tpu.memref_slice %arg7[%add3A_42, %dma_start3A_103] : memref<32x512xi32, #tpu.memory_space<vmem>> -> memref<1x512xi32, #tpu.memory_space<vmem>>
              %dma_start3A_105 = tpu.memref_squeeze %dma_start3A_104 : memref<1x512xi32, #tpu.memory_space<vmem>> -> memref<512xi32, #tpu.memory_space<vmem>>
              %dma_start3A_106 = tpu.memref_slice %arg2[%add3A_42, %multiple_of3A_91] : memref<32x27136xi32, #tpu.memory_space<hbm>> -> memref<1x512xi32, #tpu.memory_space<hbm>>
              %dma_start3A_107 = tpu.memref_squeeze %dma_start3A_106 : memref<1x512xi32, #tpu.memory_space<hbm>> -> memref<512xi32, #tpu.memory_space<hbm>>
              tpu.enqueue_dma source(%dma_start3A_107 : memref<512xi32, #tpu.memory_space<hbm>>) target(%dma_start3A_105 : memref<512xi32, #tpu.memory_space<vmem>>) target_semaphore(%run_scoped3A : memref<!tpu.dma_semaphore, #tpu.memory_space<semaphore_mem>>)
              %dma_wait3A = arith.constant 0 : i32
              %dma_wait3A_108 = tpu.memref_slice %arg7[%add3A_42, %dma_wait3A] : memref<32x512xi32, #tpu.memory_space<vmem>> -> memref<1x512xi32, #tpu.memory_space<vmem>>
              %dma_wait3A_109 = tpu.memref_squeeze %dma_wait3A_108 : memref<1x512xi32, #tpu.memory_space<vmem>> -> memref<512xi32, #tpu.memory_space<vmem>>
              %dma_wait3A_110 = tpu.memref_slice %arg2[%add3A_42, %multiple_of3A_91] : memref<32x27136xi32, #tpu.memory_space<hbm>> -> memref<1x512xi32, #tpu.memory_space<hbm>>
              %dma_wait3A_111 = tpu.memref_squeeze %dma_wait3A_110 : memref<1x512xi32, #tpu.memory_space<hbm>> -> memref<512xi32, #tpu.memory_space<hbm>>
              %dma_wait3A_112 = arith.constant 0 : i32
              %dma_wait3A_113 = tpu.memref_slice %arg7[%add3A_42, %dma_wait3A_112] : memref<32x512xi32, #tpu.memory_space<vmem>> -> memref<1x512xi32, #tpu.memory_space<vmem>>
              %dma_wait3A_114 = tpu.memref_squeeze %dma_wait3A_113 : memref<1x512xi32, #tpu.memory_space<vmem>> -> memref<512xi32, #tpu.memory_space<vmem>>
              %dma_wait3A_115 = tpu.memref_slice %arg2[%add3A_42, %multiple_of3A_91] : memref<32x27136xi32, #tpu.memory_space<hbm>> -> memref<1x512xi32, #tpu.memory_space<hbm>>
              %dma_wait3A_116 = tpu.memref_squeeze %dma_wait3A_115 : memref<1x512xi32, #tpu.memory_space<hbm>> -> memref<512xi32, #tpu.memory_space<hbm>>
              tpu.wait_dma2 semaphore(%run_scoped3A : memref<!tpu.dma_semaphore, #tpu.memory_space<semaphore_mem>>) src(%dma_wait3A_116 : memref<512xi32, #tpu.memory_space<hbm>>) dst(%dma_wait3A_114 : memref<512xi32, #tpu.memory_space<vmem>>)
              tpu.yield
            }) : () -> ()
            "tpu.region"() ({
              %run_scoped3A = tpu.sem_alloc : memref<!tpu.dma_semaphore, #tpu.memory_space<semaphore_mem>>
              %dma_start3A = arith.constant 0 : i32
              %dma_start3A_99 = tpu.memref_slice %arg8[%add3A_42, %dma_start3A] : memref<32x512xf32, #tpu.memory_space<vmem>> -> memref<1x512xf32, #tpu.memory_space<vmem>>
              %dma_start3A_100 = tpu.memref_squeeze %dma_start3A_99 : memref<1x512xf32, #tpu.memory_space<vmem>> -> memref<512xf32, #tpu.memory_space<vmem>>
              %dma_start3A_101 = tpu.memref_slice %arg3[%add3A_42, %multiple_of3A_91] : memref<32x27136xf32, #tpu.memory_space<hbm>> -> memref<1x512xf32, #tpu.memory_space<hbm>>
              %dma_start3A_102 = tpu.memref_squeeze %dma_start3A_101 : memref<1x512xf32, #tpu.memory_space<hbm>> -> memref<512xf32, #tpu.memory_space<hbm>>
              %dma_start3A_103 = arith.constant 0 : i32
              %dma_start3A_104 = tpu.memref_slice %arg8[%add3A_42, %dma_start3A_103] : memref<32x512xf32, #tpu.memory_space<vmem>> -> memref<1x512xf32, #tpu.memory_space<vmem>>
              %dma_start3A_105 = tpu.memref_squeeze %dma_start3A_104 : memref<1x512xf32, #tpu.memory_space<vmem>> -> memref<512xf32, #tpu.memory_space<vmem>>
              %dma_start3A_106 = tpu.memref_slice %arg3[%add3A_42, %multiple_of3A_91] : memref<32x27136xf32, #tpu.memory_space<hbm>> -> memref<1x512xf32, #tpu.memory_space<hbm>>
              %dma_start3A_107 = tpu.memref_squeeze %dma_start3A_106 : memref<1x512xf32, #tpu.memory_space<hbm>> -> memref<512xf32, #tpu.memory_space<hbm>>
              tpu.enqueue_dma source(%dma_start3A_107 : memref<512xf32, #tpu.memory_space<hbm>>) target(%dma_start3A_105 : memref<512xf32, #tpu.memory_space<vmem>>) target_semaphore(%run_scoped3A : memref<!tpu.dma_semaphore, #tpu.memory_space<semaphore_mem>>)
              %dma_wait3A = arith.constant 0 : i32
              %dma_wait3A_108 = tpu.memref_slice %arg8[%add3A_42, %dma_wait3A] : memref<32x512xf32, #tpu.memory_space<vmem>> -> memref<1x512xf32, #tpu.memory_space<vmem>>
              %dma_wait3A_109 = tpu.memref_squeeze %dma_wait3A_108 : memref<1x512xf32, #tpu.memory_space<vmem>> -> memref<512xf32, #tpu.memory_space<vmem>>
              %dma_wait3A_110 = tpu.memref_slice %arg3[%add3A_42, %multiple_of3A_91] : memref<32x27136xf32, #tpu.memory_space<hbm>> -> memref<1x512xf32, #tpu.memory_space<hbm>>
              %dma_wait3A_111 = tpu.memref_squeeze %dma_wait3A_110 : memref<1x512xf32, #tpu.memory_space<hbm>> -> memref<512xf32, #tpu.memory_space<hbm>>
              %dma_wait3A_112 = arith.constant 0 : i32
              %dma_wait3A_113 = tpu.memref_slice %arg8[%add3A_42, %dma_wait3A_112] : memref<32x512xf32, #tpu.memory_space<vmem>> -> memref<1x512xf32, #tpu.memory_space<vmem>>
              %dma_wait3A_114 = tpu.memref_squeeze %dma_wait3A_113 : memref<1x512xf32, #tpu.memory_space<vmem>> -> memref<512xf32, #tpu.memory_space<vmem>>
              %dma_wait3A_115 = tpu.memref_slice %arg3[%add3A_42, %multiple_of3A_91] : memref<32x27136xf32, #tpu.memory_space<hbm>> -> memref<1x512xf32, #tpu.memory_space<hbm>>
              %dma_wait3A_116 = tpu.memref_squeeze %dma_wait3A_115 : memref<1x512xf32, #tpu.memory_space<hbm>> -> memref<512xf32, #tpu.memory_space<hbm>>
              tpu.wait_dma2 semaphore(%run_scoped3A : memref<!tpu.dma_semaphore, #tpu.memory_space<semaphore_mem>>) src(%dma_wait3A_116 : memref<512xf32, #tpu.memory_space<hbm>>) dst(%dma_wait3A_114 : memref<512xf32, #tpu.memory_space<vmem>>)
              tpu.yield
            }) : () -> ()
            %scan3A_92 = arith.constant 0 : i32
            %scan3A_93 = arith.constant 32 : i32
            %scan3A_94 = arith.addi %scan3A_92, %scan3A_93 : i32
            %scan3A_95 = arith.constant 1 : i32
            scf.for %scan3A_99 = %scan3A_92 to %scan3A_94 step %scan3A_95  : i32 {
              %mul3A_100 = arith.constant 1 : i32
              %mul3A_101 = arith.muli %scan3A_99, %mul3A_100 : i32
              %add3A_102 = arith.constant 0 : i32
              %add3A_103 = arith.addi %add3A_102, %mul3A_101 : i32
              %mul3A_104 = arith.constant 16 : i32
              %mul3A_105 = arith.muli %add3A_103, %mul3A_104 : i32
              %add3A_106 = arith.addi %while3A_90, %mul3A_105 : i32
              %add3A_107 = vector.broadcast %add3A_106 : i32 to vector<16xi32>
              %add3A_108 = arith.addi %add3A_107, %iota3A : vector<16xi32>
              %lt3A_109 = vector.broadcast %reduce_max3A_76 : i32 to vector<16xi32>
              %lt3A_110 = arith.cmpi slt, %add3A_108, %lt3A_109 : vector<16xi32>
              %mul3A_111 = arith.constant 16 : i32
              %mul3A_112 = arith.muli %add3A_103, %mul3A_111 : i32
              %get3A_113 = arith.index_cast %add3A_42 : i32 to index
              %get3A_114 = arith.index_cast %mul3A_112 : i32 to index
              %get3A_115 = tpu.vector_load %arg7[%get3A_113, %get3A_114] {strides = array<i32>} : memref<32x512xi32, #tpu.memory_space<vmem>>, vector<16xi32>,
              %mul3A_116 = arith.constant 16 : i32
              %mul3A_117 = arith.muli %add3A_103, %mul3A_116 : i32
              %get3A_118 = arith.index_cast %add3A_42 : i32 to index
              %get3A_119 = arith.index_cast %mul3A_117 : i32 to index
              %get3A_120 = tpu.vector_load %arg8[%get3A_118, %get3A_119] {strides = array<i32>} : memref<32x512xf32, #tpu.memory_space<vmem>>, vector<16xf32>,
              tpu.vector_store_idx %arg6[%get3A_115], %get3A_120 masked %lt3A_110 {add = true} : memref<65536xf32, #tpu.memory_space<vmem>>[vector<16xi32>], vector<16xf32>, vector<16xi1>
            }
            %scan3A_96 = arith.constant 32 : i32
            %add3A_97 = arith.constant 512 : i32
            %add3A_98 = arith.addi %while3A_90, %add3A_97 : i32
            scf.yield %add3A_98 : i32
          }
        } else {
        }
      }
      %scan3A_35 = arith.constant 32 : i32
      %mul3A_36 = arith.constant 65536 : i32
      %mul3A_37 = arith.muli %add3A_14, %mul3A_36 : i32
      %multiple_of3A = tpu.assume_multiple %mul3A_37, 8 : i32
      "tpu.region"() ({
        %run_scoped3A = tpu.sem_alloc : memref<!tpu.dma_semaphore, #tpu.memory_space<semaphore_mem>>
        %dma_start3A = tpu.memref_slice %arg5[%multiple_of3A] : memref<16777216xf32, #tpu.memory_space<hbm>> -> memref<65536xf32, #tpu.memory_space<hbm>>
        %dma_start3A_38 = tpu.memref_slice %arg5[%multiple_of3A] : memref<16777216xf32, #tpu.memory_space<hbm>> -> memref<65536xf32, #tpu.memory_space<hbm>>
        tpu.enqueue_dma source(%arg6 : memref<65536xf32, #tpu.memory_space<vmem>>) target(%dma_start3A_38 : memref<65536xf32, #tpu.memory_space<hbm>>) target_semaphore(%run_scoped3A : memref<!tpu.dma_semaphore, #tpu.memory_space<semaphore_mem>>)
        %dma_wait3A = tpu.memref_slice %arg5[%multiple_of3A] : memref<16777216xf32, #tpu.memory_space<hbm>> -> memref<65536xf32, #tpu.memory_space<hbm>>
        %dma_wait3A_39 = tpu.memref_slice %arg5[%multiple_of3A] : memref<16777216xf32, #tpu.memory_space<hbm>> -> memref<65536xf32, #tpu.memory_space<hbm>>
        tpu.wait_dma2 semaphore(%run_scoped3A : memref<!tpu.dma_semaphore, #tpu.memory_space<semaphore_mem>>) src(%arg6 : memref<65536xf32, #tpu.memory_space<vmem>>) dst(%dma_wait3A_39 : memref<65536xf32, #tpu.memory_space<hbm>>)
        tpu.yield
      }) : () -> ()
    }
    %scan3A_6 = arith.constant 8 : i32
    return
  }
}

#map = affine_map<(d0, d1) -> (0)>
#map1 = affine_map<(d0, d1) -> (0, 0)>
module attributes {stable_mosaic.version = 14 : i64} {
  func.func @bin_kernel(%arg0: i32, %arg1: i32, %arg2: memref<851968xi32, #tpu.memory_space<hbm>>, %arg3: memref<851968xi32, #tpu.memory_space<hbm>>, %arg4: memref<851968xf32, #tpu.memory_space<hbm>>, %arg5: memref<32x27136xi32, #tpu.memory_space<hbm>>, %arg6: memref<32x27136xf32, #tpu.memory_space<hbm>>, %arg7: memref<32x272xi32, #tpu.memory_space<hbm>>, %arg8: memref<1024xi32, #tpu.memory_space<vmem>>, %arg9: memref<1024xi32, #tpu.memory_space<vmem>>, %arg10: memref<1024xf32, #tpu.memory_space<vmem>>, %arg11: memref<1024xi32, #tpu.memory_space<vmem>>, %arg12: memref<1024xi32, #tpu.memory_space<vmem>>, %arg13: memref<1024xf32, #tpu.memory_space<vmem>>, %arg14: memref<272xi32, #tpu.memory_space<vmem>>, %arg15: memref<272xi32, #tpu.memory_space<vmem>>, %arg16: memref<272xi32, #tpu.memory_space<vmem>>, %arg17: memref<272xi32, #tpu.memory_space<vmem>>, %arg18: memref<272xi32, #tpu.memory_space<vmem>>, %arg19: memref<272xi32, #tpu.memory_space<vmem>>, %arg20: memref<272xi32, #tpu.memory_space<vmem>>, %arg21: memref<272xi32, #tpu.memory_space<vmem>>, %arg22: memref<272xi32, #tpu.memory_space<vmem>>, %arg23: memref<27136xi32, #tpu.memory_space<vmem>>, %arg24: memref<27136xf32, #tpu.memory_space<vmem>>, %arg25: memref<!tpu.dma_semaphore, #tpu.memory_space<semaphore_mem>>, %arg26: memref<!tpu.dma_semaphore, #tpu.memory_space<semaphore_mem>>) attributes {dimension_semantics = [#tpu.dimension_semantics<core_parallel>, #tpu.dimension_semantics<subcore_parallel>], iteration_bounds = array<i64: 2, 16>, scalar_prefetch = 0 : i64, scratch_operands = 19 : i64, tpu.core_type = #tpu.core_type<sc_vector_subcore>, window_params = [{transform_indices = #map}, {transform_indices = #map}, {transform_indices = #map}, {transform_indices = #map1}, {transform_indices = #map1}, {transform_indices = #map1}]} {
    %mul3A = arith.constant 2 : i32
    %mul3A_0 = arith.muli %arg1, %mul3A : i32
    %add3A = arith.addi %mul3A_0, %arg0 : i32
    %mul3A_1 = arith.constant 26624 : i32
    %mul3A_2 = arith.muli %add3A, %mul3A_1 : i32
    %broadcast_in_dim3A = arith.constant 0 : i32
    %broadcast_in_dim3A_3 = vector.broadcast %broadcast_in_dim3A : i32 to vector<16xi32>
    %scan3A = arith.constant 0 : i32
    %scan3A_4 = arith.constant 17 : i32
    %scan3A_5 = arith.addi %scan3A, %scan3A_4 : i32
    %scan3A_6 = arith.constant 1 : i32
    scf.for %scan3A_52 = %scan3A to %scan3A_5 step %scan3A_6  : i32 {
      %mul3A_53 = arith.constant 1 : i32
      %mul3A_54 = arith.muli %scan3A_52, %mul3A_53 : i32
      %add3A_55 = arith.constant 0 : i32
      %add3A_56 = arith.addi %add3A_55, %mul3A_54 : i32
      %mul3A_57 = arith.constant 16 : i32
      %mul3A_58 = arith.muli %add3A_56, %mul3A_57 : i32
      %swap3A = arith.index_cast %mul3A_58 : i32 to index
      %swap3A_59 = tpu.vector_load %arg14[%swap3A] {strides = array<i32>} : memref<272xi32, #tpu.memory_space<vmem>>, vector<16xi32>,
      tpu.vector_store %arg14[%swap3A], %broadcast_in_dim3A_3 {strides = array<i32>} : memref<272xi32, #tpu.memory_space<vmem>>, vector<16xi32>,
      %mul3A_60 = arith.constant 16 : i32
      %mul3A_61 = arith.muli %add3A_56, %mul3A_60 : i32
      %swap3A_62 = arith.index_cast %mul3A_61 : i32 to index
      %swap3A_63 = tpu.vector_load %arg15[%swap3A_62] {strides = array<i32>} : memref<272xi32, #tpu.memory_space<vmem>>, vector<16xi32>,
      tpu.vector_store %arg15[%swap3A_62], %broadcast_in_dim3A_3 {strides = array<i32>} : memref<272xi32, #tpu.memory_space<vmem>>, vector<16xi32>,
      %mul3A_64 = arith.constant 16 : i32
      %mul3A_65 = arith.muli %add3A_56, %mul3A_64 : i32
      %swap3A_66 = arith.index_cast %mul3A_65 : i32 to index
      %swap3A_67 = tpu.vector_load %arg16[%swap3A_66] {strides = array<i32>} : memref<272xi32, #tpu.memory_space<vmem>>, vector<16xi32>,
      tpu.vector_store %arg16[%swap3A_66], %broadcast_in_dim3A_3 {strides = array<i32>} : memref<272xi32, #tpu.memory_space<vmem>>, vector<16xi32>,
      %mul3A_68 = arith.constant 16 : i32
      %mul3A_69 = arith.muli %add3A_56, %mul3A_68 : i32
      %swap3A_70 = arith.index_cast %mul3A_69 : i32 to index
      %swap3A_71 = tpu.vector_load %arg17[%swap3A_70] {strides = array<i32>} : memref<272xi32, #tpu.memory_space<vmem>>, vector<16xi32>,
      tpu.vector_store %arg17[%swap3A_70], %broadcast_in_dim3A_3 {strides = array<i32>} : memref<272xi32, #tpu.memory_space<vmem>>, vector<16xi32>,
    }
    %scan3A_7 = arith.constant 17 : i32
    %add3A_8 = arith.constant 0 : i32
    %add3A_9 = arith.addi %mul3A_2, %add3A_8 : i32
    %dma_start3A = tpu.memref_slice %arg2[%add3A_9] : memref<851968xi32, #tpu.memory_space<hbm>> -> memref<1024xi32, #tpu.memory_space<hbm>>
    %dma_start3A_10 = tpu.memref_slice %arg2[%add3A_9] : memref<851968xi32, #tpu.memory_space<hbm>> -> memref<1024xi32, #tpu.memory_space<hbm>>
    tpu.enqueue_dma source(%dma_start3A_10 : memref<1024xi32, #tpu.memory_space<hbm>>) target(%arg8 : memref<1024xi32, #tpu.memory_space<vmem>>) target_semaphore(%arg25 : memref<!tpu.dma_semaphore, #tpu.memory_space<semaphore_mem>>)
    %dma_start3A_11 = tpu.memref_slice %arg3[%add3A_9] : memref<851968xi32, #tpu.memory_space<hbm>> -> memref<1024xi32, #tpu.memory_space<hbm>>
    %dma_start3A_12 = tpu.memref_slice %arg3[%add3A_9] : memref<851968xi32, #tpu.memory_space<hbm>> -> memref<1024xi32, #tpu.memory_space<hbm>>
    tpu.enqueue_dma source(%dma_start3A_12 : memref<1024xi32, #tpu.memory_space<hbm>>) target(%arg9 : memref<1024xi32, #tpu.memory_space<vmem>>) target_semaphore(%arg25 : memref<!tpu.dma_semaphore, #tpu.memory_space<semaphore_mem>>)
    %add3A_13 = arith.constant 1024 : i32
    %add3A_14 = arith.addi %mul3A_2, %add3A_13 : i32
    %dma_start3A_15 = tpu.memref_slice %arg2[%add3A_14] : memref<851968xi32, #tpu.memory_space<hbm>> -> memref<1024xi32, #tpu.memory_space<hbm>>
    %dma_start3A_16 = tpu.memref_slice %arg2[%add3A_14] : memref<851968xi32, #tpu.memory_space<hbm>> -> memref<1024xi32, #tpu.memory_space<hbm>>
    tpu.enqueue_dma source(%dma_start3A_16 : memref<1024xi32, #tpu.memory_space<hbm>>) target(%arg11 : memref<1024xi32, #tpu.memory_space<vmem>>) target_semaphore(%arg26 : memref<!tpu.dma_semaphore, #tpu.memory_space<semaphore_mem>>)
    %dma_start3A_17 = tpu.memref_slice %arg3[%add3A_14] : memref<851968xi32, #tpu.memory_space<hbm>> -> memref<1024xi32, #tpu.memory_space<hbm>>
    %dma_start3A_18 = tpu.memref_slice %arg3[%add3A_14] : memref<851968xi32, #tpu.memory_space<hbm>> -> memref<1024xi32, #tpu.memory_space<hbm>>
    tpu.enqueue_dma source(%dma_start3A_18 : memref<1024xi32, #tpu.memory_space<hbm>>) target(%arg12 : memref<1024xi32, #tpu.memory_space<vmem>>) target_semaphore(%arg26 : memref<!tpu.dma_semaphore, #tpu.memory_space<semaphore_mem>>)
    %scan3A_19 = arith.constant 0 : i32
    %scan3A_20 = arith.constant 13 : i32
    %scan3A_21 = arith.addi %scan3A_19, %scan3A_20 : i32
    %scan3A_22 = arith.constant 1 : i32
    scf.for %scan3A_52 = %scan3A_19 to %scan3A_21 step %scan3A_22  : i32 {
      %mul3A_53 = arith.constant 1 : i32
      %mul3A_54 = arith.muli %scan3A_52, %mul3A_53 : i32
      %add3A_55 = arith.constant 0 : i32
      %add3A_56 = arith.addi %add3A_55, %mul3A_54 : i32
      %dma_wait3A = arith.constant 0 : i32
      %dma_wait3A_57 = tpu.memref_slice %arg2[%dma_wait3A] : memref<851968xi32, #tpu.memory_space<hbm>> -> memref<1024xi32, #tpu.memory_space<hbm>>
      %dma_wait3A_58 = arith.constant 0 : i32
      %dma_wait3A_59 = tpu.memref_slice %arg2[%dma_wait3A_58] : memref<851968xi32, #tpu.memory_space<hbm>> -> memref<1024xi32, #tpu.memory_space<hbm>>
      tpu.wait_dma2 semaphore(%arg25 : memref<!tpu.dma_semaphore, #tpu.memory_space<semaphore_mem>>) src(%dma_wait3A_59 : memref<1024xi32, #tpu.memory_space<hbm>>) dst(%arg8 : memref<1024xi32, #tpu.memory_space<vmem>>)
      %dma_wait3A_60 = arith.constant 0 : i32
      %dma_wait3A_61 = tpu.memref_slice %arg2[%dma_wait3A_60] : memref<851968xi32, #tpu.memory_space<hbm>> -> memref<1024xi32, #tpu.memory_space<hbm>>
      %dma_wait3A_62 = arith.constant 0 : i32
      %dma_wait3A_63 = tpu.memref_slice %arg2[%dma_wait3A_62] : memref<851968xi32, #tpu.memory_space<hbm>> -> memref<1024xi32, #tpu.memory_space<hbm>>
      tpu.wait_dma2 semaphore(%arg25 : memref<!tpu.dma_semaphore, #tpu.memory_space<semaphore_mem>>) src(%dma_wait3A_63 : memref<1024xi32, #tpu.memory_space<hbm>>) dst(%arg8 : memref<1024xi32, #tpu.memory_space<vmem>>)
      %scan3A_64 = arith.constant 0 : i32
      %scan3A_65 = arith.constant 16 : i32
      %scan3A_66 = arith.addi %scan3A_64, %scan3A_65 : i32
      %scan3A_67 = arith.constant 1 : i32
      scf.for %scan3A_89 = %scan3A_64 to %scan3A_66 step %scan3A_67  : i32 {
        %mul3A_90 = arith.constant 1 : i32
        %mul3A_91 = arith.muli %scan3A_89, %mul3A_90 : i32
        %add3A_92 = arith.constant 0 : i32
        %add3A_93 = arith.addi %add3A_92, %mul3A_91 : i32
        %mul3A_94 = arith.constant 64 : i32
        %mul3A_95 = arith.muli %add3A_93, %mul3A_94 : i32
        %add3A_96 = arith.constant 0 : i32
        %add3A_97 = arith.addi %mul3A_95, %add3A_96 : i32
        %get3A = arith.index_cast %add3A_97 : i32 to index
        %get3A_98 = tpu.vector_load %arg8[%get3A] {strides = array<i32>} : memref<1024xi32, #tpu.memory_space<vmem>>, vector<16xi32>,
        %get3A_99 = arith.index_cast %add3A_97 : i32 to index
        %get3A_100 = tpu.vector_load %arg9[%get3A_99] {strides = array<i32>} : memref<1024xi32, #tpu.memory_space<vmem>>, vector<16xi32>,
        %mul3A_101 = arith.constant 4096 : i32
        %mul3A_102 = vector.broadcast %mul3A_101 : i32 to vector<16xi32>
        %mul3A_103 = arith.muli %get3A_98, %mul3A_102 : vector<16xi32>
        %add3A_104 = arith.addi %mul3A_103, %get3A_100 : vector<16xi32>
        %shift_right_logical3A = arith.constant 16 : i32
        %shift_right_logical3A_105 = vector.broadcast %shift_right_logical3A : i32 to vector<16xi32>
        %shift_right_logical3A_106 = arith.shrui %add3A_104, %shift_right_logical3A_105 : vector<16xi32>
        %broadcast_in_dim3A_107 = arith.constant true
        %broadcast_in_dim3A_108 = vector.broadcast %broadcast_in_dim3A_107 : i1 to vector<16xi1>
        %unique3A, %unique3A_109 = tpu.scan_count mask(%broadcast_in_dim3A_108 : vector<16xi1>) value(%shift_right_logical3A_106 : vector<16xi32>) : vector<16xi1>, vector<16xi32>
        %gather3A = tpu.vector_load_idx %arg14[%shift_right_logical3A_106] : memref<272xi32, #tpu.memory_space<vmem>>[vector<16xi32>], vector<16xi32>,
        %add3A_110 = arith.addi %gather3A, %unique3A_109 : vector<16xi32>
        tpu.vector_store_idx %arg14[%shift_right_logical3A_106], %add3A_110 masked %unique3A : memref<272xi32, #tpu.memory_space<vmem>>[vector<16xi32>], vector<16xi32>, vector<16xi1>
        %mul3A_111 = arith.constant 64 : i32
        %mul3A_112 = arith.muli %add3A_93, %mul3A_111 : i32
        %add3A_113 = arith.constant 16 : i32
        %add3A_114 = arith.addi %mul3A_112, %add3A_113 : i32
        %get3A_115 = arith.index_cast %add3A_114 : i32 to index
        %get3A_116 = tpu.vector_load %arg8[%get3A_115] {strides = array<i32>} : memref<1024xi32, #tpu.memory_space<vmem>>, vector<16xi32>,
        %get3A_117 = arith.index_cast %add3A_114 : i32 to index
        %get3A_118 = tpu.vector_load %arg9[%get3A_117] {strides = array<i32>} : memref<1024xi32, #tpu.memory_space<vmem>>, vector<16xi32>,
        %mul3A_119 = arith.constant 4096 : i32
        %mul3A_120 = vector.broadcast %mul3A_119 : i32 to vector<16xi32>
        %mul3A_121 = arith.muli %get3A_116, %mul3A_120 : vector<16xi32>
        %add3A_122 = arith.addi %mul3A_121, %get3A_118 : vector<16xi32>
        %shift_right_logical3A_123 = arith.constant 16 : i32
        %shift_right_logical3A_124 = vector.broadcast %shift_right_logical3A_123 : i32 to vector<16xi32>
        %shift_right_logical3A_125 = arith.shrui %add3A_122, %shift_right_logical3A_124 : vector<16xi32>
        %broadcast_in_dim3A_126 = arith.constant true
        %broadcast_in_dim3A_127 = vector.broadcast %broadcast_in_dim3A_126 : i1 to vector<16xi1>
        %unique3A_128, %unique3A_129 = tpu.scan_count mask(%broadcast_in_dim3A_127 : vector<16xi1>) value(%shift_right_logical3A_125 : vector<16xi32>) : vector<16xi1>, vector<16xi32>
        %gather3A_130 = tpu.vector_load_idx %arg15[%shift_right_logical3A_125] : memref<272xi32, #tpu.memory_space<vmem>>[vector<16xi32>], vector<16xi32>,
        %add3A_131 = arith.addi %gather3A_130, %unique3A_129 : vector<16xi32>
        tpu.vector_store_idx %arg15[%shift_right_logical3A_125], %add3A_131 masked %unique3A_128 : memref<272xi32, #tpu.memory_space<vmem>>[vector<16xi32>], vector<16xi32>, vector<16xi1>
        %mul3A_132 = arith.constant 64 : i32
        %mul3A_133 = arith.muli %add3A_93, %mul3A_132 : i32
        %add3A_134 = arith.constant 32 : i32
        %add3A_135 = arith.addi %mul3A_133, %add3A_134 : i32
        %get3A_136 = arith.index_cast %add3A_135 : i32 to index
        %get3A_137 = tpu.vector_load %arg8[%get3A_136] {strides = array<i32>} : memref<1024xi32, #tpu.memory_space<vmem>>, vector<16xi32>,
        %get3A_138 = arith.index_cast %add3A_135 : i32 to index
        %get3A_139 = tpu.vector_load %arg9[%get3A_138] {strides = array<i32>} : memref<1024xi32, #tpu.memory_space<vmem>>, vector<16xi32>,
        %mul3A_140 = arith.constant 4096 : i32
        %mul3A_141 = vector.broadcast %mul3A_140 : i32 to vector<16xi32>
        %mul3A_142 = arith.muli %get3A_137, %mul3A_141 : vector<16xi32>
        %add3A_143 = arith.addi %mul3A_142, %get3A_139 : vector<16xi32>
        %shift_right_logical3A_144 = arith.constant 16 : i32
        %shift_right_logical3A_145 = vector.broadcast %shift_right_logical3A_144 : i32 to vector<16xi32>
        %shift_right_logical3A_146 = arith.shrui %add3A_143, %shift_right_logical3A_145 : vector<16xi32>
        %broadcast_in_dim3A_147 = arith.constant true
        %broadcast_in_dim3A_148 = vector.broadcast %broadcast_in_dim3A_147 : i1 to vector<16xi1>
        %unique3A_149, %unique3A_150 = tpu.scan_count mask(%broadcast_in_dim3A_148 : vector<16xi1>) value(%shift_right_logical3A_146 : vector<16xi32>) : vector<16xi1>, vector<16xi32>
        %gather3A_151 = tpu.vector_load_idx %arg16[%shift_right_logical3A_146] : memref<272xi32, #tpu.memory_space<vmem>>[vector<16xi32>], vector<16xi32>,
        %add3A_152 = arith.addi %gather3A_151, %unique3A_150 : vector<16xi32>
        tpu.vector_store_idx %arg16[%shift_right_logical3A_146], %add3A_152 masked %unique3A_149 : memref<272xi32, #tpu.memory_space<vmem>>[vector<16xi32>], vector<16xi32>, vector<16xi1>
        %mul3A_153 = arith.constant 64 : i32
        %mul3A_154 = arith.muli %add3A_93, %mul3A_153 : i32
        %add3A_155 = arith.constant 48 : i32
        %add3A_156 = arith.addi %mul3A_154, %add3A_155 : i32
        %get3A_157 = arith.index_cast %add3A_156 : i32 to index
        %get3A_158 = tpu.vector_load %arg8[%get3A_157] {strides = array<i32>} : memref<1024xi32, #tpu.memory_space<vmem>>, vector<16xi32>,
        %get3A_159 = arith.index_cast %add3A_156 : i32 to index
        %get3A_160 = tpu.vector_load %arg9[%get3A_159] {strides = array<i32>} : memref<1024xi32, #tpu.memory_space<vmem>>, vector<16xi32>,
        %mul3A_161 = arith.constant 4096 : i32
        %mul3A_162 = vector.broadcast %mul3A_161 : i32 to vector<16xi32>
        %mul3A_163 = arith.muli %get3A_158, %mul3A_162 : vector<16xi32>
        %add3A_164 = arith.addi %mul3A_163, %get3A_160 : vector<16xi32>
        %shift_right_logical3A_165 = arith.constant 16 : i32
        %shift_right_logical3A_166 = vector.broadcast %shift_right_logical3A_165 : i32 to vector<16xi32>
        %shift_right_logical3A_167 = arith.shrui %add3A_164, %shift_right_logical3A_166 : vector<16xi32>
        %broadcast_in_dim3A_168 = arith.constant true
        %broadcast_in_dim3A_169 = vector.broadcast %broadcast_in_dim3A_168 : i1 to vector<16xi1>
        %unique3A_170, %unique3A_171 = tpu.scan_count mask(%broadcast_in_dim3A_169 : vector<16xi1>) value(%shift_right_logical3A_167 : vector<16xi32>) : vector<16xi1>, vector<16xi32>
        %gather3A_172 = tpu.vector_load_idx %arg17[%shift_right_logical3A_167] : memref<272xi32, #tpu.memory_space<vmem>>[vector<16xi32>], vector<16xi32>,
        %add3A_173 = arith.addi %gather3A_172, %unique3A_171 : vector<16xi32>
        tpu.vector_store_idx %arg17[%shift_right_logical3A_167], %add3A_173 masked %unique3A_170 : memref<272xi32, #tpu.memory_space<vmem>>[vector<16xi32>], vector<16xi32>, vector<16xi1>
      }
      %scan3A_68 = arith.constant 16 : i32
      %lt3A = arith.constant 12 : i32
      %lt3A_69 = arith.cmpi slt, %add3A_56, %lt3A : i32
      %convert_element_type3A = arith.extui %lt3A_69 : i1 to i32
      %cond3A = arith.constant 0 : i32
      %cond3A_70 = arith.cmpi ne, %convert_element_type3A, %cond3A : i32
      scf.if %cond3A_70 {
        %mul3A_89 = arith.constant 2 : i32
        %mul3A_90 = arith.muli %mul3A_89, %add3A_56 : i32
        %add3A_91 = arith.constant 2 : i32
        %add3A_92 = arith.addi %mul3A_90, %add3A_91 : i32
        %mul3A_93 = arith.constant 1024 : i32
        %mul3A_94 = arith.muli %add3A_92, %mul3A_93 : i32
        %add3A_95 = arith.addi %mul3A_2, %mul3A_94 : i32
        %dma_start3A_96 = tpu.memref_slice %arg2[%add3A_95] : memref<851968xi32, #tpu.memory_space<hbm>> -> memref<1024xi32, #tpu.memory_space<hbm>>
        %dma_start3A_97 = tpu.memref_slice %arg2[%add3A_95] : memref<851968xi32, #tpu.memory_space<hbm>> -> memref<1024xi32, #tpu.memory_space<hbm>>
        tpu.enqueue_dma source(%dma_start3A_97 : memref<1024xi32, #tpu.memory_space<hbm>>) target(%arg8 : memref<1024xi32, #tpu.memory_space<vmem>>) target_semaphore(%arg25 : memref<!tpu.dma_semaphore, #tpu.memory_space<semaphore_mem>>)
        %dma_start3A_98 = tpu.memref_slice %arg3[%add3A_95] : memref<851968xi32, #tpu.memory_space<hbm>> -> memref<1024xi32, #tpu.memory_space<hbm>>
        %dma_start3A_99 = tpu.memref_slice %arg3[%add3A_95] : memref<851968xi32, #tpu.memory_space<hbm>> -> memref<1024xi32, #tpu.memory_space<hbm>>
        tpu.enqueue_dma source(%dma_start3A_99 : memref<1024xi32, #tpu.memory_space<hbm>>) target(%arg9 : memref<1024xi32, #tpu.memory_space<vmem>>) target_semaphore(%arg25 : memref<!tpu.dma_semaphore, #tpu.memory_space<semaphore_mem>>)
      } else {
      }
      %dma_wait3A_71 = arith.constant 0 : i32
      %dma_wait3A_72 = tpu.memref_slice %arg2[%dma_wait3A_71] : memref<851968xi32, #tpu.memory_space<hbm>> -> memref<1024xi32, #tpu.memory_space<hbm>>
      %dma_wait3A_73 = arith.constant 0 : i32
      %dma_wait3A_74 = tpu.memref_slice %arg2[%dma_wait3A_73] : memref<851968xi32, #tpu.memory_space<hbm>> -> memref<1024xi32, #tpu.memory_space<hbm>>
      tpu.wait_dma2 semaphore(%arg26 : memref<!tpu.dma_semaphore, #tpu.memory_space<semaphore_mem>>) src(%dma_wait3A_74 : memref<1024xi32, #tpu.memory_space<hbm>>) dst(%arg11 : memref<1024xi32, #tpu.memory_space<vmem>>)
      %dma_wait3A_75 = arith.constant 0 : i32
      %dma_wait3A_76 = tpu.memref_slice %arg2[%dma_wait3A_75] : memref<851968xi32, #tpu.memory_space<hbm>> -> memref<1024xi32, #tpu.memory_space<hbm>>
      %dma_wait3A_77 = arith.constant 0 : i32
      %dma_wait3A_78 = tpu.memref_slice %arg2[%dma_wait3A_77] : memref<851968xi32, #tpu.memory_space<hbm>> -> memref<1024xi32, #tpu.memory_space<hbm>>
      tpu.wait_dma2 semaphore(%arg26 : memref<!tpu.dma_semaphore, #tpu.memory_space<semaphore_mem>>) src(%dma_wait3A_78 : memref<1024xi32, #tpu.memory_space<hbm>>) dst(%arg11 : memref<1024xi32, #tpu.memory_space<vmem>>)
      %scan3A_79 = arith.constant 0 : i32
      %scan3A_80 = arith.constant 16 : i32
      %scan3A_81 = arith.addi %scan3A_79, %scan3A_80 : i32
      %scan3A_82 = arith.constant 1 : i32
      scf.for %scan3A_89 = %scan3A_79 to %scan3A_81 step %scan3A_82  : i32 {
        %mul3A_90 = arith.constant 1 : i32
        %mul3A_91 = arith.muli %scan3A_89, %mul3A_90 : i32
        %add3A_92 = arith.constant 0 : i32
        %add3A_93 = arith.addi %add3A_92, %mul3A_91 : i32
        %mul3A_94 = arith.constant 64 : i32
        %mul3A_95 = arith.muli %add3A_93, %mul3A_94 : i32
        %add3A_96 = arith.constant 0 : i32
        %add3A_97 = arith.addi %mul3A_95, %add3A_96 : i32
        %get3A = arith.index_cast %add3A_97 : i32 to index
        %get3A_98 = tpu.vector_load %arg11[%get3A] {strides = array<i32>} : memref<1024xi32, #tpu.memory_space<vmem>>, vector<16xi32>,
        %get3A_99 = arith.index_cast %add3A_97 : i32 to index
        %get3A_100 = tpu.vector_load %arg12[%get3A_99] {strides = array<i32>} : memref<1024xi32, #tpu.memory_space<vmem>>, vector<16xi32>,
        %mul3A_101 = arith.constant 4096 : i32
        %mul3A_102 = vector.broadcast %mul3A_101 : i32 to vector<16xi32>
        %mul3A_103 = arith.muli %get3A_98, %mul3A_102 : vector<16xi32>
        %add3A_104 = arith.addi %mul3A_103, %get3A_100 : vector<16xi32>
        %shift_right_logical3A = arith.constant 16 : i32
        %shift_right_logical3A_105 = vector.broadcast %shift_right_logical3A : i32 to vector<16xi32>
        %shift_right_logical3A_106 = arith.shrui %add3A_104, %shift_right_logical3A_105 : vector<16xi32>
        %broadcast_in_dim3A_107 = arith.constant true
        %broadcast_in_dim3A_108 = vector.broadcast %broadcast_in_dim3A_107 : i1 to vector<16xi1>
        %unique3A, %unique3A_109 = tpu.scan_count mask(%broadcast_in_dim3A_108 : vector<16xi1>) value(%shift_right_logical3A_106 : vector<16xi32>) : vector<16xi1>, vector<16xi32>
        %gather3A = tpu.vector_load_idx %arg14[%shift_right_logical3A_106] : memref<272xi32, #tpu.memory_space<vmem>>[vector<16xi32>], vector<16xi32>,
        %add3A_110 = arith.addi %gather3A, %unique3A_109 : vector<16xi32>
        tpu.vector_store_idx %arg14[%shift_right_logical3A_106], %add3A_110 masked %unique3A : memref<272xi32, #tpu.memory_space<vmem>>[vector<16xi32>], vector<16xi32>, vector<16xi1>
        %mul3A_111 = arith.constant 64 : i32
        %mul3A_112 = arith.muli %add3A_93, %mul3A_111 : i32
        %add3A_113 = arith.constant 16 : i32
        %add3A_114 = arith.addi %mul3A_112, %add3A_113 : i32
        %get3A_115 = arith.index_cast %add3A_114 : i32 to index
        %get3A_116 = tpu.vector_load %arg11[%get3A_115] {strides = array<i32>} : memref<1024xi32, #tpu.memory_space<vmem>>, vector<16xi32>,
        %get3A_117 = arith.index_cast %add3A_114 : i32 to index
        %get3A_118 = tpu.vector_load %arg12[%get3A_117] {strides = array<i32>} : memref<1024xi32, #tpu.memory_space<vmem>>, vector<16xi32>,
        %mul3A_119 = arith.constant 4096 : i32
        %mul3A_120 = vector.broadcast %mul3A_119 : i32 to vector<16xi32>
        %mul3A_121 = arith.muli %get3A_116, %mul3A_120 : vector<16xi32>
        %add3A_122 = arith.addi %mul3A_121, %get3A_118 : vector<16xi32>
        %shift_right_logical3A_123 = arith.constant 16 : i32
        %shift_right_logical3A_124 = vector.broadcast %shift_right_logical3A_123 : i32 to vector<16xi32>
        %shift_right_logical3A_125 = arith.shrui %add3A_122, %shift_right_logical3A_124 : vector<16xi32>
        %broadcast_in_dim3A_126 = arith.constant true
        %broadcast_in_dim3A_127 = vector.broadcast %broadcast_in_dim3A_126 : i1 to vector<16xi1>
        %unique3A_128, %unique3A_129 = tpu.scan_count mask(%broadcast_in_dim3A_127 : vector<16xi1>) value(%shift_right_logical3A_125 : vector<16xi32>) : vector<16xi1>, vector<16xi32>
        %gather3A_130 = tpu.vector_load_idx %arg15[%shift_right_logical3A_125] : memref<272xi32, #tpu.memory_space<vmem>>[vector<16xi32>], vector<16xi32>,
        %add3A_131 = arith.addi %gather3A_130, %unique3A_129 : vector<16xi32>
        tpu.vector_store_idx %arg15[%shift_right_logical3A_125], %add3A_131 masked %unique3A_128 : memref<272xi32, #tpu.memory_space<vmem>>[vector<16xi32>], vector<16xi32>, vector<16xi1>
        %mul3A_132 = arith.constant 64 : i32
        %mul3A_133 = arith.muli %add3A_93, %mul3A_132 : i32
        %add3A_134 = arith.constant 32 : i32
        %add3A_135 = arith.addi %mul3A_133, %add3A_134 : i32
        %get3A_136 = arith.index_cast %add3A_135 : i32 to index
        %get3A_137 = tpu.vector_load %arg11[%get3A_136] {strides = array<i32>} : memref<1024xi32, #tpu.memory_space<vmem>>, vector<16xi32>,
        %get3A_138 = arith.index_cast %add3A_135 : i32 to index
        %get3A_139 = tpu.vector_load %arg12[%get3A_138] {strides = array<i32>} : memref<1024xi32, #tpu.memory_space<vmem>>, vector<16xi32>,
        %mul3A_140 = arith.constant 4096 : i32
        %mul3A_141 = vector.broadcast %mul3A_140 : i32 to vector<16xi32>
        %mul3A_142 = arith.muli %get3A_137, %mul3A_141 : vector<16xi32>
        %add3A_143 = arith.addi %mul3A_142, %get3A_139 : vector<16xi32>
        %shift_right_logical3A_144 = arith.constant 16 : i32
        %shift_right_logical3A_145 = vector.broadcast %shift_right_logical3A_144 : i32 to vector<16xi32>
        %shift_right_logical3A_146 = arith.shrui %add3A_143, %shift_right_logical3A_145 : vector<16xi32>
        %broadcast_in_dim3A_147 = arith.constant true
        %broadcast_in_dim3A_148 = vector.broadcast %broadcast_in_dim3A_147 : i1 to vector<16xi1>
        %unique3A_149, %unique3A_150 = tpu.scan_count mask(%broadcast_in_dim3A_148 : vector<16xi1>) value(%shift_right_logical3A_146 : vector<16xi32>) : vector<16xi1>, vector<16xi32>
        %gather3A_151 = tpu.vector_load_idx %arg16[%shift_right_logical3A_146] : memref<272xi32, #tpu.memory_space<vmem>>[vector<16xi32>], vector<16xi32>,
        %add3A_152 = arith.addi %gather3A_151, %unique3A_150 : vector<16xi32>
        tpu.vector_store_idx %arg16[%shift_right_logical3A_146], %add3A_152 masked %unique3A_149 : memref<272xi32, #tpu.memory_space<vmem>>[vector<16xi32>], vector<16xi32>, vector<16xi1>
        %mul3A_153 = arith.constant 64 : i32
        %mul3A_154 = arith.muli %add3A_93, %mul3A_153 : i32
        %add3A_155 = arith.constant 48 : i32
        %add3A_156 = arith.addi %mul3A_154, %add3A_155 : i32
        %get3A_157 = arith.index_cast %add3A_156 : i32 to index
        %get3A_158 = tpu.vector_load %arg11[%get3A_157] {strides = array<i32>} : memref<1024xi32, #tpu.memory_space<vmem>>, vector<16xi32>,
        %get3A_159 = arith.index_cast %add3A_156 : i32 to index
        %get3A_160 = tpu.vector_load %arg12[%get3A_159] {strides = array<i32>} : memref<1024xi32, #tpu.memory_space<vmem>>, vector<16xi32>,
        %mul3A_161 = arith.constant 4096 : i32
        %mul3A_162 = vector.broadcast %mul3A_161 : i32 to vector<16xi32>
        %mul3A_163 = arith.muli %get3A_158, %mul3A_162 : vector<16xi32>
        %add3A_164 = arith.addi %mul3A_163, %get3A_160 : vector<16xi32>
        %shift_right_logical3A_165 = arith.constant 16 : i32
        %shift_right_logical3A_166 = vector.broadcast %shift_right_logical3A_165 : i32 to vector<16xi32>
        %shift_right_logical3A_167 = arith.shrui %add3A_164, %shift_right_logical3A_166 : vector<16xi32>
        %broadcast_in_dim3A_168 = arith.constant true
        %broadcast_in_dim3A_169 = vector.broadcast %broadcast_in_dim3A_168 : i1 to vector<16xi1>
        %unique3A_170, %unique3A_171 = tpu.scan_count mask(%broadcast_in_dim3A_169 : vector<16xi1>) value(%shift_right_logical3A_167 : vector<16xi32>) : vector<16xi1>, vector<16xi32>
        %gather3A_172 = tpu.vector_load_idx %arg17[%shift_right_logical3A_167] : memref<272xi32, #tpu.memory_space<vmem>>[vector<16xi32>], vector<16xi32>,
        %add3A_173 = arith.addi %gather3A_172, %unique3A_171 : vector<16xi32>
        tpu.vector_store_idx %arg17[%shift_right_logical3A_167], %add3A_173 masked %unique3A_170 : memref<272xi32, #tpu.memory_space<vmem>>[vector<16xi32>], vector<16xi32>, vector<16xi1>
      }
      %scan3A_83 = arith.constant 16 : i32
      %lt3A_84 = arith.constant 12 : i32
      %lt3A_85 = arith.cmpi slt, %add3A_56, %lt3A_84 : i32
      %convert_element_type3A_86 = arith.extui %lt3A_85 : i1 to i32
      %cond3A_87 = arith.constant 0 : i32
      %cond3A_88 = arith.cmpi ne, %convert_element_type3A_86, %cond3A_87 : i32
      scf.if %cond3A_88 {
        %mul3A_89 = arith.constant 2 : i32
        %mul3A_90 = arith.muli %mul3A_89, %add3A_56 : i32
        %add3A_91 = arith.constant 3 : i32
        %add3A_92 = arith.addi %mul3A_90, %add3A_91 : i32
        %mul3A_93 = arith.constant 1024 : i32
        %mul3A_94 = arith.muli %add3A_92, %mul3A_93 : i32
        %add3A_95 = arith.addi %mul3A_2, %mul3A_94 : i32
        %dma_start3A_96 = tpu.memref_slice %arg2[%add3A_95] : memref<851968xi32, #tpu.memory_space<hbm>> -> memref<1024xi32, #tpu.memory_space<hbm>>
        %dma_start3A_97 = tpu.memref_slice %arg2[%add3A_95] : memref<851968xi32, #tpu.memory_space<hbm>> -> memref<1024xi32, #tpu.memory_space<hbm>>
        tpu.enqueue_dma source(%dma_start3A_97 : memref<1024xi32, #tpu.memory_space<hbm>>) target(%arg11 : memref<1024xi32, #tpu.memory_space<vmem>>) target_semaphore(%arg26 : memref<!tpu.dma_semaphore, #tpu.memory_space<semaphore_mem>>)
        %dma_start3A_98 = tpu.memref_slice %arg3[%add3A_95] : memref<851968xi32, #tpu.memory_space<hbm>> -> memref<1024xi32, #tpu.memory_space<hbm>>
        %dma_start3A_99 = tpu.memref_slice %arg3[%add3A_95] : memref<851968xi32, #tpu.memory_space<hbm>> -> memref<1024xi32, #tpu.memory_space<hbm>>
        tpu.enqueue_dma source(%dma_start3A_99 : memref<1024xi32, #tpu.memory_space<hbm>>) target(%arg12 : memref<1024xi32, #tpu.memory_space<vmem>>) target_semaphore(%arg26 : memref<!tpu.dma_semaphore, #tpu.memory_space<semaphore_mem>>)
      } else {
      }
    }
    %scan3A_23 = arith.constant 13 : i32
    %scan3A_24 = arith.constant 0 : i32
    %scan3A_25 = arith.constant 0 : i32
    %scan3A_26 = arith.constant 17 : i32
    %scan3A_27 = arith.addi %scan3A_25, %scan3A_26 : i32
    %scan3A_28 = arith.constant 1 : i32
    %scan3A_29 = scf.for %scan3A_52 = %scan3A_25 to %scan3A_27 step %scan3A_28 iter_args(%scan3A_53 = %scan3A_24) -> (i32)  : i32 {
      %mul3A_54 = arith.constant 16 : i32
      %mul3A_55 = arith.muli %scan3A_52, %mul3A_54 : i32
      %get3A = arith.index_cast %mul3A_55 : i32 to index
      %get3A_56 = tpu.vector_load %arg14[%get3A] {strides = array<i32>} : memref<272xi32, #tpu.memory_space<vmem>>, vector<16xi32>,
      %get3A_57 = arith.index_cast %mul3A_55 : i32 to index
      %get3A_58 = tpu.vector_load %arg15[%get3A_57] {strides = array<i32>} : memref<272xi32, #tpu.memory_space<vmem>>, vector<16xi32>,
      %get3A_59 = arith.index_cast %mul3A_55 : i32 to index
      %get3A_60 = tpu.vector_load %arg16[%get3A_59] {strides = array<i32>} : memref<272xi32, #tpu.memory_space<vmem>>, vector<16xi32>,
      %get3A_61 = arith.index_cast %mul3A_55 : i32 to index
      %get3A_62 = tpu.vector_load %arg17[%get3A_61] {strides = array<i32>} : memref<272xi32, #tpu.memory_space<vmem>>, vector<16xi32>,
      %add3A_63 = arith.addi %get3A_56, %get3A_58 : vector<16xi32>
      %add3A_64 = arith.addi %add3A_63, %get3A_60 : vector<16xi32>
      %add3A_65 = arith.addi %add3A_64, %get3A_62 : vector<16xi32>
      %broadcast_in_dim3A_66 = arith.constant true
      %broadcast_in_dim3A_67 = vector.broadcast %broadcast_in_dim3A_66 : i1 to vector<16xi1>
      %masked_cumsum3A = tpu.scan <sum>, %add3A_65 masked %broadcast_in_dim3A_67 : vector<16xi32>, vector<16xi1> -> vector<16xi32>
      %sub3A = arith.subi %masked_cumsum3A, %add3A_65 : vector<16xi32>
      %add3A_68 = vector.broadcast %scan3A_53 : i32 to vector<16xi32>
      %add3A_69 = arith.addi %sub3A, %add3A_68 : vector<16xi32>
      %swap3A = arith.index_cast %mul3A_55 : i32 to index
      %swap3A_70 = tpu.vector_load %arg18[%swap3A] {strides = array<i32>} : memref<272xi32, #tpu.memory_space<vmem>>, vector<16xi32>,
      tpu.vector_store %arg18[%swap3A], %add3A_69 {strides = array<i32>} : memref<272xi32, #tpu.memory_space<vmem>>, vector<16xi32>,
      %swap3A_71 = arith.index_cast %mul3A_55 : i32 to index
      %swap3A_72 = tpu.vector_load %arg19[%swap3A_71] {strides = array<i32>} : memref<272xi32, #tpu.memory_space<vmem>>, vector<16xi32>,
      tpu.vector_store %arg19[%swap3A_71], %add3A_69 {strides = array<i32>} : memref<272xi32, #tpu.memory_space<vmem>>, vector<16xi32>,
      %add3A_73 = arith.addi %add3A_69, %get3A_56 : vector<16xi32>
      %swap3A_74 = arith.index_cast %mul3A_55 : i32 to index
      %swap3A_75 = tpu.vector_load %arg20[%swap3A_74] {strides = array<i32>} : memref<272xi32, #tpu.memory_space<vmem>>, vector<16xi32>,
      tpu.vector_store %arg20[%swap3A_74], %add3A_73 {strides = array<i32>} : memref<272xi32, #tpu.memory_space<vmem>>, vector<16xi32>,
      %add3A_76 = arith.addi %add3A_69, %get3A_56 : vector<16xi32>
      %add3A_77 = arith.addi %add3A_76, %get3A_58 : vector<16xi32>
      %swap3A_78 = arith.index_cast %mul3A_55 : i32 to index
      %swap3A_79 = tpu.vector_load %arg21[%swap3A_78] {strides = array<i32>} : memref<272xi32, #tpu.memory_space<vmem>>, vector<16xi32>,
      tpu.vector_store %arg21[%swap3A_78], %add3A_77 {strides = array<i32>} : memref<272xi32, #tpu.memory_space<vmem>>, vector<16xi32>,
      %add3A_80 = arith.addi %add3A_69, %get3A_56 : vector<16xi32>
      %add3A_81 = arith.addi %add3A_80, %get3A_58 : vector<16xi32>
      %add3A_82 = arith.addi %add3A_81, %get3A_60 : vector<16xi32>
      %swap3A_83 = arith.index_cast %mul3A_55 : i32 to index
      %swap3A_84 = tpu.vector_load %arg22[%swap3A_83] {strides = array<i32>} : memref<272xi32, #tpu.memory_space<vmem>>, vector<16xi32>,
      tpu.vector_store %arg22[%swap3A_83], %add3A_82 {strides = array<i32>} : memref<272xi32, #tpu.memory_space<vmem>>, vector<16xi32>,
      %reduce_max3A = arith.constant true
      %reduce_max3A_85 = vector.broadcast %reduce_max3A : i1 to vector<16xi1>
      %reduce_max3A_86 = arith.constant -2147483648 : i32
      %reduce_max3A_87 = vector.broadcast %reduce_max3A_86 : i32 to vector<16xi32>
      %reduce_max3A_88 = arith.xori %masked_cumsum3A, %reduce_max3A_87 : vector<16xi32>
      %reduce_max3A_89 = tpu.scan <max>, %reduce_max3A_88 masked %reduce_max3A_85 : vector<16xi32>, vector<16xi1> -> vector<16xi32>
      %reduce_max3A_90 = arith.xori %reduce_max3A_89, %reduce_max3A_87 : vector<16xi32>
      %reduce_max3A_91 = vector.extract %reduce_max3A_90[15] : i32 from vector<16xi32>
      %add3A_92 = arith.addi %scan3A_53, %reduce_max3A_91 : i32
      scf.yield %add3A_92 : i32
    }
    %scan3A_30 = arith.constant 17 : i32
    "tpu.region"() ({
      %run_scoped3A = tpu.sem_alloc : memref<!tpu.dma_semaphore, #tpu.memory_space<semaphore_mem>>
      %dma_start3A_52 = arith.constant 0 : i32
      %dma_start3A_53 = tpu.memref_slice %arg7[%add3A, %dma_start3A_52] : memref<32x272xi32, #tpu.memory_space<hbm>> -> memref<1x272xi32, #tpu.memory_space<hbm>>
      %dma_start3A_54 = tpu.memref_squeeze %dma_start3A_53 : memref<1x272xi32, #tpu.memory_space<hbm>> -> memref<272xi32, #tpu.memory_space<hbm>>
      %dma_start3A_55 = arith.constant 0 : i32
      %dma_start3A_56 = tpu.memref_slice %arg7[%add3A, %dma_start3A_55] : memref<32x272xi32, #tpu.memory_space<hbm>> -> memref<1x272xi32, #tpu.memory_space<hbm>>
      %dma_start3A_57 = tpu.memref_squeeze %dma_start3A_56 : memref<1x272xi32, #tpu.memory_space<hbm>> -> memref<272xi32, #tpu.memory_space<hbm>>
      tpu.enqueue_dma source(%arg18 : memref<272xi32, #tpu.memory_space<vmem>>) target(%dma_start3A_57 : memref<272xi32, #tpu.memory_space<hbm>>) target_semaphore(%run_scoped3A : memref<!tpu.dma_semaphore, #tpu.memory_space<semaphore_mem>>)
      %dma_wait3A = arith.constant 0 : i32
      %dma_wait3A_58 = tpu.memref_slice %arg7[%add3A, %dma_wait3A] : memref<32x272xi32, #tpu.memory_space<hbm>> -> memref<1x272xi32, #tpu.memory_space<hbm>>
      %dma_wait3A_59 = tpu.memref_squeeze %dma_wait3A_58 : memref<1x272xi32, #tpu.memory_space<hbm>> -> memref<272xi32, #tpu.memory_space<hbm>>
      %dma_wait3A_60 = arith.constant 0 : i32
      %dma_wait3A_61 = tpu.memref_slice %arg7[%add3A, %dma_wait3A_60] : memref<32x272xi32, #tpu.memory_space<hbm>> -> memref<1x272xi32, #tpu.memory_space<hbm>>
      %dma_wait3A_62 = tpu.memref_squeeze %dma_wait3A_61 : memref<1x272xi32, #tpu.memory_space<hbm>> -> memref<272xi32, #tpu.memory_space<hbm>>
      tpu.wait_dma2 semaphore(%run_scoped3A : memref<!tpu.dma_semaphore, #tpu.memory_space<semaphore_mem>>) src(%arg18 : memref<272xi32, #tpu.memory_space<vmem>>) dst(%dma_wait3A_62 : memref<272xi32, #tpu.memory_space<hbm>>)
      tpu.yield
    }) : () -> ()
    %add3A_31 = arith.constant 0 : i32
    %add3A_32 = arith.addi %mul3A_2, %add3A_31 : i32
    %dma_start3A_33 = tpu.memref_slice %arg2[%add3A_32] : memref<851968xi32, #tpu.memory_space<hbm>> -> memref<1024xi32, #tpu.memory_space<hbm>>
    %dma_start3A_34 = tpu.memref_slice %arg2[%add3A_32] : memref<851968xi32, #tpu.memory_space<hbm>> -> memref<1024xi32, #tpu.memory_space<hbm>>
    tpu.enqueue_dma source(%dma_start3A_34 : memref<1024xi32, #tpu.memory_space<hbm>>) target(%arg8 : memref<1024xi32, #tpu.memory_space<vmem>>) target_semaphore(%arg25 : memref<!tpu.dma_semaphore, #tpu.memory_space<semaphore_mem>>)
    %dma_start3A_35 = tpu.memref_slice %arg3[%add3A_32] : memref<851968xi32, #tpu.memory_space<hbm>> -> memref<1024xi32, #tpu.memory_space<hbm>>
    %dma_start3A_36 = tpu.memref_slice %arg3[%add3A_32] : memref<851968xi32, #tpu.memory_space<hbm>> -> memref<1024xi32, #tpu.memory_space<hbm>>
    tpu.enqueue_dma source(%dma_start3A_36 : memref<1024xi32, #tpu.memory_space<hbm>>) target(%arg9 : memref<1024xi32, #tpu.memory_space<vmem>>) target_semaphore(%arg25 : memref<!tpu.dma_semaphore, #tpu.memory_space<semaphore_mem>>)
    %dma_start3A_37 = tpu.memref_slice %arg4[%add3A_32] : memref<851968xf32, #tpu.memory_space<hbm>> -> memref<1024xf32, #tpu.memory_space<hbm>>
    %dma_start3A_38 = tpu.memref_slice %arg4[%add3A_32] : memref<851968xf32, #tpu.memory_space<hbm>> -> memref<1024xf32, #tpu.memory_space<hbm>>
    tpu.enqueue_dma source(%dma_start3A_38 : memref<1024xf32, #tpu.memory_space<hbm>>) target(%arg10 : memref<1024xf32, #tpu.memory_space<vmem>>) target_semaphore(%arg25 : memref<!tpu.dma_semaphore, #tpu.memory_space<semaphore_mem>>)
    %add3A_39 = arith.constant 1024 : i32
    %add3A_40 = arith.addi %mul3A_2, %add3A_39 : i32
    %dma_start3A_41 = tpu.memref_slice %arg2[%add3A_40] : memref<851968xi32, #tpu.memory_space<hbm>> -> memref<1024xi32, #tpu.memory_space<hbm>>
    %dma_start3A_42 = tpu.memref_slice %arg2[%add3A_40] : memref<851968xi32, #tpu.memory_space<hbm>> -> memref<1024xi32, #tpu.memory_space<hbm>>
    tpu.enqueue_dma source(%dma_start3A_42 : memref<1024xi32, #tpu.memory_space<hbm>>) target(%arg11 : memref<1024xi32, #tpu.memory_space<vmem>>) target_semaphore(%arg26 : memref<!tpu.dma_semaphore, #tpu.memory_space<semaphore_mem>>)
    %dma_start3A_43 = tpu.memref_slice %arg3[%add3A_40] : memref<851968xi32, #tpu.memory_space<hbm>> -> memref<1024xi32, #tpu.memory_space<hbm>>
    %dma_start3A_44 = tpu.memref_slice %arg3[%add3A_40] : memref<851968xi32, #tpu.memory_space<hbm>> -> memref<1024xi32, #tpu.memory_space<hbm>>
    tpu.enqueue_dma source(%dma_start3A_44 : memref<1024xi32, #tpu.memory_space<hbm>>) target(%arg12 : memref<1024xi32, #tpu.memory_space<vmem>>) target_semaphore(%arg26 : memref<!tpu.dma_semaphore, #tpu.memory_space<semaphore_mem>>)
    %dma_start3A_45 = tpu.memref_slice %arg4[%add3A_40] : memref<851968xf32, #tpu.memory_space<hbm>> -> memref<1024xf32, #tpu.memory_space<hbm>>
    %dma_start3A_46 = tpu.memref_slice %arg4[%add3A_40] : memref<851968xf32, #tpu.memory_space<hbm>> -> memref<1024xf32, #tpu.memory_space<hbm>>
    tpu.enqueue_dma source(%dma_start3A_46 : memref<1024xf32, #tpu.memory_space<hbm>>) target(%arg13 : memref<1024xf32, #tpu.memory_space<vmem>>) target_semaphore(%arg26 : memref<!tpu.dma_semaphore, #tpu.memory_space<semaphore_mem>>)
    %scan3A_47 = arith.constant 0 : i32
    %scan3A_48 = arith.constant 13 : i32
    %scan3A_49 = arith.addi %scan3A_47, %scan3A_48 : i32
    %scan3A_50 = arith.constant 1 : i32
    scf.for %scan3A_52 = %scan3A_47 to %scan3A_49 step %scan3A_50  : i32 {
      %mul3A_53 = arith.constant 1 : i32
      %mul3A_54 = arith.muli %scan3A_52, %mul3A_53 : i32
      %add3A_55 = arith.constant 0 : i32
      %add3A_56 = arith.addi %add3A_55, %mul3A_54 : i32
      %dma_wait3A = arith.constant 0 : i32
      %dma_wait3A_57 = tpu.memref_slice %arg2[%dma_wait3A] : memref<851968xi32, #tpu.memory_space<hbm>> -> memref<1024xi32, #tpu.memory_space<hbm>>
      %dma_wait3A_58 = arith.constant 0 : i32
      %dma_wait3A_59 = tpu.memref_slice %arg2[%dma_wait3A_58] : memref<851968xi32, #tpu.memory_space<hbm>> -> memref<1024xi32, #tpu.memory_space<hbm>>
      tpu.wait_dma2 semaphore(%arg25 : memref<!tpu.dma_semaphore, #tpu.memory_space<semaphore_mem>>) src(%dma_wait3A_59 : memref<1024xi32, #tpu.memory_space<hbm>>) dst(%arg8 : memref<1024xi32, #tpu.memory_space<vmem>>)
      %dma_wait3A_60 = arith.constant 0 : i32
      %dma_wait3A_61 = tpu.memref_slice %arg2[%dma_wait3A_60] : memref<851968xi32, #tpu.memory_space<hbm>> -> memref<1024xi32, #tpu.memory_space<hbm>>
      %dma_wait3A_62 = arith.constant 0 : i32
      %dma_wait3A_63 = tpu.memref_slice %arg2[%dma_wait3A_62] : memref<851968xi32, #tpu.memory_space<hbm>> -> memref<1024xi32, #tpu.memory_space<hbm>>
      tpu.wait_dma2 semaphore(%arg25 : memref<!tpu.dma_semaphore, #tpu.memory_space<semaphore_mem>>) src(%dma_wait3A_63 : memref<1024xi32, #tpu.memory_space<hbm>>) dst(%arg8 : memref<1024xi32, #tpu.memory_space<vmem>>)
      %dma_wait3A_64 = arith.constant 0 : i32
      %dma_wait3A_65 = tpu.memref_slice %arg2[%dma_wait3A_64] : memref<851968xi32, #tpu.memory_space<hbm>> -> memref<1024xi32, #tpu.memory_space<hbm>>
      %dma_wait3A_66 = arith.constant 0 : i32
      %dma_wait3A_67 = tpu.memref_slice %arg2[%dma_wait3A_66] : memref<851968xi32, #tpu.memory_space<hbm>> -> memref<1024xi32, #tpu.memory_space<hbm>>
      tpu.wait_dma2 semaphore(%arg25 : memref<!tpu.dma_semaphore, #tpu.memory_space<semaphore_mem>>) src(%dma_wait3A_67 : memref<1024xi32, #tpu.memory_space<hbm>>) dst(%arg8 : memref<1024xi32, #tpu.memory_space<vmem>>)
      %scan3A_68 = arith.constant 0 : i32
      %scan3A_69 = arith.constant 16 : i32
      %scan3A_70 = arith.addi %scan3A_68, %scan3A_69 : i32
      %scan3A_71 = arith.constant 1 : i32
      scf.for %scan3A_97 = %scan3A_68 to %scan3A_70 step %scan3A_71  : i32 {
        %mul3A_98 = arith.constant 1 : i32
        %mul3A_99 = arith.muli %scan3A_97, %mul3A_98 : i32
        %add3A_100 = arith.constant 0 : i32
        %add3A_101 = arith.addi %add3A_100, %mul3A_99 : i32
        %mul3A_102 = arith.constant 64 : i32
        %mul3A_103 = arith.muli %add3A_101, %mul3A_102 : i32
        %add3A_104 = arith.constant 0 : i32
        %add3A_105 = arith.addi %mul3A_103, %add3A_104 : i32
        %get3A = arith.index_cast %add3A_105 : i32 to index
        %get3A_106 = tpu.vector_load %arg8[%get3A] {strides = array<i32>} : memref<1024xi32, #tpu.memory_space<vmem>>, vector<16xi32>,
        %get3A_107 = arith.index_cast %add3A_105 : i32 to index
        %get3A_108 = tpu.vector_load %arg9[%get3A_107] {strides = array<i32>} : memref<1024xi32, #tpu.memory_space<vmem>>, vector<16xi32>,
        %get3A_109 = arith.index_cast %add3A_105 : i32 to index
        %get3A_110 = tpu.vector_load %arg10[%get3A_109] {strides = array<i32>} : memref<1024xf32, #tpu.memory_space<vmem>>, vector<16xf32>,
        %mul3A_111 = arith.constant 4096 : i32
        %mul3A_112 = vector.broadcast %mul3A_111 : i32 to vector<16xi32>
        %mul3A_113 = arith.muli %get3A_106, %mul3A_112 : vector<16xi32>
        %add3A_114 = arith.addi %mul3A_113, %get3A_108 : vector<16xi32>
        %shift_right_logical3A = arith.constant 16 : i32
        %shift_right_logical3A_115 = vector.broadcast %shift_right_logical3A : i32 to vector<16xi32>
        %shift_right_logical3A_116 = arith.shrui %add3A_114, %shift_right_logical3A_115 : vector<16xi32>
        %and3A = arith.constant 65535 : i32
        %and3A_117 = vector.broadcast %and3A : i32 to vector<16xi32>
        %and3A_118 = arith.andi %add3A_114, %and3A_117 : vector<16xi32>
        %broadcast_in_dim3A_119 = arith.constant true
        %broadcast_in_dim3A_120 = vector.broadcast %broadcast_in_dim3A_119 : i1 to vector<16xi1>
        %unique3A, %unique3A_121 = tpu.scan_count mask(%broadcast_in_dim3A_120 : vector<16xi1>) value(%shift_right_logical3A_116 : vector<16xi32>) : vector<16xi1>, vector<16xi32>
        %gather3A = tpu.vector_load_idx %arg19[%shift_right_logical3A_116] : memref<272xi32, #tpu.memory_space<vmem>>[vector<16xi32>], vector<16xi32>,
        %add3A_122 = arith.addi %gather3A, %unique3A_121 : vector<16xi32>
        %sub3A = arith.constant 1 : i32
        %sub3A_123 = vector.broadcast %sub3A : i32 to vector<16xi32>
        %sub3A_124 = arith.subi %add3A_122, %sub3A_123 : vector<16xi32>
        tpu.vector_store_idx %arg23[%sub3A_124], %and3A_118 : memref<27136xi32, #tpu.memory_space<vmem>>[vector<16xi32>], vector<16xi32>,
        tpu.vector_store_idx %arg24[%sub3A_124], %get3A_110 : memref<27136xf32, #tpu.memory_space<vmem>>[vector<16xi32>], vector<16xf32>,
        %add3A_125 = arith.addi %gather3A, %unique3A_121 : vector<16xi32>
        tpu.vector_store_idx %arg19[%shift_right_logical3A_116], %add3A_125 masked %unique3A : memref<272xi32, #tpu.memory_space<vmem>>[vector<16xi32>], vector<16xi32>, vector<16xi1>
        %mul3A_126 = arith.constant 64 : i32
        %mul3A_127 = arith.muli %add3A_101, %mul3A_126 : i32
        %add3A_128 = arith.constant 16 : i32
        %add3A_129 = arith.addi %mul3A_127, %add3A_128 : i32
        %get3A_130 = arith.index_cast %add3A_129 : i32 to index
        %get3A_131 = tpu.vector_load %arg8[%get3A_130] {strides = array<i32>} : memref<1024xi32, #tpu.memory_space<vmem>>, vector<16xi32>,
        %get3A_132 = arith.index_cast %add3A_129 : i32 to index
        %get3A_133 = tpu.vector_load %arg9[%get3A_132] {strides = array<i32>} : memref<1024xi32, #tpu.memory_space<vmem>>, vector<16xi32>,
        %get3A_134 = arith.index_cast %add3A_129 : i32 to index
        %get3A_135 = tpu.vector_load %arg10[%get3A_134] {strides = array<i32>} : memref<1024xf32, #tpu.memory_space<vmem>>, vector<16xf32>,
        %mul3A_136 = arith.constant 4096 : i32
        %mul3A_137 = vector.broadcast %mul3A_136 : i32 to vector<16xi32>
        %mul3A_138 = arith.muli %get3A_131, %mul3A_137 : vector<16xi32>
        %add3A_139 = arith.addi %mul3A_138, %get3A_133 : vector<16xi32>
        %shift_right_logical3A_140 = arith.constant 16 : i32
        %shift_right_logical3A_141 = vector.broadcast %shift_right_logical3A_140 : i32 to vector<16xi32>
        %shift_right_logical3A_142 = arith.shrui %add3A_139, %shift_right_logical3A_141 : vector<16xi32>
        %and3A_143 = arith.constant 65535 : i32
        %and3A_144 = vector.broadcast %and3A_143 : i32 to vector<16xi32>
        %and3A_145 = arith.andi %add3A_139, %and3A_144 : vector<16xi32>
        %broadcast_in_dim3A_146 = arith.constant true
        %broadcast_in_dim3A_147 = vector.broadcast %broadcast_in_dim3A_146 : i1 to vector<16xi1>
        %unique3A_148, %unique3A_149 = tpu.scan_count mask(%broadcast_in_dim3A_147 : vector<16xi1>) value(%shift_right_logical3A_142 : vector<16xi32>) : vector<16xi1>, vector<16xi32>
        %gather3A_150 = tpu.vector_load_idx %arg20[%shift_right_logical3A_142] : memref<272xi32, #tpu.memory_space<vmem>>[vector<16xi32>], vector<16xi32>,
        %add3A_151 = arith.addi %gather3A_150, %unique3A_149 : vector<16xi32>
        %sub3A_152 = arith.constant 1 : i32
        %sub3A_153 = vector.broadcast %sub3A_152 : i32 to vector<16xi32>
        %sub3A_154 = arith.subi %add3A_151, %sub3A_153 : vector<16xi32>
        tpu.vector_store_idx %arg23[%sub3A_154], %and3A_145 : memref<27136xi32, #tpu.memory_space<vmem>>[vector<16xi32>], vector<16xi32>,
        tpu.vector_store_idx %arg24[%sub3A_154], %get3A_135 : memref<27136xf32, #tpu.memory_space<vmem>>[vector<16xi32>], vector<16xf32>,
        %add3A_155 = arith.addi %gather3A_150, %unique3A_149 : vector<16xi32>
        tpu.vector_store_idx %arg20[%shift_right_logical3A_142], %add3A_155 masked %unique3A_148 : memref<272xi32, #tpu.memory_space<vmem>>[vector<16xi32>], vector<16xi32>, vector<16xi1>
        %mul3A_156 = arith.constant 64 : i32
        %mul3A_157 = arith.muli %add3A_101, %mul3A_156 : i32
        %add3A_158 = arith.constant 32 : i32
        %add3A_159 = arith.addi %mul3A_157, %add3A_158 : i32
        %get3A_160 = arith.index_cast %add3A_159 : i32 to index
        %get3A_161 = tpu.vector_load %arg8[%get3A_160] {strides = array<i32>} : memref<1024xi32, #tpu.memory_space<vmem>>, vector<16xi32>,
        %get3A_162 = arith.index_cast %add3A_159 : i32 to index
        %get3A_163 = tpu.vector_load %arg9[%get3A_162] {strides = array<i32>} : memref<1024xi32, #tpu.memory_space<vmem>>, vector<16xi32>,
        %get3A_164 = arith.index_cast %add3A_159 : i32 to index
        %get3A_165 = tpu.vector_load %arg10[%get3A_164] {strides = array<i32>} : memref<1024xf32, #tpu.memory_space<vmem>>, vector<16xf32>,
        %mul3A_166 = arith.constant 4096 : i32
        %mul3A_167 = vector.broadcast %mul3A_166 : i32 to vector<16xi32>
        %mul3A_168 = arith.muli %get3A_161, %mul3A_167 : vector<16xi32>
        %add3A_169 = arith.addi %mul3A_168, %get3A_163 : vector<16xi32>
        %shift_right_logical3A_170 = arith.constant 16 : i32
        %shift_right_logical3A_171 = vector.broadcast %shift_right_logical3A_170 : i32 to vector<16xi32>
        %shift_right_logical3A_172 = arith.shrui %add3A_169, %shift_right_logical3A_171 : vector<16xi32>
        %and3A_173 = arith.constant 65535 : i32
        %and3A_174 = vector.broadcast %and3A_173 : i32 to vector<16xi32>
        %and3A_175 = arith.andi %add3A_169, %and3A_174 : vector<16xi32>
        %broadcast_in_dim3A_176 = arith.constant true
        %broadcast_in_dim3A_177 = vector.broadcast %broadcast_in_dim3A_176 : i1 to vector<16xi1>
        %unique3A_178, %unique3A_179 = tpu.scan_count mask(%broadcast_in_dim3A_177 : vector<16xi1>) value(%shift_right_logical3A_172 : vector<16xi32>) : vector<16xi1>, vector<16xi32>
        %gather3A_180 = tpu.vector_load_idx %arg21[%shift_right_logical3A_172] : memref<272xi32, #tpu.memory_space<vmem>>[vector<16xi32>], vector<16xi32>,
        %add3A_181 = arith.addi %gather3A_180, %unique3A_179 : vector<16xi32>
        %sub3A_182 = arith.constant 1 : i32
        %sub3A_183 = vector.broadcast %sub3A_182 : i32 to vector<16xi32>
        %sub3A_184 = arith.subi %add3A_181, %sub3A_183 : vector<16xi32>
        tpu.vector_store_idx %arg23[%sub3A_184], %and3A_175 : memref<27136xi32, #tpu.memory_space<vmem>>[vector<16xi32>], vector<16xi32>,
        tpu.vector_store_idx %arg24[%sub3A_184], %get3A_165 : memref<27136xf32, #tpu.memory_space<vmem>>[vector<16xi32>], vector<16xf32>,
        %add3A_185 = arith.addi %gather3A_180, %unique3A_179 : vector<16xi32>
        tpu.vector_store_idx %arg21[%shift_right_logical3A_172], %add3A_185 masked %unique3A_178 : memref<272xi32, #tpu.memory_space<vmem>>[vector<16xi32>], vector<16xi32>, vector<16xi1>
        %mul3A_186 = arith.constant 64 : i32
        %mul3A_187 = arith.muli %add3A_101, %mul3A_186 : i32
        %add3A_188 = arith.constant 48 : i32
        %add3A_189 = arith.addi %mul3A_187, %add3A_188 : i32
        %get3A_190 = arith.index_cast %add3A_189 : i32 to index
        %get3A_191 = tpu.vector_load %arg8[%get3A_190] {strides = array<i32>} : memref<1024xi32, #tpu.memory_space<vmem>>, vector<16xi32>,
        %get3A_192 = arith.index_cast %add3A_189 : i32 to index
        %get3A_193 = tpu.vector_load %arg9[%get3A_192] {strides = array<i32>} : memref<1024xi32, #tpu.memory_space<vmem>>, vector<16xi32>,
        %get3A_194 = arith.index_cast %add3A_189 : i32 to index
        %get3A_195 = tpu.vector_load %arg10[%get3A_194] {strides = array<i32>} : memref<1024xf32, #tpu.memory_space<vmem>>, vector<16xf32>,
        %mul3A_196 = arith.constant 4096 : i32
        %mul3A_197 = vector.broadcast %mul3A_196 : i32 to vector<16xi32>
        %mul3A_198 = arith.muli %get3A_191, %mul3A_197 : vector<16xi32>
        %add3A_199 = arith.addi %mul3A_198, %get3A_193 : vector<16xi32>
        %shift_right_logical3A_200 = arith.constant 16 : i32
        %shift_right_logical3A_201 = vector.broadcast %shift_right_logical3A_200 : i32 to vector<16xi32>
        %shift_right_logical3A_202 = arith.shrui %add3A_199, %shift_right_logical3A_201 : vector<16xi32>
        %and3A_203 = arith.constant 65535 : i32
        %and3A_204 = vector.broadcast %and3A_203 : i32 to vector<16xi32>
        %and3A_205 = arith.andi %add3A_199, %and3A_204 : vector<16xi32>
        %broadcast_in_dim3A_206 = arith.constant true
        %broadcast_in_dim3A_207 = vector.broadcast %broadcast_in_dim3A_206 : i1 to vector<16xi1>
        %unique3A_208, %unique3A_209 = tpu.scan_count mask(%broadcast_in_dim3A_207 : vector<16xi1>) value(%shift_right_logical3A_202 : vector<16xi32>) : vector<16xi1>, vector<16xi32>
        %gather3A_210 = tpu.vector_load_idx %arg22[%shift_right_logical3A_202] : memref<272xi32, #tpu.memory_space<vmem>>[vector<16xi32>], vector<16xi32>,
        %add3A_211 = arith.addi %gather3A_210, %unique3A_209 : vector<16xi32>
        %sub3A_212 = arith.constant 1 : i32
        %sub3A_213 = vector.broadcast %sub3A_212 : i32 to vector<16xi32>
        %sub3A_214 = arith.subi %add3A_211, %sub3A_213 : vector<16xi32>
        tpu.vector_store_idx %arg23[%sub3A_214], %and3A_205 : memref<27136xi32, #tpu.memory_space<vmem>>[vector<16xi32>], vector<16xi32>,
        tpu.vector_store_idx %arg24[%sub3A_214], %get3A_195 : memref<27136xf32, #tpu.memory_space<vmem>>[vector<16xi32>], vector<16xf32>,
        %add3A_215 = arith.addi %gather3A_210, %unique3A_209 : vector<16xi32>
        tpu.vector_store_idx %arg22[%shift_right_logical3A_202], %add3A_215 masked %unique3A_208 : memref<272xi32, #tpu.memory_space<vmem>>[vector<16xi32>], vector<16xi32>, vector<16xi1>
      }
      %scan3A_72 = arith.constant 16 : i32
      %lt3A = arith.constant 12 : i32
      %lt3A_73 = arith.cmpi slt, %add3A_56, %lt3A : i32
      %convert_element_type3A = arith.extui %lt3A_73 : i1 to i32
      %cond3A = arith.constant 0 : i32
      %cond3A_74 = arith.cmpi ne, %convert_element_type3A, %cond3A : i32
      scf.if %cond3A_74 {
        %mul3A_97 = arith.constant 2 : i32
        %mul3A_98 = arith.muli %mul3A_97, %add3A_56 : i32
        %add3A_99 = arith.constant 2 : i32
        %add3A_100 = arith.addi %mul3A_98, %add3A_99 : i32
        %mul3A_101 = arith.constant 1024 : i32
        %mul3A_102 = arith.muli %add3A_100, %mul3A_101 : i32
        %add3A_103 = arith.addi %mul3A_2, %mul3A_102 : i32
        %dma_start3A_104 = tpu.memref_slice %arg2[%add3A_103] : memref<851968xi32, #tpu.memory_space<hbm>> -> memref<1024xi32, #tpu.memory_space<hbm>>
        %dma_start3A_105 = tpu.memref_slice %arg2[%add3A_103] : memref<851968xi32, #tpu.memory_space<hbm>> -> memref<1024xi32, #tpu.memory_space<hbm>>
        tpu.enqueue_dma source(%dma_start3A_105 : memref<1024xi32, #tpu.memory_space<hbm>>) target(%arg8 : memref<1024xi32, #tpu.memory_space<vmem>>) target_semaphore(%arg25 : memref<!tpu.dma_semaphore, #tpu.memory_space<semaphore_mem>>)
        %dma_start3A_106 = tpu.memref_slice %arg3[%add3A_103] : memref<851968xi32, #tpu.memory_space<hbm>> -> memref<1024xi32, #tpu.memory_space<hbm>>
        %dma_start3A_107 = tpu.memref_slice %arg3[%add3A_103] : memref<851968xi32, #tpu.memory_space<hbm>> -> memref<1024xi32, #tpu.memory_space<hbm>>
        tpu.enqueue_dma source(%dma_start3A_107 : memref<1024xi32, #tpu.memory_space<hbm>>) target(%arg9 : memref<1024xi32, #tpu.memory_space<vmem>>) target_semaphore(%arg25 : memref<!tpu.dma_semaphore, #tpu.memory_space<semaphore_mem>>)
        %dma_start3A_108 = tpu.memref_slice %arg4[%add3A_103] : memref<851968xf32, #tpu.memory_space<hbm>> -> memref<1024xf32, #tpu.memory_space<hbm>>
        %dma_start3A_109 = tpu.memref_slice %arg4[%add3A_103] : memref<851968xf32, #tpu.memory_space<hbm>> -> memref<1024xf32, #tpu.memory_space<hbm>>
        tpu.enqueue_dma source(%dma_start3A_109 : memref<1024xf32, #tpu.memory_space<hbm>>) target(%arg10 : memref<1024xf32, #tpu.memory_space<vmem>>) target_semaphore(%arg25 : memref<!tpu.dma_semaphore, #tpu.memory_space<semaphore_mem>>)
      } else {
      }
      %dma_wait3A_75 = arith.constant 0 : i32
      %dma_wait3A_76 = tpu.memref_slice %arg2[%dma_wait3A_75] : memref<851968xi32, #tpu.memory_space<hbm>> -> memref<1024xi32, #tpu.memory_space<hbm>>
      %dma_wait3A_77 = arith.constant 0 : i32
      %dma_wait3A_78 = tpu.memref_slice %arg2[%dma_wait3A_77] : memref<851968xi32, #tpu.memory_space<hbm>> -> memref<1024xi32, #tpu.memory_space<hbm>>
      tpu.wait_dma2 semaphore(%arg26 : memref<!tpu.dma_semaphore, #tpu.memory_space<semaphore_mem>>) src(%dma_wait3A_78 : memref<1024xi32, #tpu.memory_space<hbm>>) dst(%arg11 : memref<1024xi32, #tpu.memory_space<vmem>>)
      %dma_wait3A_79 = arith.constant 0 : i32
      %dma_wait3A_80 = tpu.memref_slice %arg2[%dma_wait3A_79] : memref<851968xi32, #tpu.memory_space<hbm>> -> memref<1024xi32, #tpu.memory_space<hbm>>
      %dma_wait3A_81 = arith.constant 0 : i32
      %dma_wait3A_82 = tpu.memref_slice %arg2[%dma_wait3A_81] : memref<851968xi32, #tpu.memory_space<hbm>> -> memref<1024xi32, #tpu.memory_space<hbm>>
      tpu.wait_dma2 semaphore(%arg26 : memref<!tpu.dma_semaphore, #tpu.memory_space<semaphore_mem>>) src(%dma_wait3A_82 : memref<1024xi32, #tpu.memory_space<hbm>>) dst(%arg11 : memref<1024xi32, #tpu.memory_space<vmem>>)
      %dma_wait3A_83 = arith.constant 0 : i32
      %dma_wait3A_84 = tpu.memref_slice %arg2[%dma_wait3A_83] : memref<851968xi32, #tpu.memory_space<hbm>> -> memref<1024xi32, #tpu.memory_space<hbm>>
      %dma_wait3A_85 = arith.constant 0 : i32
      %dma_wait3A_86 = tpu.memref_slice %arg2[%dma_wait3A_85] : memref<851968xi32, #tpu.memory_space<hbm>> -> memref<1024xi32, #tpu.memory_space<hbm>>
      tpu.wait_dma2 semaphore(%arg26 : memref<!tpu.dma_semaphore, #tpu.memory_space<semaphore_mem>>) src(%dma_wait3A_86 : memref<1024xi32, #tpu.memory_space<hbm>>) dst(%arg11 : memref<1024xi32, #tpu.memory_space<vmem>>)
      %scan3A_87 = arith.constant 0 : i32
      %scan3A_88 = arith.constant 16 : i32
      %scan3A_89 = arith.addi %scan3A_87, %scan3A_88 : i32
      %scan3A_90 = arith.constant 1 : i32
      scf.for %scan3A_97 = %scan3A_87 to %scan3A_89 step %scan3A_90  : i32 {
        %mul3A_98 = arith.constant 1 : i32
        %mul3A_99 = arith.muli %scan3A_97, %mul3A_98 : i32
        %add3A_100 = arith.constant 0 : i32
        %add3A_101 = arith.addi %add3A_100, %mul3A_99 : i32
        %mul3A_102 = arith.constant 64 : i32
        %mul3A_103 = arith.muli %add3A_101, %mul3A_102 : i32
        %add3A_104 = arith.constant 0 : i32
        %add3A_105 = arith.addi %mul3A_103, %add3A_104 : i32
        %get3A = arith.index_cast %add3A_105 : i32 to index
        %get3A_106 = tpu.vector_load %arg11[%get3A] {strides = array<i32>} : memref<1024xi32, #tpu.memory_space<vmem>>, vector<16xi32>,
        %get3A_107 = arith.index_cast %add3A_105 : i32 to index
        %get3A_108 = tpu.vector_load %arg12[%get3A_107] {strides = array<i32>} : memref<1024xi32, #tpu.memory_space<vmem>>, vector<16xi32>,
        %get3A_109 = arith.index_cast %add3A_105 : i32 to index
        %get3A_110 = tpu.vector_load %arg13[%get3A_109] {strides = array<i32>} : memref<1024xf32, #tpu.memory_space<vmem>>, vector<16xf32>,
        %mul3A_111 = arith.constant 4096 : i32
        %mul3A_112 = vector.broadcast %mul3A_111 : i32 to vector<16xi32>
        %mul3A_113 = arith.muli %get3A_106, %mul3A_112 : vector<16xi32>
        %add3A_114 = arith.addi %mul3A_113, %get3A_108 : vector<16xi32>
        %shift_right_logical3A = arith.constant 16 : i32
        %shift_right_logical3A_115 = vector.broadcast %shift_right_logical3A : i32 to vector<16xi32>
        %shift_right_logical3A_116 = arith.shrui %add3A_114, %shift_right_logical3A_115 : vector<16xi32>
        %and3A = arith.constant 65535 : i32
        %and3A_117 = vector.broadcast %and3A : i32 to vector<16xi32>
        %and3A_118 = arith.andi %add3A_114, %and3A_117 : vector<16xi32>
        %broadcast_in_dim3A_119 = arith.constant true
        %broadcast_in_dim3A_120 = vector.broadcast %broadcast_in_dim3A_119 : i1 to vector<16xi1>
        %unique3A, %unique3A_121 = tpu.scan_count mask(%broadcast_in_dim3A_120 : vector<16xi1>) value(%shift_right_logical3A_116 : vector<16xi32>) : vector<16xi1>, vector<16xi32>
        %gather3A = tpu.vector_load_idx %arg19[%shift_right_logical3A_116] : memref<272xi32, #tpu.memory_space<vmem>>[vector<16xi32>], vector<16xi32>,
        %add3A_122 = arith.addi %gather3A, %unique3A_121 : vector<16xi32>
        %sub3A = arith.constant 1 : i32
        %sub3A_123 = vector.broadcast %sub3A : i32 to vector<16xi32>
        %sub3A_124 = arith.subi %add3A_122, %sub3A_123 : vector<16xi32>
        tpu.vector_store_idx %arg23[%sub3A_124], %and3A_118 : memref<27136xi32, #tpu.memory_space<vmem>>[vector<16xi32>], vector<16xi32>,
        tpu.vector_store_idx %arg24[%sub3A_124], %get3A_110 : memref<27136xf32, #tpu.memory_space<vmem>>[vector<16xi32>], vector<16xf32>,
        %add3A_125 = arith.addi %gather3A, %unique3A_121 : vector<16xi32>
        tpu.vector_store_idx %arg19[%shift_right_logical3A_116], %add3A_125 masked %unique3A : memref<272xi32, #tpu.memory_space<vmem>>[vector<16xi32>], vector<16xi32>, vector<16xi1>
        %mul3A_126 = arith.constant 64 : i32
        %mul3A_127 = arith.muli %add3A_101, %mul3A_126 : i32
        %add3A_128 = arith.constant 16 : i32
        %add3A_129 = arith.addi %mul3A_127, %add3A_128 : i32
        %get3A_130 = arith.index_cast %add3A_129 : i32 to index
        %get3A_131 = tpu.vector_load %arg11[%get3A_130] {strides = array<i32>} : memref<1024xi32, #tpu.memory_space<vmem>>, vector<16xi32>,
        %get3A_132 = arith.index_cast %add3A_129 : i32 to index
        %get3A_133 = tpu.vector_load %arg12[%get3A_132] {strides = array<i32>} : memref<1024xi32, #tpu.memory_space<vmem>>, vector<16xi32>,
        %get3A_134 = arith.index_cast %add3A_129 : i32 to index
        %get3A_135 = tpu.vector_load %arg13[%get3A_134] {strides = array<i32>} : memref<1024xf32, #tpu.memory_space<vmem>>, vector<16xf32>,
        %mul3A_136 = arith.constant 4096 : i32
        %mul3A_137 = vector.broadcast %mul3A_136 : i32 to vector<16xi32>
        %mul3A_138 = arith.muli %get3A_131, %mul3A_137 : vector<16xi32>
        %add3A_139 = arith.addi %mul3A_138, %get3A_133 : vector<16xi32>
        %shift_right_logical3A_140 = arith.constant 16 : i32
        %shift_right_logical3A_141 = vector.broadcast %shift_right_logical3A_140 : i32 to vector<16xi32>
        %shift_right_logical3A_142 = arith.shrui %add3A_139, %shift_right_logical3A_141 : vector<16xi32>
        %and3A_143 = arith.constant 65535 : i32
        %and3A_144 = vector.broadcast %and3A_143 : i32 to vector<16xi32>
        %and3A_145 = arith.andi %add3A_139, %and3A_144 : vector<16xi32>
        %broadcast_in_dim3A_146 = arith.constant true
        %broadcast_in_dim3A_147 = vector.broadcast %broadcast_in_dim3A_146 : i1 to vector<16xi1>
        %unique3A_148, %unique3A_149 = tpu.scan_count mask(%broadcast_in_dim3A_147 : vector<16xi1>) value(%shift_right_logical3A_142 : vector<16xi32>) : vector<16xi1>, vector<16xi32>
        %gather3A_150 = tpu.vector_load_idx %arg20[%shift_right_logical3A_142] : memref<272xi32, #tpu.memory_space<vmem>>[vector<16xi32>], vector<16xi32>,
        %add3A_151 = arith.addi %gather3A_150, %unique3A_149 : vector<16xi32>
        %sub3A_152 = arith.constant 1 : i32
        %sub3A_153 = vector.broadcast %sub3A_152 : i32 to vector<16xi32>
        %sub3A_154 = arith.subi %add3A_151, %sub3A_153 : vector<16xi32>
        tpu.vector_store_idx %arg23[%sub3A_154], %and3A_145 : memref<27136xi32, #tpu.memory_space<vmem>>[vector<16xi32>], vector<16xi32>,
        tpu.vector_store_idx %arg24[%sub3A_154], %get3A_135 : memref<27136xf32, #tpu.memory_space<vmem>>[vector<16xi32>], vector<16xf32>,
        %add3A_155 = arith.addi %gather3A_150, %unique3A_149 : vector<16xi32>
        tpu.vector_store_idx %arg20[%shift_right_logical3A_142], %add3A_155 masked %unique3A_148 : memref<272xi32, #tpu.memory_space<vmem>>[vector<16xi32>], vector<16xi32>, vector<16xi1>
        %mul3A_156 = arith.constant 64 : i32
        %mul3A_157 = arith.muli %add3A_101, %mul3A_156 : i32
        %add3A_158 = arith.constant 32 : i32
        %add3A_159 = arith.addi %mul3A_157, %add3A_158 : i32
        %get3A_160 = arith.index_cast %add3A_159 : i32 to index
        %get3A_161 = tpu.vector_load %arg11[%get3A_160] {strides = array<i32>} : memref<1024xi32, #tpu.memory_space<vmem>>, vector<16xi32>,
        %get3A_162 = arith.index_cast %add3A_159 : i32 to index
        %get3A_163 = tpu.vector_load %arg12[%get3A_162] {strides = array<i32>} : memref<1024xi32, #tpu.memory_space<vmem>>, vector<16xi32>,
        %get3A_164 = arith.index_cast %add3A_159 : i32 to index
        %get3A_165 = tpu.vector_load %arg13[%get3A_164] {strides = array<i32>} : memref<1024xf32, #tpu.memory_space<vmem>>, vector<16xf32>,
        %mul3A_166 = arith.constant 4096 : i32
        %mul3A_167 = vector.broadcast %mul3A_166 : i32 to vector<16xi32>
        %mul3A_168 = arith.muli %get3A_161, %mul3A_167 : vector<16xi32>
        %add3A_169 = arith.addi %mul3A_168, %get3A_163 : vector<16xi32>
        %shift_right_logical3A_170 = arith.constant 16 : i32
        %shift_right_logical3A_171 = vector.broadcast %shift_right_logical3A_170 : i32 to vector<16xi32>
        %shift_right_logical3A_172 = arith.shrui %add3A_169, %shift_right_logical3A_171 : vector<16xi32>
        %and3A_173 = arith.constant 65535 : i32
        %and3A_174 = vector.broadcast %and3A_173 : i32 to vector<16xi32>
        %and3A_175 = arith.andi %add3A_169, %and3A_174 : vector<16xi32>
        %broadcast_in_dim3A_176 = arith.constant true
        %broadcast_in_dim3A_177 = vector.broadcast %broadcast_in_dim3A_176 : i1 to vector<16xi1>
        %unique3A_178, %unique3A_179 = tpu.scan_count mask(%broadcast_in_dim3A_177 : vector<16xi1>) value(%shift_right_logical3A_172 : vector<16xi32>) : vector<16xi1>, vector<16xi32>
        %gather3A_180 = tpu.vector_load_idx %arg21[%shift_right_logical3A_172] : memref<272xi32, #tpu.memory_space<vmem>>[vector<16xi32>], vector<16xi32>,
        %add3A_181 = arith.addi %gather3A_180, %unique3A_179 : vector<16xi32>
        %sub3A_182 = arith.constant 1 : i32
        %sub3A_183 = vector.broadcast %sub3A_182 : i32 to vector<16xi32>
        %sub3A_184 = arith.subi %add3A_181, %sub3A_183 : vector<16xi32>
        tpu.vector_store_idx %arg23[%sub3A_184], %and3A_175 : memref<27136xi32, #tpu.memory_space<vmem>>[vector<16xi32>], vector<16xi32>,
        tpu.vector_store_idx %arg24[%sub3A_184], %get3A_165 : memref<27136xf32, #tpu.memory_space<vmem>>[vector<16xi32>], vector<16xf32>,
        %add3A_185 = arith.addi %gather3A_180, %unique3A_179 : vector<16xi32>
        tpu.vector_store_idx %arg21[%shift_right_logical3A_172], %add3A_185 masked %unique3A_178 : memref<272xi32, #tpu.memory_space<vmem>>[vector<16xi32>], vector<16xi32>, vector<16xi1>
        %mul3A_186 = arith.constant 64 : i32
        %mul3A_187 = arith.muli %add3A_101, %mul3A_186 : i32
        %add3A_188 = arith.constant 48 : i32
        %add3A_189 = arith.addi %mul3A_187, %add3A_188 : i32
        %get3A_190 = arith.index_cast %add3A_189 : i32 to index
        %get3A_191 = tpu.vector_load %arg11[%get3A_190] {strides = array<i32>} : memref<1024xi32, #tpu.memory_space<vmem>>, vector<16xi32>,
        %get3A_192 = arith.index_cast %add3A_189 : i32 to index
        %get3A_193 = tpu.vector_load %arg12[%get3A_192] {strides = array<i32>} : memref<1024xi32, #tpu.memory_space<vmem>>, vector<16xi32>,
        %get3A_194 = arith.index_cast %add3A_189 : i32 to index
        %get3A_195 = tpu.vector_load %arg13[%get3A_194] {strides = array<i32>} : memref<1024xf32, #tpu.memory_space<vmem>>, vector<16xf32>,
        %mul3A_196 = arith.constant 4096 : i32
        %mul3A_197 = vector.broadcast %mul3A_196 : i32 to vector<16xi32>
        %mul3A_198 = arith.muli %get3A_191, %mul3A_197 : vector<16xi32>
        %add3A_199 = arith.addi %mul3A_198, %get3A_193 : vector<16xi32>
        %shift_right_logical3A_200 = arith.constant 16 : i32
        %shift_right_logical3A_201 = vector.broadcast %shift_right_logical3A_200 : i32 to vector<16xi32>
        %shift_right_logical3A_202 = arith.shrui %add3A_199, %shift_right_logical3A_201 : vector<16xi32>
        %and3A_203 = arith.constant 65535 : i32
        %and3A_204 = vector.broadcast %and3A_203 : i32 to vector<16xi32>
        %and3A_205 = arith.andi %add3A_199, %and3A_204 : vector<16xi32>
        %broadcast_in_dim3A_206 = arith.constant true
        %broadcast_in_dim3A_207 = vector.broadcast %broadcast_in_dim3A_206 : i1 to vector<16xi1>
        %unique3A_208, %unique3A_209 = tpu.scan_count mask(%broadcast_in_dim3A_207 : vector<16xi1>) value(%shift_right_logical3A_202 : vector<16xi32>) : vector<16xi1>, vector<16xi32>
        %gather3A_210 = tpu.vector_load_idx %arg22[%shift_right_logical3A_202] : memref<272xi32, #tpu.memory_space<vmem>>[vector<16xi32>], vector<16xi32>,
        %add3A_211 = arith.addi %gather3A_210, %unique3A_209 : vector<16xi32>
        %sub3A_212 = arith.constant 1 : i32
        %sub3A_213 = vector.broadcast %sub3A_212 : i32 to vector<16xi32>
        %sub3A_214 = arith.subi %add3A_211, %sub3A_213 : vector<16xi32>
        tpu.vector_store_idx %arg23[%sub3A_214], %and3A_205 : memref<27136xi32, #tpu.memory_space<vmem>>[vector<16xi32>], vector<16xi32>,
        tpu.vector_store_idx %arg24[%sub3A_214], %get3A_195 : memref<27136xf32, #tpu.memory_space<vmem>>[vector<16xi32>], vector<16xf32>,
        %add3A_215 = arith.addi %gather3A_210, %unique3A_209 : vector<16xi32>
        tpu.vector_store_idx %arg22[%shift_right_logical3A_202], %add3A_215 masked %unique3A_208 : memref<272xi32, #tpu.memory_space<vmem>>[vector<16xi32>], vector<16xi32>, vector<16xi1>
      }
      %scan3A_91 = arith.constant 16 : i32
      %lt3A_92 = arith.constant 12 : i32
      %lt3A_93 = arith.cmpi slt, %add3A_56, %lt3A_92 : i32
      %convert_element_type3A_94 = arith.extui %lt3A_93 : i1 to i32
      %cond3A_95 = arith.constant 0 : i32
      %cond3A_96 = arith.cmpi ne, %convert_element_type3A_94, %cond3A_95 : i32
      scf.if %cond3A_96 {
        %mul3A_97 = arith.constant 2 : i32
        %mul3A_98 = arith.muli %mul3A_97, %add3A_56 : i32
        %add3A_99 = arith.constant 3 : i32
        %add3A_100 = arith.addi %mul3A_98, %add3A_99 : i32
        %mul3A_101 = arith.constant 1024 : i32
        %mul3A_102 = arith.muli %add3A_100, %mul3A_101 : i32
        %add3A_103 = arith.addi %mul3A_2, %mul3A_102 : i32
        %dma_start3A_104 = tpu.memref_slice %arg2[%add3A_103] : memref<851968xi32, #tpu.memory_space<hbm>> -> memref<1024xi32, #tpu.memory_space<hbm>>
        %dma_start3A_105 = tpu.memref_slice %arg2[%add3A_103] : memref<851968xi32, #tpu.memory_space<hbm>> -> memref<1024xi32, #tpu.memory_space<hbm>>
        tpu.enqueue_dma source(%dma_start3A_105 : memref<1024xi32, #tpu.memory_space<hbm>>) target(%arg11 : memref<1024xi32, #tpu.memory_space<vmem>>) target_semaphore(%arg26 : memref<!tpu.dma_semaphore, #tpu.memory_space<semaphore_mem>>)
        %dma_start3A_106 = tpu.memref_slice %arg3[%add3A_103] : memref<851968xi32, #tpu.memory_space<hbm>> -> memref<1024xi32, #tpu.memory_space<hbm>>
        %dma_start3A_107 = tpu.memref_slice %arg3[%add3A_103] : memref<851968xi32, #tpu.memory_space<hbm>> -> memref<1024xi32, #tpu.memory_space<hbm>>
        tpu.enqueue_dma source(%dma_start3A_107 : memref<1024xi32, #tpu.memory_space<hbm>>) target(%arg12 : memref<1024xi32, #tpu.memory_space<vmem>>) target_semaphore(%arg26 : memref<!tpu.dma_semaphore, #tpu.memory_space<semaphore_mem>>)
        %dma_start3A_108 = tpu.memref_slice %arg4[%add3A_103] : memref<851968xf32, #tpu.memory_space<hbm>> -> memref<1024xf32, #tpu.memory_space<hbm>>
        %dma_start3A_109 = tpu.memref_slice %arg4[%add3A_103] : memref<851968xf32, #tpu.memory_space<hbm>> -> memref<1024xf32, #tpu.memory_space<hbm>>
        tpu.enqueue_dma source(%dma_start3A_109 : memref<1024xf32, #tpu.memory_space<hbm>>) target(%arg13 : memref<1024xf32, #tpu.memory_space<vmem>>) target_semaphore(%arg26 : memref<!tpu.dma_semaphore, #tpu.memory_space<semaphore_mem>>)
      } else {
      }
    }
    %scan3A_51 = arith.constant 13 : i32
    "tpu.region"() ({
      %run_scoped3A = tpu.sem_alloc : memref<!tpu.dma_semaphore, #tpu.memory_space<semaphore_mem>>
      %dma_start3A_52 = arith.constant 0 : i32
      %dma_start3A_53 = tpu.memref_slice %arg5[%add3A, %dma_start3A_52] : memref<32x27136xi32, #tpu.memory_space<hbm>> -> memref<1x27136xi32, #tpu.memory_space<hbm>>
      %dma_start3A_54 = tpu.memref_squeeze %dma_start3A_53 : memref<1x27136xi32, #tpu.memory_space<hbm>> -> memref<27136xi32, #tpu.memory_space<hbm>>
      %dma_start3A_55 = arith.constant 0 : i32
      %dma_start3A_56 = tpu.memref_slice %arg5[%add3A, %dma_start3A_55] : memref<32x27136xi32, #tpu.memory_space<hbm>> -> memref<1x27136xi32, #tpu.memory_space<hbm>>
      %dma_start3A_57 = tpu.memref_squeeze %dma_start3A_56 : memref<1x27136xi32, #tpu.memory_space<hbm>> -> memref<27136xi32, #tpu.memory_space<hbm>>
      tpu.enqueue_dma source(%arg23 : memref<27136xi32, #tpu.memory_space<vmem>>) target(%dma_start3A_57 : memref<27136xi32, #tpu.memory_space<hbm>>) target_semaphore(%run_scoped3A : memref<!tpu.dma_semaphore, #tpu.memory_space<semaphore_mem>>)
      %dma_wait3A = arith.constant 0 : i32
      %dma_wait3A_58 = tpu.memref_slice %arg5[%add3A, %dma_wait3A] : memref<32x27136xi32, #tpu.memory_space<hbm>> -> memref<1x27136xi32, #tpu.memory_space<hbm>>
      %dma_wait3A_59 = tpu.memref_squeeze %dma_wait3A_58 : memref<1x27136xi32, #tpu.memory_space<hbm>> -> memref<27136xi32, #tpu.memory_space<hbm>>
      %dma_wait3A_60 = arith.constant 0 : i32
      %dma_wait3A_61 = tpu.memref_slice %arg5[%add3A, %dma_wait3A_60] : memref<32x27136xi32, #tpu.memory_space<hbm>> -> memref<1x27136xi32, #tpu.memory_space<hbm>>
      %dma_wait3A_62 = tpu.memref_squeeze %dma_wait3A_61 : memref<1x27136xi32, #tpu.memory_space<hbm>> -> memref<27136xi32, #tpu.memory_space<hbm>>
      tpu.wait_dma2 semaphore(%run_scoped3A : memref<!tpu.dma_semaphore, #tpu.memory_space<semaphore_mem>>) src(%arg23 : memref<27136xi32, #tpu.memory_space<vmem>>) dst(%dma_wait3A_62 : memref<27136xi32, #tpu.memory_space<hbm>>)
      tpu.yield
    }) : () -> ()
    "tpu.region"() ({
      %run_scoped3A = tpu.sem_alloc : memref<!tpu.dma_semaphore, #tpu.memory_space<semaphore_mem>>
      %dma_start3A_52 = arith.constant 0 : i32
      %dma_start3A_53 = tpu.memref_slice %arg6[%add3A, %dma_start3A_52] : memref<32x27136xf32, #tpu.memory_space<hbm>> -> memref<1x27136xf32, #tpu.memory_space<hbm>>
      %dma_start3A_54 = tpu.memref_squeeze %dma_start3A_53 : memref<1x27136xf32, #tpu.memory_space<hbm>> -> memref<27136xf32, #tpu.memory_space<hbm>>
      %dma_start3A_55 = arith.constant 0 : i32
      %dma_start3A_56 = tpu.memref_slice %arg6[%add3A, %dma_start3A_55] : memref<32x27136xf32, #tpu.memory_space<hbm>> -> memref<1x27136xf32, #tpu.memory_space<hbm>>
      %dma_start3A_57 = tpu.memref_squeeze %dma_start3A_56 : memref<1x27136xf32, #tpu.memory_space<hbm>> -> memref<27136xf32, #tpu.memory_space<hbm>>
      tpu.enqueue_dma source(%arg24 : memref<27136xf32, #tpu.memory_space<vmem>>) target(%dma_start3A_57 : memref<27136xf32, #tpu.memory_space<hbm>>) target_semaphore(%run_scoped3A : memref<!tpu.dma_semaphore, #tpu.memory_space<semaphore_mem>>)
      %dma_wait3A = arith.constant 0 : i32
      %dma_wait3A_58 = tpu.memref_slice %arg6[%add3A, %dma_wait3A] : memref<32x27136xf32, #tpu.memory_space<hbm>> -> memref<1x27136xf32, #tpu.memory_space<hbm>>
      %dma_wait3A_59 = tpu.memref_squeeze %dma_wait3A_58 : memref<1x27136xf32, #tpu.memory_space<hbm>> -> memref<27136xf32, #tpu.memory_space<hbm>>
      %dma_wait3A_60 = arith.constant 0 : i32
      %dma_wait3A_61 = tpu.memref_slice %arg6[%add3A, %dma_wait3A_60] : memref<32x27136xf32, #tpu.memory_space<hbm>> -> memref<1x27136xf32, #tpu.memory_space<hbm>>
      %dma_wait3A_62 = tpu.memref_squeeze %dma_wait3A_61 : memref<1x27136xf32, #tpu.memory_space<hbm>> -> memref<27136xf32, #tpu.memory_space<hbm>>
      tpu.wait_dma2 semaphore(%run_scoped3A : memref<!tpu.dma_semaphore, #tpu.memory_space<semaphore_mem>>) src(%arg24 : memref<27136xf32, #tpu.memory_space<vmem>>) dst(%dma_wait3A_62 : memref<27136xf32, #tpu.memory_space<hbm>>)
      tpu.yield
    }) : () -> ()
    return
  }
}

module attributes {stable_mosaic.version = 14 : i64} {
  func.func @_mm_body(%arg0: i32, %arg1: memref<1024x4096xbf16, #tpu.memory_space<vmem>>, %arg2: memref<4096x512xf32, #tpu.memory_space<vmem>>, %arg3: memref<1x512xf32, #tpu.memory_space<vmem>>, %arg4: memref<1024x512xf32, #tpu.memory_space<vmem>>) attributes {dimension_semantics = [#tpu.dimension_semantics<arbitrary>], iteration_bounds = array<i64: 8>, scalar_prefetch = 0 : i64, scratch_operands = 0 : i64, tpu.core_type = #tpu.core_type<tc>, window_params = [{pipeline_mode = #tpu.pipeline_mode<synchronous>, transform_indices = @transform_0, window_bounds = array<i64: 1024, 4096>}, {transform_indices = @transform_1, window_bounds = array<i64: 4096, 512>}, {transform_indices = @transform_2, window_bounds = array<i64: 1, 512>}, {transform_indices = @transform_3, window_bounds = array<i64: 1024, 512>}]} {
    %get3A = arith.constant 0 : index
    %get3A_0 = arith.constant 0 : index
    %get3A_1 = vector.load %arg1[%get3A, %get3A_0] : memref<1024x4096xbf16, #tpu.memory_space<vmem>>, vector<1024x4096xbf16>
    %get3A_2 = arith.constant 0 : index
    %get3A_3 = arith.constant 0 : index
    %get3A_4 = vector.load %arg2[%get3A_2, %get3A_3] : memref<4096x512xf32, #tpu.memory_space<vmem>>, vector<4096x512xf32>
    %convert_element_type3A = arith.truncf %get3A_4 : vector<4096x512xf32> to vector<4096x512xbf16>
    %dot_general3A = arith.constant dense<0.000000e+00> : vector<1024x512xf32>
    %dot_general3A_5 = tpu.matmul %get3A_1, %convert_element_type3A, %dot_general3A {dimension_numbers = #tpu.dot_dimension_numbers<[1], [0], [0], [1], [0, 0, 1, 1], [], []>, transpose_lhs_hint = false} : vector<1024x4096xbf16>, vector<4096x512xbf16>, vector<1024x512xf32> -> vector<1024x512xf32>
    %get3A_6 = arith.constant 0 : index
    %get3A_7 = arith.constant 0 : index
    %get3A_8 = vector.load %arg3[%get3A_6, %get3A_7] : memref<1x512xf32, #tpu.memory_space<vmem>>, vector<1x512xf32>
    %add3A = vector.broadcast %get3A_8 : vector<1x512xf32> to vector<1024x512xf32>
    %add3A_9 = arith.addf %dot_general3A_5, %add3A : vector<1024x512xf32>
    %tanh3A = math.tanh %add3A_9 : vector<1024x512xf32>
    %swap3A = arith.constant 0 : index
    %swap3A_10 = arith.constant 0 : index
    %swap3A_11 = vector.load %arg4[%swap3A, %swap3A_10] : memref<1024x512xf32, #tpu.memory_space<vmem>>, vector<1024x512xf32>
    tpu.vector_store %arg4[%swap3A, %swap3A_10], %tanh3A {strides = array<i32>} : memref<1024x512xf32, #tpu.memory_space<vmem>>, vector<1024x512xf32>,
    return
  }
  func.func @transform_0(%arg0: i32) -> (i32, i32) {
    %c0_i32 = arith.constant 0 : i32
    %c0_i32_0 = arith.constant 0 : i32
    %c0_i32_1 = arith.constant 0 : i32
    return %c0_i32, %c0_i32_0 : i32, i32
  }
  func.func @transform_1(%arg0: i32) -> (i32, i32) {
    %c0_i32 = arith.constant 0 : i32
    %c0_i32_0 = arith.constant 0 : i32
    return %c0_i32, %arg0 : i32, i32
  }
  func.func @transform_2(%arg0: i32) -> (i32, i32) {
    %c0_i32 = arith.constant 0 : i32
    %c0_i32_0 = arith.constant 0 : i32
    return %c0_i32, %arg0 : i32, i32
  }
  func.func @transform_3(%arg0: i32) -> (i32, i32) {
    %c0_i32 = arith.constant 0 : i32
    %c0_i32_0 = arith.constant 0 : i32
    return %c0_i32, %arg0 : i32, i32
  }
}

</mosaic_0001>

<sc_bundles>
// kernel: kernel.5.cloned.1.call-start
scs
__scs_entry_jumppad:
0x0: {  	(pc) =	sbr.rel $0x88, $3  }
0x1: {  	(tag) =	ssettag $0x0;
	lr =	simm.s32 $0x1  }
0x2: {  	[smem:$0x3F9C] =	sst lr;
	_ =	strace $0xD0000000  }
0x3: {  	_ = 	snop  }
0x4: {  	_ = 	snop  }
0x5: {  	_ = 	snop  }
0x6: {  	_ = 	snop  }
0x7: {  	_ = 	snop  }
__scs_overlays_trampoline_lowered:
0x8: {  	[smem:$0x3FAB] =	sst s0  }
0x9: {  	[smem:$0x3FAC] =	sst s1  }
0xa: {  	[smem:$0x3FAD] =	sst s2  }
0xb: {  	[smem:$0x3FAE] =	sst s3  }
0xc: {  	[smem:$0x3FAF] =	sst s4  }
0xd: {  	[smem:$0x3FB0] =	sst s5  }
0xe: {  	[smem:$0x3FB1] =	sst s6  }
0xf: {  	[smem:$0x3FB2] =	sst s7  }
0x10: {  	[smem:$0x3FB3] =	sst s8  }
0x11: {  	[smem:$0x3FB4] =	sst s9;
	s0 =	simm.s32 @!p0 $0x0  }
0x12: {  	s1 =	sld [smem:$0x3F9A];
	s0 =	simm.s32 @p0 $0x1  }
0x13: {  	[smem:$0x3FB5] =	sst s0;
	s0 =	simm.s32 @!p1 $0x0  }
0x14: {  	s2 =	sld [smem:$0x3F99];
	s0 =	simm.s32 @p1 $0x1  }
0x15: {  	[smem:$0x3FB6] =	sst s0;
	s0 =	simm.s32 @!p2 $0x0  }
0x16: {  	s3 =	sld [smem:$0x3FDB];
	s0 =	simm.s32 @p2 $0x1  }
0x17: {  	s4 =	simm.s32 $0x1BF5;
	[smem:$0x3FB8] =	sst s0  }
0x18: {  	s0 =	sld [smem:$0x3F9B];
	_ =	swait.ge [sflag:s4], $0x0  }
0x19: {  	s7 =	sld [smem:$0x3F9C]  }
0x1a: {  	s8 =	sadd.s32 $0xFFFFE003, lr  }
0x1b: {  	s9 =	sadd.s32 $0xFFFFFEF7, lr;
	s5 =	simm.s32 $0xFFFFFFFF;
	p2 =	slt.u32 s8, $0xFFFFF086  }
0x1c: {  	p1 =	slt.u32 s9, $0xF7A;
	s5 =	simm.s32 @!p2 $0x0  }
0x1d: {  	s5 =	simm.s32 @p1 $0x1;
	p0 =	seq.s32 s7, s2  }
0x1e: {  	s7 =	smul.u32 @!p0 $0xF7A, s2;
	p2 =	seq.s32 @!p0 s5, $0x0  }
0x1f: {  	s9 =	smul.u32 $0xF7A, s1;
	s8 =	simm.s32 @!p0 $0x1BF5;
	p2 =	por !p2, p0  }
0x20: {  	[sflag:s8] =	ssyncset.s32 @!p0 $0xFFFFF086;
	s6 =	sadd.s32 @!p0 s3, s7;
	s7 =	simm.s32 @!p0 $0x108  }
0x21: {  	s3 =	sadd.s32 s3, s9;
	s6 =	sadd.s32 @!p0 $0x88, s6;
	s7 =	simm.s32 @p2 $0x1082  }
0x22: {  	[simem:s7], [sflag:s8] =	dma.local @!p0 [hbm:s6], $0xF7A  }
0x23: {  	s9 =	sor.u32 $0xD0000000, s2;
	s6 =	simm.s32 $0x108;
	_ =	swait.ge @!p0 [sflag:s8], $0x0  }
0x24: {  	s3 =	sadd.s32 $0x88, s3;
	s6 =	simm.s32 @!p1 $0x1082;
	[sflag:s4] =	ssyncset.s32 $0xFFFFF086  }
0x25: {  	[simem:s6], [sflag:s4] =	dma.local [hbm:s3], $0xF7A  }
0x26: {  	[smem:$0x3F9C] =	sst s1;
	(tag) =	ssettag s2;
	_ =	strace s9  }
0x27: {  	s1 =	sld [smem:$0x3FAC]  }
0x28: {  	s2 =	sld [smem:$0x3FAD]  }
0x29: {  	s4 =	sld [smem:$0x3FAF]  }
0x2a: {  	p0 =	seq.s32 s5, $0x0;
	s5 =	sld [smem:$0x3FB0]  }
0x2b: {  	s6 =	sld [smem:$0x3FB1]  }
0x2c: {  	s7 =	sld [smem:$0x3FB2]  }
0x2d: {  	s3 =	simm.s32 $0x108;
	s8 =	sld [smem:$0x3FB3]  }
0x2e: {  	s3 =	simm.s32 @!p0 $0x1082;
	s9 =	sld [smem:$0x3FB4]  }
0x2f: {  	lr =	sadd.s32 s0, s3;
	s0 =	sld [smem:$0x3FAB]  }
0x30: {  	s3 =	sld [smem:$0x3FAE]  }
0x31: {  	[smem:$0x3FB7] =	sst s10  }
0x32: {  	s10 =	sld [smem:$0x3FB5];
	_ =	sdelay $0x3  }
0x33: {  	p0 =	seq.s32 s10, $0x1;
	s10 =	sld [smem:$0x3FB7];
	_ =	sdelay $0x3  }
0x34: {  	[smem:$0x3FB7] =	sst s10  }
0x35: {  	s10 =	sld [smem:$0x3FB6];
	_ =	sdelay $0x3  }
0x36: {  	p1 =	seq.s32 s10, $0x1;
	s10 =	sld [smem:$0x3FB7];
	_ =	sdelay $0x3  }
0x37: {  	[smem:$0x3FB7] =	sst s10  }
0x38: {  	s10 =	sld [smem:$0x3FB8]  }
0x39: {  	_ = 	snop;
	(pc) =	sbr.ind lr, $3  }
0x3a: {  	_ = 	snop  }
0x3b: {  	_ = 	snop  }
0x3c: {  	p2 =	seq.s32 s10, $0x1;
	s10 =	sld [smem:$0x3FB7]  }
0x3d: {  	_ =	shalt  }
0x3e: {  	_ =	shalt  }
0x3f: {  	_ =	shalt  }
0x40: {  	_ =	shalt  }
0x41: {  	_ =	shalt  }
0x42: {  	_ =	shalt  }
0x43: {  	_ =	shalt  }
0x44: {  	_ =	shalt  }
0x45: {  	_ =	shalt  }
0x46: {  	_ =	shalt  }
0x47: {  	_ =	shalt  }
0x48: {  	_ =	shalt  }
0x49: {  	_ =	shalt  }
0x4a: {  	_ =	shalt  }
0x4b: {  	_ =	shalt  }
0x4c: {  	_ =	shalt  }
0x4d: {  	_ =	shalt  }
0x4e: {  	_ =	shalt  }
0x4f: {  	_ =	shalt  }
0x50: {  	_ =	shalt  }
0x51: {  	_ =	shalt  }
0x52: {  	_ =	shalt  }
0x53: {  	_ =	shalt  }
0x54: {  	_ =	shalt  }
0x55: {  	_ =	shalt  }
0x56: {  	_ =	shalt  }
0x57: {  	_ =	shalt  }
0x58: {  	_ =	shalt  }
0x59: {  	_ =	shalt  }
0x5a: {  	_ =	shalt  }
0x5b: {  	_ =	shalt  }
0x5c: {  	_ =	shalt  }
0x5d: {  	_ =	shalt  }
0x5e: {  	_ =	shalt  }
0x5f: {  	_ =	shalt  }
0x60: {  	_ =	shalt  }
0x61: {  	_ =	shalt  }
0x62: {  	_ =	shalt  }
0x63: {  	_ =	shalt  }
0x64: {  	_ =	shalt  }
0x65: {  	_ =	shalt  }
0x66: {  	_ =	shalt  }
0x67: {  	_ =	shalt  }
0x68: {  	_ =	shalt  }
0x69: {  	_ =	shalt  }
0x6a: {  	_ =	shalt  }
0x6b: {  	_ =	shalt  }
0x6c: {  	_ =	shalt  }
0x6d: {  	_ =	shalt  }
0x6e: {  	_ =	shalt  }
0x6f: {  	_ =	shalt  }
0x70: {  	_ =	shalt  }
0x71: {  	_ =	shalt  }
0x72: {  	_ =	shalt  }
0x73: {  	_ =	shalt  }
0x74: {  	_ =	shalt  }
0x75: {  	_ =	shalt  }
0x76: {  	_ =	shalt  }
0x77: {  	_ =	shalt  }
0x78: {  	_ =	shalt  }
0x79: {  	_ =	shalt  }
0x7a: {  	_ =	shalt  }
0x7b: {  	_ =	shalt  }
0x7c: {  	_ =	shalt  }
0x7d: {  	_ =	shalt  }
0x7e: {  	_ =	shalt  }
0x7f: {  	_ =	shalt  }
0x80: {  	_ =	shalt  }
0x81: {  	_ =	shalt  }
0x82: {  	_ =	shalt  }
0x83: {  	_ =	shalt  }
0x84: {  	_ =	shalt  }
0x85: {  	_ =	shalt  }
0x86: {  	_ =	shalt  }
0x87: {  	_ =	shalt  }
.Lfunc_end0:
.L_simem_size_0:
called_computation_lowered:
.L_overlay_start_0:
0x88: {  	s2 =	sld [smem:$0x3FD9]  }
0x89: {  	s3 =	sld [smem:$0x3FFE];
	_ =	sdelay $0x1  }
0x8a: {  	s1 =	srdreg.scid  }
0x8b: {  	s0 =	sand.u32 $0x1, s1  }
0x8c: {  	s17 =	sshll.u32 s0, $0xA;
	s2 =	sadd.s32 s3, s2  }
0x8d: {  	s2 =	sadd.s32 s2, s17  }
0x8e: {  	[smem:$0x3FC3] =	sst s2  }
0x8f: {  	_ = 	snop  }
0x90: {  	s2 =	sld [smem:$0x3FD0];
	(tm) =	ssettm $0x1  }
0x91: {  	s18 =	sld [smem:$0x3FFB];
	_ =	sdelay $0x3  }
0x92: {  	_ =	strace s18  }
0x93: {  	s3 =	sld [smem:$0x3FFC];
	_ =	sdelay $0x3  }
0x94: {  	_ =	strace s3  }
0x95: {  	s3 =	sld [smem:$0x3FFD];
	_ =	sdelay $0x3  }
0x96: {  	_ =	strace s3  }
0x97: {  	_ =	strace $0x8FFFFFFF  }
0x98: {  	s19 =	sld [smem:$0x3FDB];
	_ =	sdelay $0x1  }
0x99: {  	s4 =	simm.s32 $_scs_section_size  }
0x9a: {  	s5 =	simm.s32 $_size__tile_overlayer_lowered;
	s6 =	simm.s32 $_tile_overlayer_lowered  }
0x9b: {  	s22 =	simm.s32 $0x1BFF;
	s21 =	sshll.u32 s6, $0x1;
	s3 =	sadd.s32 s4, s19  }
0x9c: {  	s7 =	simm.s32 $0x0;
	s20 =	sshll.u32 s5, $0x1;
	s5 =	sadd.s32 s21, s3  }
0x9d: {  	[timem:s7], [sflag:s22] =	dma.local [hbm:s5], s20  }
0x9e: {  	_ =	swait.ge [sflag:s22], s20  }
0x9f: {  	s4 =	ssub.s32 $0x0, s20;
	[sflag:s22] =	ssyncset.done $0x0  }
0xa0: {  	[sflag:s22] =	ssyncadd.s32 s4;
	_ =	sdelay $0x1  }
0xa1: {  	s23 =	simm.s32 $0x1B8B  }
0xa2: {  	_ =	swait.ge [sflag:s23], $0x1  }
0xa3: {  	[sflag:s23] =	ssyncset.done $0x0  }
0xa4: {  	s25 =	simm.s32 $0x1B8E;
	s24 =	sld [smem:$0x3FFE];
	[sflag:s23] =	ssyncadd.s32 $0xFFFFFFFF  }
0xa5: {  	s26 =	simm.s32 $execute0_lowered;
	[smem:$0x3FD2] =	sst s25  }
0xa6: {  	s5 =	sshll.u32 s26, $0x1;
	_ =	strace $0x80000046;
	[dreg:$0x1] =	wrdreg $0xFFFFFFFF  }
0xa7: {  	s28 =	simm.s32 $_size_execute0_lowered;
	s3 =	sadd.s32 s3, s5;
	[dreg:$0x0] =	wrdreg $0x0  }
0xa8: {  	s5 =	sshll.u32 s28, $0x1;
	[dreg:$0x2] =	wrdreg s3  }
0xa9: {  	[dreg:$0x3] =	wrdreg s5  }
0xaa: {  	[dreg:$0x4] =	wrdreg $0xC0  }
0xab: {  	_ =	task [dreg:s7], $0x5FFFF  }
0xac: {  	[dreg:$0x1] =	wrdreg $0xFFFFFFFF  }
0xad: {  	[dreg:$0x0] =	wrdreg $0x60  }
0xae: {  	[dreg:$0x2] =	wrdreg s24  }
0xaf: {  	[dreg:$0x3] =	wrdreg s2  }
0xb0: {  	[dreg:$0x4] =	wrdreg $0x9  }
0xb1: {  	_ =	task.clear_ibuf [dreg:s7], $0x5FFFF;
	_ =	strace $0x90000046  }
0xb2: {  	s29 =	simm.s32 $0x9;
	_ =	strace $0x80000048  }
0xb3: {  	_ =	swait.ge [sflag:s29], $0x1  }
0xb4: {  	[sflag:s29] =	ssyncadd.s32 $0xFFFFFFFF  }
0xb5: {  	_ =	strace $0x90000048  }
0xb6: {  	_ =	sfence  }
0xb7: {  	s30 =	sld [smem:$0x0];
	_ =	sdelay $0x2  }
0xb8: {  	s31 =	sshll.u32 s1, $0xD;
	s1 =	sshrl.u32 s1, $0x2  }
0xb9: {  	s3 =	sand.u32 $0x4000, s31;
	s1 =	sadd.s32 s1, s30  }
0xba: {  	s0 =	sor.u32 s3, s0;
	s1 =	sshll.u32 s1, $0x11  }
0xbb: {  	s0 =	sor.u32 s1, s0  }
0xbc: {  	s0 =	sadd.s32 $0x8F2B, s0  }
0xbd: {  	[sflag:s0] =	ssyncadd.remote.s32 $0x1  }
0xbe: {  	_ =	sfence.sel $0xFFFF  }
0xbf: {  	[dreg:$0x0] =	wrdreg $0xFFFFFFFF;
	(pc) =	sbr.abs _section_cstart, $3  }
0xc0: {  	[dreg:$0x1] =	wrdreg $0xFFFFFFFF  }
0xc1: {  	_ =	task.clear_ibuf [dreg:s7], $0x2FFFF;
	_ =	strace $0x9FFFFFFF  }
0xc2: {  	(tm) =	ssettm $0x7FFFFFFF  }
0xc3: {  	_ =	shalt  }
tec
execute0_lowered:
.L_overlay_start_1:
0x0: {  	(tag) =	ssettag $0x1  }
0x1: {  	s0 =	rddreg [dreg:$0x0]  }
0x2: {  	s1 =	rddreg [dreg:$0x1]  }
0x3: {  	s2 =	srdreg.scid;
	s4 =	stileid.u32  }
0x4: {  	s29 =	simm.s32 $0x2580;
	s31 =	simm.s32 $0x8F80;
	s14 =	simm.s32 $0x2400  }
0x5: {  	s15 =	simm.s32 $0x0;
	s6 =	sand.u32 $0x1, s2;
	s3 =	sshll.u32 s4, $0x1  }
0x6: {  	s2 =	simm.s32 $0x0;
	s5 =	sshrl.u32 s4, $0x2;
	s4 =	sadd.s32 $0x1C200, s0  }
0x7: {  	s7 =	sor.u32 s6, s3;
	[smem:$0x7FF] =	sst s2;
	s8 =	smul.u32 $0x35000, s5  }
0x8: {  	s3 =	sadd.s32 $0x2200, s0;
	s10 =	smul.u32 $0xC00, s5;
	s5 =	sadd.s32 $0x36200, s0  }
0x9: {  	s6 =	ssub.s32 $0x2, s6;
	s19 =	sshll.u32 s7, $0x7;
	_ =	strace $0x80000047  }
0xa: {  	s7 =	smul.u32 $0x6800, s7;
	s20 =	sshrl.u32 s6, $0x1;
	s9 =	sand.u32 $0x380, s19  }
0xb: {  	s6 =	ssub.s32 s6, s20;
	s19 =	simm.s32 $0xC00;
	s20 =	simm.s32 $0x1000  }
0xc: {  	s8 =	sor.u32 s8, s9;
	s9 =	sor.u32 s10, s9;
	s13 =	sshrl.u32 s7, $0x3  }
0xd: {  	s10 =	sadd.s32 $0x800, s7;
	s11 =	sadd.s32 $0xC00, s7;
	s26 =	smax.u32 s6, $0x1  }
0xe: {  	s8 =	sshrl.u32 s8, $0x3;
	s9 =	sshrl.u32 s9, $0x3;
	s21 =	sor.u32 $0x80, s13  }
0xf: {  	s17 =	sadd.s32 s3, s13;
	s18 =	sadd.s32 s4, s13;
	s22 =	sadd.s32 s5, s13  }
0x10: {  	[dreg:$0xc] =	wrdreg s26;
	s26 =	simm.s32 $0x2;
	s13 =	simm.s32 $0x2280  }
0x11: {  	s12 =	sadd.s32 s8, s0;
	s0 =	sadd.s32 s9, s0;
	[dreg:$0x8] =	wrdreg s22  }
0x12: {  	s28 =	sadd.s32 s3, s21;
	s30 =	sadd.s32 s4, s21;
	[dreg:$0x3] =	wrdreg s17  }
0x13: {  	s23 =	sadd.s32 s5, s21;
	s24 =	sadd.s32 s1, s8;
	[dreg:$0x4] =	wrdreg s18  }
0x14: {  	s9 =	simm.s32 $0x400;
	s21 =	simm.s32 $0x1;
	[dreg:$0x9] =	wrdreg s23  }
.Ltmp0:
0x15: {  	s22 =	simm.s32 $0x1800;
	[dreg:$0xa] =	wrdreg s24;
	(pc) =	sbr.rel .LBB2_1-.Ltmp0, $4  }
0x16: {  	s1 =	simm.s32 $0x1F80;
	s0 =	sadd.s32 $0x6AA00, s0;
	[dreg:$0x5] =	wrdreg s28  }
0x17: {  	s25 =	sadd.s32 $0x50200, s12;
	s23 =	simm.s32 $0x1980;
	[dreg:$0x6] =	wrdreg s30  }
0x18: {  	s24 =	simm.s32 $0x1B00;
	s12 =	simm.s32 $0x2100;
	[dreg:$0x7] =	wrdreg s0  }
0x19: {  	v0 =	vimm.s32 $0x0;
	[dreg:$0xb] =	wrdreg s25;
	s25 =	simm.s32 $0x1C80;
	s0 =	simm.s32 $0x1400  }
.LBB2_18:
0x1a: {  	s6 =	rddreg [dreg:$0xa]  }
0x1b: {  	s7 =	simm.s32 $0x400;
	s8 =	simm.s32 $0x80;
	s16 =	simm.s32 $0x3  }
0x1c: {  	[hbm4b:s6+s8] =	stream.strided.scatter [tilespmem:s29], [sflag:$0x3], $0x6A00, s7, s8, $0x38;
	[tilespmem:$0xF980] =	vst v63  }
0x1d: {  	_ =	swait.ge [sflag:s16], $0x6A00  }
0x1e: {  	[sflag:s16] =	ssyncset.done $0x0  }
0x1f: {  	s6 =	rddreg [dreg:$0xb];
	[sflag:s16] =	ssyncadd.s32 $0xFFFF9600  }
0x20: {  	[hbm4b:s6+s8] =	stream.strided.scatter [tilespmem:s31], [sflag:$0x3], $0x6A00, s7, s8, $0x38;
	[tilespmem:$0xF980] =	vst v63  }
0x21: {  	_ =	swait.ge [sflag:s16], $0x6A00  }
0x22: {  	s15 =	sadd.s32 $0x1, s15;
	s8 =	rddreg [dreg:$0xc]  }
0x23: {  	p0 =	sne.s32 s15, s8  }
.Ltmp1:
0x24: {  	_ = 	snop;
	(pc) =	sbr.rel @!p0 .LBB2_19-.Ltmp1, $3  }
0x25: {  	_ =	sdelay $0x1  }
0x26: {  	[sflag:s16] =	ssyncset.done $0x0  }
0x27: {  	s9 =	simm.s32 $0x400;
	[sflag:s16] =	ssyncadd.s32 $0xFFFF9600  }
.LBB2_1:
0x28: {  	s7 =	simm.s32 $0x40;
	s6 =	simm.s32 $0x0  }
.LBB2_2:
0x29: {  	p0 =	sne.s32 s7, $0x400;
	[tilespmem:s6+$0x1C80] =	vst v0;
	s8 =	smov.u32 s7;
	s7 =	sadd.s32 $0x40, s7  }
.Ltmp2:
0x2a: {  	[tilespmem:s6+$0x1B00] =	vst v0;
	(pc) =	sbr.rel @p0 .LBB2_2-.Ltmp2, $3  }
0x2b: {  	[tilespmem:s6+$0x1800] =	vst v0  }
0x2c: {  	[tilespmem:s6+$0x1980] =	vst v0;
	_ =	sdelay $0x1  }
0x2d: {  	s6 =	sshra.s32 s8, $0x2  }
0x2e: {  	[tilespmem:s6+$0x1C80] =	vst v0  }
0x2f: {  	[tilespmem:s6+$0x1B00] =	vst v0  }
0x30: {  	[tilespmem:s6+$0x1800] =	vst v0  }
0x31: {  	[tilespmem:s6+$0x1980] =	vst v0;
	s6 =	simm.s32 $0x0  }
0x32: {  	[tilespmem:s6], [sflag:$0x1] =	stream.linear.gather [hbm4b:s17+s6], $0x400, $0x38;
	[tilespmem:$0xF980] =	vst v63  }
0x33: {  	_ = 	snop  }
0x34: {  	[tilespmem:s9], [sflag:$0x1] =	stream.linear.gather [hbm4b:s18+s6], $0x400, $0x38;
	[tilespmem:$0xF980] =	vst v63  }
0x35: {  	_ = 	snop  }
0x36: {  	[tilespmem:s19], [sflag:$0x2] =	stream.linear.gather [hbm4b:s28+s6], $0x400, $0x38;
	[tilespmem:$0xF980] =	vst v63  }
0x37: {  	_ = 	snop  }
0x38: {  	[tilespmem:s20], [sflag:$0x2] =	stream.linear.gather [hbm4b:s30+s6], $0x400, $0x38;
	[tilespmem:$0xF980] =	vst v63  }
.LBB2_4:
0x39: {  	_ =	swait.ge [sflag:s21], $0x400  }
0x3a: {  	[sflag:s21] =	ssyncset.done $0x0  }
0x3b: {  	[sflag:s21] =	ssyncadd.s32 $0xFFFFFC00  }
0x3c: {  	_ =	swait.ge [sflag:s21], $0x400  }
0x3d: {  	[sflag:s21] =	ssyncset.done $0x0  }
0x3e: {  	s7 =	simm.s32 $0x0;
	[sflag:s21] =	ssyncadd.s32 $0xFFFFFC00  }
.LBB2_5:
0x3f: {  	s8 =	sshra.s32 s7, $0x2  }
0x40: {  	v1 =	vld [tilespmem:s8+$0x0]  }
0x41: {  	v2 =	vld [tilespmem:s8+$0x400];
	_ =	sdelay $0x3  }
0x42: {  	v1 =	vshll.u32 v1, $0xC  }
0x43: {  	v1 =	vadd.s32 v2, v1  }
0x44: {  	v1 =	vshrl.u32 v1, $0x10  }
0x45: {  	(xrf1) =	vunique.msk.u32 $0xffff, v1;
	_ =	sdelay $0xd  }
0x46: {  	v3 =	vld.idx.msk [tilespmem:v1+s22+$0x0], $0xffff;
	_, v2, vm0 =	vpop (xrf1);
	_ =	sdelay $0x4  }
0x47: {  	v2 =	vadd.s32 v3, v2  }
0x48: {  	[tilespmem:v1+s22+$0x0] =	vst.idx.msk vm0, v2  }
0x49: {  	v1 =	vld [tilespmem:s8+$0x10]  }
0x4a: {  	v2 =	vld [tilespmem:s8+$0x410];
	_ =	sdelay $0x3  }
0x4b: {  	v1 =	vshll.u32 v1, $0xC  }
0x4c: {  	v1 =	vadd.s32 v2, v1  }
0x4d: {  	v1 =	vshrl.u32 v1, $0x10  }
0x4e: {  	(xrf1) =	vunique.msk.u32 $0xffff, v1;
	_ =	sdelay $0xd  }
0x4f: {  	v3 =	vld.idx.msk [tilespmem:v1+s23+$0x0], $0xffff;
	_, v2, vm13 =	vpop (xrf1);
	_ =	sdelay $0x4  }
0x50: {  	v2 =	vadd.s32 v3, v2  }
0x51: {  	[tilespmem:v1+s23+$0x0] =	vst.idx.msk vm13, v2  }
0x52: {  	v1 =	vld [tilespmem:s8+$0x20]  }
0x53: {  	v2 =	vld [tilespmem:s8+$0x420];
	_ =	sdelay $0x3  }
0x54: {  	v1 =	vshll.u32 v1, $0xC  }
0x55: {  	v1 =	vadd.s32 v2, v1  }
0x56: {  	v1 =	vshrl.u32 v1, $0x10  }
0x57: {  	(xrf1) =	vunique.msk.u32 $0xffff, v1;
	_ =	sdelay $0xd  }
0x58: {  	v3 =	vld.idx.msk [tilespmem:v1+s24+$0x0], $0xffff;
	_, v2, vm14 =	vpop (xrf1);
	_ =	sdelay $0x4  }
0x59: {  	v2 =	vadd.s32 v3, v2  }
0x5a: {  	[tilespmem:v1+s24+$0x0] =	vst.idx.msk vm14, v2  }
0x5b: {  	v1 =	vld [tilespmem:s8+$0x30]  }
0x5c: {  	v2 =	vld [tilespmem:s8+$0x430];
	_ =	sdelay $0x3  }
0x5d: {  	v1 =	vshll.u32 v1, $0xC  }
0x5e: {  	v1 =	vadd.s32 v2, v1  }
0x5f: {  	v1 =	vshrl.u32 v1, $0x10  }
0x60: {  	(xrf1) =	vunique.msk.u32 $0xffff, v1;
	_ =	sdelay $0xd  }
0x61: {  	v3 =	vld.idx.msk [tilespmem:v1+s25+$0x0], $0xffff;
	_, v2, vm15 =	vpop (xrf1)  }
0x62: {  	p0 =	sne.s32 s7, $0xF00  }
.Ltmp3:
0x63: {  	_ = 	snop;
	(pc) =	sbr.rel @p0 .LBB2_5-.Ltmp3, $3  }
0x64: {  	_ =	sdelay $0x1  }
0x65: {  	v2 =	vadd.s32 v3, v2  }
0x66: {  	s7 =	sadd.s32 $0x100, s7;
	[tilespmem:v1+s25+$0x0] =	vst.idx.msk vm15, v2  }
0x67: {  	p0 =	seq.s32 s6, $0xC  }
0x68: {  	s7 =	sshll.u32 @!p0 s6, $0xB  }
0x69: {  	s7 =	sadd.s32 @!p0 s7, s10  }
0x6a: {  	s7 =	sshrl.u32 @!p0 s7, $0x3  }
0x6b: {  	s9 =	simm.s32 @!p0 $0x0;
	s8 =	sadd.s32 @!p0 s3, s7  }
0x6c: {  	[tilespmem:s9], [sflag:$0x1] =	stream.linear.gather @!p0 [hbm4b:s8+s9], $0x400, $0x38;
	[tilespmem:$0xF980] =	vst v63  }
0x6d: {  	s7 =	sadd.s32 @!p0 s4, s7;
	s8 =	simm.s32 @!p0 $0x400  }
0x6e: {  	[tilespmem:s8], [sflag:$0x1] =	stream.linear.gather @!p0 [hbm4b:s7+s9], $0x400, $0x38;
	[tilespmem:$0xF980] =	vst v63  }
0x6f: {  	_ =	swait.ge [sflag:s26], $0x400  }
0x70: {  	[sflag:s26] =	ssyncset.done $0x0  }
0x71: {  	[sflag:s26] =	ssyncadd.s32 $0xFFFFFC00  }
0x72: {  	_ =	swait.ge [sflag:s26], $0x400  }
0x73: {  	[sflag:s26] =	ssyncset.done $0x0  }
0x74: {  	s7 =	simm.s32 $0x0;
	[sflag:s26] =	ssyncadd.s32 $0xFFFFFC00  }
.LBB2_7:
0x75: {  	s8 =	sshra.s32 s7, $0x2  }
0x76: {  	v1 =	vld [tilespmem:s8+$0xC00]  }
0x77: {  	v2 =	vld [tilespmem:s8+$0x1000];
	_ =	sdelay $0x3  }
0x78: {  	v1 =	vshll.u32 v1, $0xC  }
0x79: {  	v1 =	vadd.s32 v2, v1  }
0x7a: {  	v1 =	vshrl.u32 v1, $0x10  }
0x7b: {  	(xrf1) =	vunique.msk.u32 $0xffff, v1;
	_ =	sdelay $0xd  }
0x7c: {  	v3 =	vld.idx.msk [tilespmem:v1+s22+$0x0], $0xffff;
	_, v2, vm0 =	vpop (xrf1);
	_ =	sdelay $0x4  }
0x7d: {  	v2 =	vadd.s32 v3, v2  }
0x7e: {  	[tilespmem:v1+s22+$0x0] =	vst.idx.msk vm0, v2  }
0x7f: {  	v1 =	vld [tilespmem:s8+$0xC10]  }
0x80: {  	v2 =	vld [tilespmem:s8+$0x1010];
	_ =	sdelay $0x3  }
0x81: {  	v1 =	vshll.u32 v1, $0xC  }
0x82: {  	v1 =	vadd.s32 v2, v1  }
0x83: {  	v1 =	vshrl.u32 v1, $0x10  }
0x84: {  	(xrf1) =	vunique.msk.u32 $0xffff, v1;
	_ =	sdelay $0xd  }
0x85: {  	v3 =	vld.idx.msk [tilespmem:v1+s23+$0x0], $0xffff;
	_, v2, vm13 =	vpop (xrf1);
	_ =	sdelay $0x4  }
0x86: {  	v2 =	vadd.s32 v3, v2  }
0x87: {  	[tilespmem:v1+s23+$0x0] =	vst.idx.msk vm13, v2  }
0x88: {  	v1 =	vld [tilespmem:s8+$0xC20]  }
0x89: {  	v2 =	vld [tilespmem:s8+$0x1020];
	_ =	sdelay $0x3  }
0x8a: {  	v1 =	vshll.u32 v1, $0xC  }
0x8b: {  	v1 =	vadd.s32 v2, v1  }
0x8c: {  	v1 =	vshrl.u32 v1, $0x10  }
0x8d: {  	(xrf1) =	vunique.msk.u32 $0xffff, v1;
	_ =	sdelay $0xd  }
0x8e: {  	v3 =	vld.idx.msk [tilespmem:v1+s24+$0x0], $0xffff;
	_, v2, vm14 =	vpop (xrf1);
	_ =	sdelay $0x4  }
0x8f: {  	v2 =	vadd.s32 v3, v2  }
0x90: {  	[tilespmem:v1+s24+$0x0] =	vst.idx.msk vm14, v2  }
0x91: {  	v1 =	vld [tilespmem:s8+$0xC30]  }
0x92: {  	v2 =	vld [tilespmem:s8+$0x1030];
	_ =	sdelay $0x3  }
0x93: {  	v1 =	vshll.u32 v1, $0xC  }
0x94: {  	v1 =	vadd.s32 v2, v1  }
0x95: {  	v1 =	vshrl.u32 v1, $0x10  }
0x96: {  	(xrf1) =	vunique.msk.u32 $0xffff, v1;
	_ =	sdelay $0xd  }
0x97: {  	v3 =	vld.idx.msk [tilespmem:v1+s25+$0x0], $0xffff;
	_, v2, vm15 =	vpop (xrf1)  }
0x98: {  	p1 =	sne.s32 s7, $0xF00  }
.Ltmp4:
0x99: {  	_ = 	snop;
	(pc) =	sbr.rel @p1 .LBB2_7-.Ltmp4, $3  }
0x9a: {  	_ =	sdelay $0x1  }
0x9b: {  	v2 =	vadd.s32 v3, v2  }
0x9c: {  	s7 =	sadd.s32 $0x100, s7;
	[tilespmem:v1+s25+$0x0] =	vst.idx.msk vm15, v2  }
.Ltmp5:
0x9d: {  	(pc) =	sbr.rel @p0 .LBB2_9-.Ltmp5, $1  }
0x9e: {  	_ =	sdelay $0x3  }
0x9f: {  	s7 =	sshll.u32 s6, $0xB  }
0xa0: {  	s7 =	sadd.s32 s7, s11  }
.Ltmp6:
0xa1: {  	s7 =	sshrl.u32 s7, $0x3;
	(pc) =	sbr.rel .LBB2_4-.Ltmp6, $4  }
0xa2: {  	s8 =	sadd.s32 s3, s7  }
0xa3: {  	[tilespmem:s19], [sflag:$0x2] =	stream.linear.gather [hbm4b:s8+s2], $0x400, $0x38;
	[tilespmem:$0xF980] =	vst v63  }
0xa4: {  	s6 =	sadd.s32 $0x1, s6;
	s7 =	sadd.s32 s4, s7  }
0xa5: {  	[tilespmem:s20], [sflag:$0x2] =	stream.linear.gather [hbm4b:s7+s2], $0x400, $0x38;
	[tilespmem:$0xF980] =	vst v63  }
.LBB2_9:
0xa6: {  	s7 =	simm.s32 $0x0  }
0xa7: {  	v13 =	vld [tilespmem:s7+$0x1800]  }
0xa8: {  	v14 =	vld [tilespmem:s7+$0x1980]  }
0xa9: {  	v15 =	vld [tilespmem:s7+$0x1B00]  }
0xaa: {  	s6 =	simm.s32 $0x10;
	v1 =	vld [tilespmem:s7+$0x1C80]  }
0xab: {  	v16 =	vld [tilespmem:s6+$0x1800]  }
0xac: {  	v10 =	vld [tilespmem:s6+$0x1980]  }
0xad: {  	v8 =	vld [tilespmem:s6+$0x1B00]  }
0xae: {  	v2 =	vld [tilespmem:s6+$0x1C80];
	v3 =	vadd.s32 v13, v14  }
0xaf: {  	v3 =	vadd.s32 v15, v3  }
0xb0: {  	s17 =	simm.s32 $0x20;
	v9 =	vadd.s32 v1, v3  }
0xb1: {  	v6 =	vld [tilespmem:s17+$0x1800];
	v1 =	vadd.s32 v16, v10;
	(xrf0) =	vadd.scan.msk.s32 $0xffff, v9  }
0xb2: {  	v5 =	vld [tilespmem:s17+$0x1980];
	v1 =	vadd.s32 v8, v1  }
0xb3: {  	v4 =	vld [tilespmem:s17+$0x1B00];
	v17 =	vadd.s32 v2, v1  }
0xb4: {  	(xrf0) =	vadd.scan.msk.s32 $0xffff, v17  }
0xb5: {  	v1 =	vld [tilespmem:s17+$0x1C80]  }
0xb6: {  	s16 =	simm.s32 $0x30  }
0xb7: {  	v7 =	vld [tilespmem:s16+$0x1800];
	v2 =	vadd.s32 v6, v5;
	v18, _, _ =	vpop (xrf0)  }
0xb8: {  	v11 =	vadd.s32 v4, v2;
	v2 =	vld [tilespmem:s16+$0x1980];
	v3 =	vxor.u32 $0x80000000, v18  }
0xb9: {  	(xrf0) =	vmax.scan.msk.u32 $0xffff, v3;
	v3 =	vld [tilespmem:s16+$0x1B00]  }
0xba: {  	v20 =	vadd.s32 v1, v11;
	v19, _, _ =	vpop (xrf0)  }
0xbb: {  	(xrf0) =	vadd.scan.msk.s32 $0xffff, v20;
	v1 =	vxor.u32 $0x80000000, v19  }
0xbc: {  	v21 =	vld [tilespmem:s16+$0x1C80];
	(xrf0) =	vmax.scan.msk.u32 $0xffff, v1  }
0xbd: {  	v22 =	vadd.s32 v7, v2  }
0xbe: {  	v24 =	vsub.s32 v18, v9;
	v9 =	vadd.s32 v3, v22  }
0xbf: {  	v23, _, _ =	vpop (xrf0)  }
0xc0: {  	(v2sf) =	vpush v23, $0xF  }
0xc1: {  	v18 =	vadd.s32 v21, v9;
	v9, _, _ =	vpop (xrf0)  }
0xc2: {  	v19 =	vsub.s32 v19, v17;
	v17 =	vsub.s32 v9, v20;
	v20, _, _ =	vpop (xrf0)  }
0xc3: {  	s28 =	simm.s32 $0x40;
	(v2sf) =	vpush v20, $0xF  }
0xc4: {  	v12 =	vld [tilespmem:s28+$0x1980]  }
0xc5: {  	v1 =	vld [tilespmem:s28+$0x1800]  }
0xc6: {  	v11 =	vld [tilespmem:s28+$0x1B00];
	(xrf0) =	vadd.scan.msk.s32 $0xffff, v18;
	v9 =	vxor.u32 $0x80000000, v9  }
0xc7: {  	v21 =	vld [tilespmem:s28+$0x1C80];
	(xrf0) =	vmax.scan.msk.u32 $0xffff, v9;
	_ =	sdelay $0x2  }
0xc8: {  	s8 =	simm.s32 $0x0;
	s9 =	simm.s32 $0x50;
	v22 =	vadd.s32 v1, v12  }
0xc9: {  	s18 =	simm.s32 $0x180;
	v22 =	vadd.s32 v11, v22;
	v9 =	vld [tilespmem:s9+$0x1800];
	v20 =	vadd.s32 s8, v24  }
.LBB2_10:
0xca: {  	p0 =	sne.s32 s18, $0x400;
	v23 =	vld [tilespmem:s9+$0x1980];
	v22 =	vadd.s32 v21, v22;
	v21, _, _ =	vpop (xrf0);
	[tilespmem:s7+$0x1E00] =	vst v20;
	v24 =	vadd.s32 v13, v20;
	v13 =	vmov v16;
	s30 =	smov.u32 s16;
	s16 =	smov.u32 s28  }
0xcb: {  	s28 =	smov.u32 s9;
	v25 =	vld [tilespmem:s9+$0x1B00];
	(xrf0) =	vadd.scan.msk.s32 $0xffff, v22;
	v26 =	vsub.s32 v21, v18;
	v16 =	vxor.u32 $0x80000000, v21;
	v18, _, _ =	vpop (xrf0);
	v27 =	vadd.s32 v14, v24  }
.Ltmp7:
0xcc: {  	v14 =	vmovc v10;
	v21 =	vld [tilespmem:s28+$0x1C80];
	(xrf0) =	vmax.scan.msk.u32 $0xffff, v16;
	(v2sf) =	vpush v18, $0xF;
	[tilespmem:s7+$0x2280] =	vst v27;
	v27 =	vadd.s32 v15, v27;
	(pc) =	sbr.rel @p0 .LBB2_10-.Ltmp7, $4  }
0xcd: {  	v10 =	vmovc v5;
	v5 =	vmovc v2;
	v2 =	vmov v12;
	v18 =	vmov v22;
	v15 =	vmov v8;
	[tilespmem:s7+$0x2400] =	vst v27;
	s9 =	spop (v2sf)  }
0xce: {  	v8 =	vmovc v4;
	v4 =	vmovc v3;
	v3 =	vmov v11;
	[tilespmem:s7+$0x2100] =	vst v24;
	s8 =	sadd.s32 s9, s8;
	v16 =	vmov v6;
	v6 =	vmov v7  }
0xcf: {  	s9 =	sshra.s32 s18, $0x2;
	v7 =	vmovc v1;
	v1 =	vmov v9;
	v24 =	vadd.s32 v9, v23;
	[tilespmem:s7+$0x1F80] =	vst v20;
	s8 =	sadd.s32 $0x80000000, s8;
	v12 =	vmov v23;
	s7 =	smov.u32 s6  }
0xd0: {  	s18 =	sadd.s32 $0x40, s18;
	s6 =	smov.u32 s17;
	s17 =	smov.u32 s30;
	v9 =	vld [tilespmem:s9+$0x1800];
	v22 =	vadd.s32 v25, v24;
	v20 =	vadd.s32 s8, v19;
	v11 =	vmovc v25;
	v19 =	vmovc v17;
	v17 =	vmov v26  }
0xd1: {  	v23 =	vld [tilespmem:s9+$0x1980];
	v21 =	vadd.s32 v21, v22;
	[tilespmem:s7+$0x1E00] =	vst v20  }
0xd2: {  	v47 =	vld [tilespmem:s9+$0x1B00];
	(xrf0) =	vadd.scan.msk.s32 $0xffff, v21  }
0xd3: {  	v24, _, _ =	vpop (xrf0);
	v25 =	vld [tilespmem:s9+$0x1C80]  }
0xd4: {  	v26 =	vxor.u32 $0x80000000, v24  }
0xd5: {  	(xrf0) =	vmax.scan.msk.u32 $0xffff, v26  }
0xd6: {  	v48, _, _ =	vpop (xrf0);
	v27 =	vadd.s32 v9, v23  }
0xd7: {  	(v2sf) =	vpush v48, $0xF;
	v49 =	vadd.s32 v47, v27  }
0xd8: {  	v25 =	vadd.s32 v25, v49;
	v50, _, _ =	vpop (xrf0)  }
0xd9: {  	(xrf0) =	vadd.scan.msk.s32 $0xffff, v25;
	v51 =	vxor.u32 $0x80000000, v50  }
0xda: {  	(xrf0) =	vmax.scan.msk.u32 $0xffff, v51  }
0xdb: {  	v13 =	vadd.s32 v13, v20;
	v52, _, _ =	vpop (xrf0)  }
0xdc: {  	s18 =	spop (v2sf);
	[tilespmem:s7+$0x2100] =	vst v13;
	(v2sf) =	vpush v52, $0xF  }
0xdd: {  	v14 =	vadd.s32 v14, v13;
	s8 =	sadd.s32 s18, s8;
	[tilespmem:s7+$0x1F80] =	vst v20  }
0xde: {  	[tilespmem:s7+$0x2280] =	vst v14;
	v14 =	vadd.s32 v15, v14;
	s8 =	sadd.s32 $0x80000000, s8  }
0xdf: {  	[tilespmem:s7+$0x2400] =	vst v14;
	v53 =	vadd.s32 s8, v19;
	v54, _, _ =	vpop (xrf0)  }
0xe0: {  	[tilespmem:s6+$0x1E00] =	vst v53;
	v56, _, _ =	vpop (xrf0)  }
0xe1: {  	v55 =	vadd.s32 v16, v53;
	[tilespmem:s6+$0x1F80] =	vst v53;
	s18 =	spop (v2sf);
	v57 =	vxor.u32 $0x80000000, v54;
	(v2sf) =	vpush v56, $0xF  }
0xe2: {  	v10 =	vadd.s32 v10, v55;
	[tilespmem:s6+$0x2100] =	vst v55;
	s7 =	sadd.s32 s18, s8;
	(xrf0) =	vmax.scan.msk.u32 $0xffff, v57  }
0xe3: {  	[tilespmem:s6+$0x2280] =	vst v10;
	v8 =	vadd.s32 v8, v10;
	s7 =	sadd.s32 $0x80000000, s7  }
0xe4: {  	[tilespmem:s6+$0x2400] =	vst v8;
	v58 =	vadd.s32 s7, v17  }
0xe5: {  	[tilespmem:s17+$0x1E00] =	vst v58  }
0xe6: {  	v6 =	vadd.s32 v6, v58;
	[tilespmem:s17+$0x1F80] =	vst v58;
	s8 =	spop (v2sf)  }
0xe7: {  	v5 =	vadd.s32 v5, v6;
	[tilespmem:s17+$0x2100] =	vst v6;
	s6 =	sadd.s32 s8, s7  }
0xe8: {  	v59 =	vsub.s32 v24, v18;
	[tilespmem:s17+$0x2280] =	vst v5;
	v4 =	vadd.s32 v4, v5;
	s6 =	sadd.s32 $0x80000000, s6;
	v61, _, _ =	vpop (xrf0)  }
0xe9: {  	[tilespmem:s17+$0x2400] =	vst v4;
	v60 =	vadd.s32 s6, v59;
	(v2sf) =	vpush v61, $0xF  }
0xea: {  	[tilespmem:s16+$0x1E00] =	vst v60  }
0xeb: {  	v62 =	vadd.s32 v7, v60;
	[tilespmem:s16+$0x1F80] =	vst v60;
	s17 =	spop (v2sf)  }
0xec: {  	v2 =	vadd.s32 v2, v62;
	[tilespmem:s16+$0x2100] =	vst v62;
	s6 =	sadd.s32 s17, s6  }
0xed: {  	[tilespmem:s16+$0x2280] =	vst v2;
	v2 =	vadd.s32 v3, v2;
	v3 =	vsub.s32 v50, v21;
	s6 =	sadd.s32 $0x80000000, s6  }
0xee: {  	[tilespmem:s16+$0x2400] =	vst v2;
	v2 =	vadd.s32 s6, v3  }
0xef: {  	[tilespmem:s28+$0x1E00] =	vst v2  }
0xf0: {  	v1 =	vadd.s32 v1, v2;
	[tilespmem:s28+$0x1F80] =	vst v2;
	s18 =	spop (v2sf)  }
0xf1: {  	v3 =	vadd.s32 v12, v1;
	[tilespmem:s28+$0x2100] =	vst v1;
	s6 =	sadd.s32 s18, s6  }
0xf2: {  	v63 =	vsub.s32 v54, v25;
	[tilespmem:s28+$0x2280] =	vst v3;
	v3 =	vadd.s32 v11, v3;
	s6 =	sadd.s32 $0x80000000, s6  }
0xf3: {  	[tilespmem:s28+$0x2400] =	vst v3;
	v1 =	vadd.s32 s6, v63  }
0xf4: {  	[tilespmem:s9+$0x1E00] =	vst v1  }
0xf5: {  	v2 =	vadd.s32 v9, v1;
	[tilespmem:s9+$0x1F80] =	vst v1  }
0xf6: {  	v3 =	vadd.s32 v23, v2;
	[tilespmem:s9+$0x2100] =	vst v2  }
0xf7: {  	s7 =	simm.s32 $0x400;
	s16 =	simm.s32 $0x80;
	s17 =	simm.s32 $0x1E00;
	[tilespmem:s9+$0x2280] =	vst v3;
	v3 =	vadd.s32 v47, v3  }
0xf8: {  	s18 =	simm.s32 $0x3;
	s6 =	rddreg [dreg:$0x7];
	[tilespmem:s9+$0x2400] =	vst v3;
	s8 =	spop (v2sf)  }
0xf9: {  	[hbm4b:s6+s16] =	stream.strided.scatter [tilespmem:s17], [sflag:$0x3], $0x180, s7, s16, $0x38;
	[tilespmem:$0xF980] =	vst v63  }
0xfa: {  	_ =	swait.ge [sflag:s18], $0x180  }
0xfb: {  	[sflag:s18] =	ssyncset.done $0x0  }
0xfc: {  	s16 =	simm.s32 $0x0;
	s17 =	rddreg [dreg:$0x3];
	[sflag:s18] =	ssyncadd.s32 $0xFFFFFE80  }
0xfd: {  	[tilespmem:s16], [sflag:$0x1] =	stream.linear.gather [hbm4b:s17+s16], $0x400, $0x38;
	[tilespmem:$0xF980] =	vst v63  }
0xfe: {  	s18 =	rddreg [dreg:$0x4]  }
0xff: {  	[tilespmem:s7], [sflag:$0x1] =	stream.linear.gather [hbm4b:s18+s16], $0x400, $0x38;
	[tilespmem:$0xF980] =	vst v63  }
0x100: {  	s8 =	simm.s32 $0x800;
	s7 =	rddreg [dreg:$0x8]  }
0x101: {  	[tilespmem:s8], [sflag:$0x1] =	stream.linear.gather [hbm4b:s7+s16], $0x400, $0x38;
	[tilespmem:$0xF980] =	vst v63  }
0x102: {  	s28 =	rddreg [dreg:$0x5]  }
0x103: {  	[tilespmem:s19], [sflag:$0x2] =	stream.linear.gather [hbm4b:s28+s16], $0x400, $0x38;
	[tilespmem:$0xF980] =	vst v63  }
0x104: {  	s30 =	rddreg [dreg:$0x6]  }
0x105: {  	[tilespmem:s20], [sflag:$0x2] =	stream.linear.gather [hbm4b:s30+s16], $0x400, $0x38;
	[tilespmem:$0xF980] =	vst v63  }
0x106: {  	s9 =	rddreg [dreg:$0x9]  }
0x107: {  	[tilespmem:s0], [sflag:$0x2] =	stream.linear.gather [hbm4b:s9+s16], $0x400, $0x38;
	[tilespmem:$0xF980] =	vst v63  }
.LBB2_12:
0x108: {  	_ =	swait.ge [sflag:s21], $0x400  }
0x109: {  	[sflag:s21] =	ssyncset.done $0x0  }
0x10a: {  	[sflag:s21] =	ssyncadd.s32 $0xFFFFFC00  }
0x10b: {  	_ =	swait.ge [sflag:s21], $0x400  }
0x10c: {  	[sflag:s21] =	ssyncset.done $0x0  }
0x10d: {  	[sflag:s21] =	ssyncadd.s32 $0xFFFFFC00  }
0x10e: {  	_ =	swait.ge [sflag:s21], $0x400  }
0x10f: {  	[sflag:s21] =	ssyncset.done $0x0  }
0x110: {  	s6 =	simm.s32 $0x0;
	[sflag:s21] =	ssyncadd.s32 $0xFFFFFC00  }
.LBB2_13:
0x111: {  	s7 =	sshra.s32 s6, $0x2  }
0x112: {  	v1 =	vld [tilespmem:s7+$0x0]  }
0x113: {  	v2 =	vld [tilespmem:s7+$0x400];
	_ =	sdelay $0x3  }
0x114: {  	v1 =	vshll.u32 v1, $0xC  }
0x115: {  	v1 =	vadd.s32 v2, v1  }
0x116: {  	v2 =	vshrl.u32 v1, $0x10  }
0x117: {  	(xrf1) =	vunique.msk.u32 $0xffff, v2;
	_ =	sdelay $0x9  }
0x118: {  	v3 =	vld.idx.msk [tilespmem:v2+s1+$0x0], $0xffff;
	_ =	sdelay $0x3  }
0x119: {  	_, v4, vm0 =	vpop (xrf1)  }
0x11a: {  	v3 =	vadd.s32 v3, v4  }
0x11b: {  	v4 =	vadd.s32 $0xFFFFFFFF, v3  }
0x11c: {  	v5 =	vld [tilespmem:s7+$0x800];
	_ =	sdelay $0x2  }
0x11d: {  	v1 =	vand.u32 $0xFFFF, v1  }
0x11e: {  	[tilespmem:v4+s29+$0x0] =	vst.idx.msk $0xffff, v1  }
0x11f: {  	[tilespmem:v4+s31+$0x0] =	vst.idx.msk $0xffff, v5  }
0x120: {  	[tilespmem:v2+s1+$0x0] =	vst.idx.msk vm0, v3  }
0x121: {  	v1 =	vld [tilespmem:s7+$0x10]  }
0x122: {  	v2 =	vld [tilespmem:s7+$0x410];
	_ =	sdelay $0x3  }
0x123: {  	v1 =	vshll.u32 v1, $0xC  }
0x124: {  	v1 =	vadd.s32 v2, v1  }
0x125: {  	v2 =	vshrl.u32 v1, $0x10  }
0x126: {  	(xrf1) =	vunique.msk.u32 $0xffff, v2;
	_ =	sdelay $0x9  }
0x127: {  	v3 =	vld.idx.msk [tilespmem:v2+s12+$0x0], $0xffff;
	_ =	sdelay $0x3  }
0x128: {  	_, v61, vm13 =	vpop (xrf1)  }
0x129: {  	v3 =	vadd.s32 v3, v61  }
0x12a: {  	v4 =	vadd.s32 $0xFFFFFFFF, v3  }
0x12b: {  	v5 =	vld [tilespmem:s7+$0x810];
	_ =	sdelay $0x2  }
0x12c: {  	v1 =	vand.u32 $0xFFFF, v1  }
0x12d: {  	[tilespmem:v4+s29+$0x0] =	vst.idx.msk $0xffff, v1  }
0x12e: {  	[tilespmem:v4+s31+$0x0] =	vst.idx.msk $0xffff, v5  }
0x12f: {  	[tilespmem:v2+s12+$0x0] =	vst.idx.msk vm13, v3  }
0x130: {  	v1 =	vld [tilespmem:s7+$0x20]  }
0x131: {  	v2 =	vld [tilespmem:s7+$0x420];
	_ =	sdelay $0x3  }
0x132: {  	v1 =	vshll.u32 v1, $0xC  }
0x133: {  	v1 =	vadd.s32 v2, v1  }
0x134: {  	v2 =	vshrl.u32 v1, $0x10  }
0x135: {  	(xrf1) =	vunique.msk.u32 $0xffff, v2;
	_ =	sdelay $0x9  }
0x136: {  	v3 =	vld.idx.msk [tilespmem:v2+s13+$0x0], $0xffff;
	_ =	sdelay $0x3  }
0x137: {  	_, v62, vm14 =	vpop (xrf1)  }
0x138: {  	v3 =	vadd.s32 v3, v62  }
0x139: {  	v4 =	vadd.s32 $0xFFFFFFFF, v3  }
0x13a: {  	v5 =	vld [tilespmem:s7+$0x820];
	_ =	sdelay $0x2  }
0x13b: {  	v1 =	vand.u32 $0xFFFF, v1  }
0x13c: {  	[tilespmem:v4+s29+$0x0] =	vst.idx.msk $0xffff, v1  }
0x13d: {  	[tilespmem:v4+s31+$0x0] =	vst.idx.msk $0xffff, v5  }
0x13e: {  	[tilespmem:v2+s13+$0x0] =	vst.idx.msk vm14, v3  }
0x13f: {  	v1 =	vld [tilespmem:s7+$0x30]  }
0x140: {  	v2 =	vld [tilespmem:s7+$0x430];
	_ =	sdelay $0x3  }
0x141: {  	v1 =	vshll.u32 v1, $0xC  }
0x142: {  	v1 =	vadd.s32 v2, v1  }
0x143: {  	v2 =	vshrl.u32 v1, $0x10  }
0x144: {  	(xrf1) =	vunique.msk.u32 $0xffff, v2;
	_ =	sdelay $0x9  }
0x145: {  	v3 =	vld.idx.msk [tilespmem:v2+s14+$0x0], $0xffff;
	_ =	sdelay $0x3  }
0x146: {  	_, v63, vm15 =	vpop (xrf1)  }
0x147: {  	v3 =	vadd.s32 v3, v63  }
0x148: {  	v4 =	vadd.s32 $0xFFFFFFFF, v3  }
0x149: {  	v5 =	vld [tilespmem:s7+$0x830]  }
0x14a: {  	p0 =	sne.s32 s6, $0xF00  }
.Ltmp8:
0x14b: {  	_ = 	snop;
	(pc) =	sbr.rel @p0 .LBB2_13-.Ltmp8, $4  }
0x14c: {  	v1 =	vand.u32 $0xFFFF, v1  }
0x14d: {  	[tilespmem:v4+s29+$0x0] =	vst.idx.msk $0xffff, v1  }
0x14e: {  	[tilespmem:v4+s31+$0x0] =	vst.idx.msk $0xffff, v5  }
0x14f: {  	s6 =	sadd.s32 $0x100, s6;
	[tilespmem:v2+s14+$0x0] =	vst.idx.msk vm15, v3  }
0x150: {  	p0 =	seq.s32 s16, $0xC  }
0x151: {  	s6 =	sshll.u32 @!p0 s16, $0xB  }
0x152: {  	s6 =	sadd.s32 @!p0 s6, s10  }
0x153: {  	s6 =	sshrl.u32 @!p0 s6, $0x3  }
0x154: {  	s8 =	simm.s32 @!p0 $0x0;
	s7 =	sadd.s32 @!p0 s3, s6  }
0x155: {  	[tilespmem:s8], [sflag:$0x1] =	stream.linear.gather @!p0 [hbm4b:s7+s8], $0x400, $0x38;
	[tilespmem:$0xF980] =	vst v63  }
0x156: {  	s9 =	simm.s32 @!p0 $0x400;
	s7 =	sadd.s32 @!p0 s4, s6  }
0x157: {  	[tilespmem:s9], [sflag:$0x1] =	stream.linear.gather @!p0 [hbm4b:s7+s8], $0x400, $0x38;
	[tilespmem:$0xF980] =	vst v63  }
0x158: {  	s6 =	sadd.s32 @!p0 s5, s6;
	s7 =	simm.s32 @!p0 $0x800  }
0x159: {  	[tilespmem:s7], [sflag:$0x1] =	stream.linear.gather @!p0 [hbm4b:s6+s8], $0x400, $0x38;
	[tilespmem:$0xF980] =	vst v63  }
0x15a: {  	_ =	swait.ge [sflag:s26], $0x400  }
0x15b: {  	[sflag:s26] =	ssyncset.done $0x0  }
0x15c: {  	[sflag:s26] =	ssyncadd.s32 $0xFFFFFC00  }
0x15d: {  	_ =	swait.ge [sflag:s26], $0x400  }
0x15e: {  	[sflag:s26] =	ssyncset.done $0x0  }
0x15f: {  	[sflag:s26] =	ssyncadd.s32 $0xFFFFFC00  }
0x160: {  	_ =	swait.ge [sflag:s26], $0x400  }
0x161: {  	[sflag:s26] =	ssyncset.done $0x0  }
0x162: {  	s6 =	simm.s32 $0x0;
	[sflag:s26] =	ssyncadd.s32 $0xFFFFFC00  }
.LBB2_15:
0x163: {  	s7 =	sshra.s32 s6, $0x2  }
0x164: {  	v1 =	vld [tilespmem:s7+$0xC00]  }
0x165: {  	v2 =	vld [tilespmem:s7+$0x1000];
	_ =	sdelay $0x3  }
0x166: {  	v1 =	vshll.u32 v1, $0xC  }
0x167: {  	v1 =	vadd.s32 v2, v1  }
0x168: {  	v2 =	vshrl.u32 v1, $0x10  }
0x169: {  	(xrf1) =	vunique.msk.u32 $0xffff, v2;
	_ =	sdelay $0x9  }
0x16a: {  	v3 =	vld.idx.msk [tilespmem:v2+s1+$0x0], $0xffff;
	_ =	sdelay $0x3  }
0x16b: {  	_, v4, vm0 =	vpop (xrf1)  }
0x16c: {  	v3 =	vadd.s32 v3, v4  }
0x16d: {  	v4 =	vadd.s32 $0xFFFFFFFF, v3  }
0x16e: {  	v5 =	vld [tilespmem:s7+$0x1400];
	_ =	sdelay $0x2  }
0x16f: {  	v1 =	vand.u32 $0xFFFF, v1  }
0x170: {  	[tilespmem:v4+s29+$0x0] =	vst.idx.msk $0xffff, v1  }
0x171: {  	[tilespmem:v4+s31+$0x0] =	vst.idx.msk $0xffff, v5  }
0x172: {  	[tilespmem:v2+s1+$0x0] =	vst.idx.msk vm0, v3  }
0x173: {  	v1 =	vld [tilespmem:s7+$0xC10]  }
0x174: {  	v2 =	vld [tilespmem:s7+$0x1010];
	_ =	sdelay $0x3  }
0x175: {  	v1 =	vshll.u32 v1, $0xC  }
0x176: {  	v1 =	vadd.s32 v2, v1  }
0x177: {  	v2 =	vshrl.u32 v1, $0x10  }
0x178: {  	(xrf1) =	vunique.msk.u32 $0xffff, v2;
	_ =	sdelay $0x9  }
0x179: {  	v3 =	vld.idx.msk [tilespmem:v2+s12+$0x0], $0xffff;
	_ =	sdelay $0x3  }
0x17a: {  	_, v61, vm13 =	vpop (xrf1)  }
0x17b: {  	v3 =	vadd.s32 v3, v61  }
0x17c: {  	v4 =	vadd.s32 $0xFFFFFFFF, v3  }
0x17d: {  	v5 =	vld [tilespmem:s7+$0x1410];
	_ =	sdelay $0x2  }
0x17e: {  	v1 =	vand.u32 $0xFFFF, v1  }
0x17f: {  	[tilespmem:v4+s29+$0x0] =	vst.idx.msk $0xffff, v1  }
0x180: {  	[tilespmem:v4+s31+$0x0] =	vst.idx.msk $0xffff, v5  }
0x181: {  	[tilespmem:v2+s12+$0x0] =	vst.idx.msk vm13, v3  }
0x182: {  	v1 =	vld [tilespmem:s7+$0xC20]  }
0x183: {  	v2 =	vld [tilespmem:s7+$0x1020];
	_ =	sdelay $0x3  }
0x184: {  	v1 =	vshll.u32 v1, $0xC  }
0x185: {  	v1 =	vadd.s32 v2, v1  }
0x186: {  	v2 =	vshrl.u32 v1, $0x10  }
0x187: {  	(xrf1) =	vunique.msk.u32 $0xffff, v2;
	_ =	sdelay $0x9  }
0x188: {  	v3 =	vld.idx.msk [tilespmem:v2+s13+$0x0], $0xffff;
	_ =	sdelay $0x3  }
0x189: {  	_, v62, vm14 =	vpop (xrf1)  }
0x18a: {  	v3 =	vadd.s32 v3, v62  }
0x18b: {  	v4 =	vadd.s32 $0xFFFFFFFF, v3  }
0x18c: {  	v5 =	vld [tilespmem:s7+$0x1420];
	_ =	sdelay $0x2  }
0x18d: {  	v1 =	vand.u32 $0xFFFF, v1  }
0x18e: {  	[tilespmem:v4+s29+$0x0] =	vst.idx.msk $0xffff, v1  }
0x18f: {  	[tilespmem:v4+s31+$0x0] =	vst.idx.msk $0xffff, v5  }
0x190: {  	[tilespmem:v2+s13+$0x0] =	vst.idx.msk vm14, v3  }
0x191: {  	v1 =	vld [tilespmem:s7+$0xC30]  }
0x192: {  	v2 =	vld [tilespmem:s7+$0x1030];
	_ =	sdelay $0x3  }
0x193: {  	v1 =	vshll.u32 v1, $0xC  }
0x194: {  	v1 =	vadd.s32 v2, v1  }
0x195: {  	v2 =	vshrl.u32 v1, $0x10  }
0x196: {  	(xrf1) =	vunique.msk.u32 $0xffff, v2;
	_ =	sdelay $0x9  }
0x197: {  	v3 =	vld.idx.msk [tilespmem:v2+s14+$0x0], $0xffff;
	_ =	sdelay $0x3  }
0x198: {  	_, v63, vm15 =	vpop (xrf1)  }
0x199: {  	v3 =	vadd.s32 v3, v63  }
0x19a: {  	v4 =	vadd.s32 $0xFFFFFFFF, v3  }
0x19b: {  	v5 =	vld [tilespmem:s7+$0x1430]  }
0x19c: {  	p1 =	sne.s32 s6, $0xF00  }
.Ltmp9:
0x19d: {  	_ = 	snop;
	(pc) =	sbr.rel @p1 .LBB2_15-.Ltmp9, $4  }
0x19e: {  	v1 =	vand.u32 $0xFFFF, v1  }
0x19f: {  	[tilespmem:v4+s29+$0x0] =	vst.idx.msk $0xffff, v1  }
0x1a0: {  	[tilespmem:v4+s31+$0x0] =	vst.idx.msk $0xffff, v5  }
0x1a1: {  	s6 =	sadd.s32 $0x100, s6;
	[tilespmem:v2+s14+$0x0] =	vst.idx.msk vm15, v3  }
.Ltmp10:
0x1a2: {  	(pc) =	sbr.rel @p0 .LBB2_18-.Ltmp10, $1  }
0x1a3: {  	_ =	sdelay $0x3  }
0x1a4: {  	s6 =	sshll.u32 s16, $0xB  }
0x1a5: {  	s6 =	sadd.s32 s6, s11  }
0x1a6: {  	s6 =	sshrl.u32 s6, $0x3  }
0x1a7: {  	s7 =	sadd.s32 s3, s6  }
0x1a8: {  	[tilespmem:s19], [sflag:$0x2] =	stream.linear.gather [hbm4b:s7+s2], $0x400, $0x38;
	[tilespmem:$0xF980] =	vst v63  }
.Ltmp11:
0x1a9: {  	_ = 	snop;
	(pc) =	sbr.rel .LBB2_12-.Ltmp11, $4  }
0x1aa: {  	s9 =	sadd.s32 s4, s6  }
0x1ab: {  	[tilespmem:s20], [sflag:$0x2] =	stream.linear.gather [hbm4b:s9+s2], $0x400, $0x38;
	[tilespmem:$0xF980] =	vst v63  }
0x1ac: {  	s16 =	sadd.s32 $0x1, s16;
	s6 =	sadd.s32 s5, s6  }
0x1ad: {  	[tilespmem:s0], [sflag:$0x2] =	stream.linear.gather [hbm4b:s6+s2], $0x400, $0x38;
	[tilespmem:$0xF980] =	vst v63  }
.LBB2_19:
0x1ae: {  	_ =	sfence.sel $0x180000  }
0x1af: {  	[bflag:$0x0] =	sbarrier.arrive $0xFFFF  }
0x1b0: {  	_ =	strace $0x90000047  }
0x1b1: {  	s0 =	stileid.u32;
	[bflag:$0x2] =	sbarrier.arrive $0xFFFF  }
0x1b2: {  	p0 =	sne.s32 s0, $0x0;
	s0 =	rddreg [dreg:$0x2]  }
0x1b3: {  	s0 =	sadd.s32 @!p0 $0x100000, s0  }
0x1b4: {  	[sflag:s0] =	ssyncadd.tile.s32 @!p0 $0x1;
	_ =	shalt  }
.Lfunc_end2:
_tile_overlayer_lowered:
.L_overlay_start_2:
0x1b5: {  	(tag) =	ssettag $0x2  }
0x1b6: {  	s0 =	rddreg [dreg:$0x0];
	s2 =	stileid.u32  }
0x1b7: {  	s1 =	rddreg [dreg:$0x1];
	p0 =	sne.s32 s2, $0x0  }
0x1b8: {  	s3 =	rddreg [dreg:$0x2];
	[bflag:$0x3] =	sbarrier.arrive $0xFFFF;
	s2 =	simm.s32 @!p0 $0x1C03  }
0x1b9: {  	[timem:s3], [sflag:s2] =	dma.local @!p0 [hbm:s0], s1  }
0x1ba: {  	s0 =	simm.s32 @!p0 $0x3  }
0x1bb: {  	_ =	swait.ge @!p0 [sflag:s0], s1  }
0x1bc: {  	s1 =	ssub.s32 @!p0 $0x0, s1;
	[sflag:s0] =	ssyncset.done @!p0 $0x0  }
0x1bd: {  	[sflag:s0] =	ssyncadd.s32 @!p0 s1  }
0x1be: {  	[bflag:$0x3] =	sbarrier.arrive $0xFFFF  }
0x1bf: {  	_ =	shalt  }

// kernel: kernel.8.cloned.1.call-start
scs
__scs_entry_jumppad:
0x0: {  	(pc) =	sbr.rel $0x88, $3  }
0x1: {  	(tag) =	ssettag $0x0;
	lr =	simm.s32 $0x1  }
0x2: {  	[smem:$0x3F9C] =	sst lr;
	_ =	strace $0xD0000000  }
0x3: {  	_ = 	snop  }
0x4: {  	_ = 	snop  }
0x5: {  	_ = 	snop  }
0x6: {  	_ = 	snop  }
0x7: {  	_ = 	snop  }
__scs_overlays_trampoline_lowered:
0x8: {  	[smem:$0x3FAB] =	sst s0  }
0x9: {  	[smem:$0x3FAC] =	sst s1  }
0xa: {  	[smem:$0x3FAD] =	sst s2  }
0xb: {  	[smem:$0x3FAE] =	sst s3  }
0xc: {  	[smem:$0x3FAF] =	sst s4  }
0xd: {  	[smem:$0x3FB0] =	sst s5  }
0xe: {  	[smem:$0x3FB1] =	sst s6  }
0xf: {  	[smem:$0x3FB2] =	sst s7  }
0x10: {  	[smem:$0x3FB3] =	sst s8  }
0x11: {  	[smem:$0x3FB4] =	sst s9;
	s0 =	simm.s32 @!p0 $0x0  }
0x12: {  	s1 =	sld [smem:$0x3F9A];
	s0 =	simm.s32 @p0 $0x1  }
0x13: {  	[smem:$0x3FB5] =	sst s0;
	s0 =	simm.s32 @!p1 $0x0  }
0x14: {  	s2 =	sld [smem:$0x3F99];
	s0 =	simm.s32 @p1 $0x1  }
0x15: {  	[smem:$0x3FB6] =	sst s0;
	s0 =	simm.s32 @!p2 $0x0  }
0x16: {  	s3 =	sld [smem:$0x3FDB];
	s0 =	simm.s32 @p2 $0x1  }
0x17: {  	s4 =	simm.s32 $0x1BF5;
	[smem:$0x3FB8] =	sst s0  }
0x18: {  	s0 =	sld [smem:$0x3F9B];
	_ =	swait.ge [sflag:s4], $0x0  }
0x19: {  	s7 =	sld [smem:$0x3F9C]  }
0x1a: {  	s8 =	sadd.s32 $0xFFFFE003, lr  }
0x1b: {  	s9 =	sadd.s32 $0xFFFFFEF7, lr;
	s5 =	simm.s32 $0xFFFFFFFF;
	p2 =	slt.u32 s8, $0xFFFFF086  }
0x1c: {  	p1 =	slt.u32 s9, $0xF7A;
	s5 =	simm.s32 @!p2 $0x0  }
0x1d: {  	s5 =	simm.s32 @p1 $0x1;
	p0 =	seq.s32 s7, s2  }
0x1e: {  	s7 =	smul.u32 @!p0 $0xF7A, s2;
	p2 =	seq.s32 @!p0 s5, $0x0  }
0x1f: {  	s9 =	smul.u32 $0xF7A, s1;
	s8 =	simm.s32 @!p0 $0x1BF5;
	p2 =	por !p2, p0  }
0x20: {  	[sflag:s8] =	ssyncset.s32 @!p0 $0xFFFFF086;
	s6 =	sadd.s32 @!p0 s3, s7;
	s7 =	simm.s32 @!p0 $0x108  }
0x21: {  	s3 =	sadd.s32 s3, s9;
	s6 =	sadd.s32 @!p0 $0x88, s6;
	s7 =	simm.s32 @p2 $0x1082  }
0x22: {  	[simem:s7], [sflag:s8] =	dma.local @!p0 [hbm:s6], $0xF7A  }
0x23: {  	s9 =	sor.u32 $0xD0000000, s2;
	s6 =	simm.s32 $0x108;
	_ =	swait.ge @!p0 [sflag:s8], $0x0  }
0x24: {  	s3 =	sadd.s32 $0x88, s3;
	s6 =	simm.s32 @!p1 $0x1082;
	[sflag:s4] =	ssyncset.s32 $0xFFFFF086  }
0x25: {  	[simem:s6], [sflag:s4] =	dma.local [hbm:s3], $0xF7A  }
0x26: {  	[smem:$0x3F9C] =	sst s1;
	(tag) =	ssettag s2;
	_ =	strace s9  }
0x27: {  	s1 =	sld [smem:$0x3FAC]  }
0x28: {  	s2 =	sld [smem:$0x3FAD]  }
0x29: {  	s4 =	sld [smem:$0x3FAF]  }
0x2a: {  	p0 =	seq.s32 s5, $0x0;
	s5 =	sld [smem:$0x3FB0]  }
0x2b: {  	s6 =	sld [smem:$0x3FB1]  }
0x2c: {  	s7 =	sld [smem:$0x3FB2]  }
0x2d: {  	s3 =	simm.s32 $0x108;
	s8 =	sld [smem:$0x3FB3]  }
0x2e: {  	s3 =	simm.s32 @!p0 $0x1082;
	s9 =	sld [smem:$0x3FB4]  }
0x2f: {  	lr =	sadd.s32 s0, s3;
	s0 =	sld [smem:$0x3FAB]  }
0x30: {  	s3 =	sld [smem:$0x3FAE]  }
0x31: {  	[smem:$0x3FB7] =	sst s10  }
0x32: {  	s10 =	sld [smem:$0x3FB5];
	_ =	sdelay $0x3  }
0x33: {  	p0 =	seq.s32 s10, $0x1;
	s10 =	sld [smem:$0x3FB7];
	_ =	sdelay $0x3  }
0x34: {  	[smem:$0x3FB7] =	sst s10  }
0x35: {  	s10 =	sld [smem:$0x3FB6];
	_ =	sdelay $0x3  }
0x36: {  	p1 =	seq.s32 s10, $0x1;
	s10 =	sld [smem:$0x3FB7];
	_ =	sdelay $0x3  }
0x37: {  	[smem:$0x3FB7] =	sst s10  }
0x38: {  	s10 =	sld [smem:$0x3FB8]  }
0x39: {  	_ = 	snop;
	(pc) =	sbr.ind lr, $3  }
0x3a: {  	_ = 	snop  }
0x3b: {  	_ = 	snop  }
0x3c: {  	p2 =	seq.s32 s10, $0x1;
	s10 =	sld [smem:$0x3FB7]  }
0x3d: {  	_ =	shalt  }
0x3e: {  	_ =	shalt  }
0x3f: {  	_ =	shalt  }
0x40: {  	_ =	shalt  }
0x41: {  	_ =	shalt  }
0x42: {  	_ =	shalt  }
0x43: {  	_ =	shalt  }
0x44: {  	_ =	shalt  }
0x45: {  	_ =	shalt  }
0x46: {  	_ =	shalt  }
0x47: {  	_ =	shalt  }
0x48: {  	_ =	shalt  }
0x49: {  	_ =	shalt  }
0x4a: {  	_ =	shalt  }
0x4b: {  	_ =	shalt  }
0x4c: {  	_ =	shalt  }
0x4d: {  	_ =	shalt  }
0x4e: {  	_ =	shalt  }
0x4f: {  	_ =	shalt  }
0x50: {  	_ =	shalt  }
0x51: {  	_ =	shalt  }
0x52: {  	_ =	shalt  }
0x53: {  	_ =	shalt  }
0x54: {  	_ =	shalt  }
0x55: {  	_ =	shalt  }
0x56: {  	_ =	shalt  }
0x57: {  	_ =	shalt  }
0x58: {  	_ =	shalt  }
0x59: {  	_ =	shalt  }
0x5a: {  	_ =	shalt  }
0x5b: {  	_ =	shalt  }
0x5c: {  	_ =	shalt  }
0x5d: {  	_ =	shalt  }
0x5e: {  	_ =	shalt  }
0x5f: {  	_ =	shalt  }
0x60: {  	_ =	shalt  }
0x61: {  	_ =	shalt  }
0x62: {  	_ =	shalt  }
0x63: {  	_ =	shalt  }
0x64: {  	_ =	shalt  }
0x65: {  	_ =	shalt  }
0x66: {  	_ =	shalt  }
0x67: {  	_ =	shalt  }
0x68: {  	_ =	shalt  }
0x69: {  	_ =	shalt  }
0x6a: {  	_ =	shalt  }
0x6b: {  	_ =	shalt  }
0x6c: {  	_ =	shalt  }
0x6d: {  	_ =	shalt  }
0x6e: {  	_ =	shalt  }
0x6f: {  	_ =	shalt  }
0x70: {  	_ =	shalt  }
0x71: {  	_ =	shalt  }
0x72: {  	_ =	shalt  }
0x73: {  	_ =	shalt  }
0x74: {  	_ =	shalt  }
0x75: {  	_ =	shalt  }
0x76: {  	_ =	shalt  }
0x77: {  	_ =	shalt  }
0x78: {  	_ =	shalt  }
0x79: {  	_ =	shalt  }
0x7a: {  	_ =	shalt  }
0x7b: {  	_ =	shalt  }
0x7c: {  	_ =	shalt  }
0x7d: {  	_ =	shalt  }
0x7e: {  	_ =	shalt  }
0x7f: {  	_ =	shalt  }
0x80: {  	_ =	shalt  }
0x81: {  	_ =	shalt  }
0x82: {  	_ =	shalt  }
0x83: {  	_ =	shalt  }
0x84: {  	_ =	shalt  }
0x85: {  	_ =	shalt  }
0x86: {  	_ =	shalt  }
0x87: {  	_ =	shalt  }
.Lfunc_end0:
.L_simem_size_0:
called_computation.1_lowered:
.L_overlay_start_0:
0x88: {  	s2 =	sld [smem:$0x3FD9]  }
0x89: {  	s3 =	sld [smem:$0x3FFE];
	_ =	sdelay $0x1  }
0x8a: {  	s1 =	srdreg.scid  }
0x8b: {  	s0 =	sand.u32 $0x1, s1  }
0x8c: {  	s17 =	sshll.u32 s0, $0xA;
	s2 =	sadd.s32 s3, s2  }
0x8d: {  	s2 =	sadd.s32 s2, s17  }
0x8e: {  	[smem:$0x3FC3] =	sst s2  }
0x8f: {  	_ = 	snop  }
0x90: {  	s2 =	sld [smem:$0x3FD0];
	(tm) =	ssettm $0x1  }
0x91: {  	s18 =	sld [smem:$0x3FFB];
	_ =	sdelay $0x3  }
0x92: {  	_ =	strace s18  }
0x93: {  	s3 =	sld [smem:$0x3FFC];
	_ =	sdelay $0x3  }
0x94: {  	_ =	strace s3  }
0x95: {  	s3 =	sld [smem:$0x3FFD];
	_ =	sdelay $0x3  }
0x96: {  	_ =	strace s3  }
0x97: {  	_ =	strace $0x8FFFFFFF  }
0x98: {  	s19 =	sld [smem:$0x3FDB];
	_ =	sdelay $0x1  }
0x99: {  	s4 =	simm.s32 $_scs_section_size  }
0x9a: {  	s5 =	simm.s32 $_size__tile_overlayer_lowered;
	s6 =	simm.s32 $_tile_overlayer_lowered  }
0x9b: {  	s22 =	simm.s32 $0x1BFF;
	s21 =	sshll.u32 s6, $0x1;
	s3 =	sadd.s32 s4, s19  }
0x9c: {  	s7 =	simm.s32 $0x0;
	s20 =	sshll.u32 s5, $0x1;
	s5 =	sadd.s32 s21, s3  }
0x9d: {  	[timem:s7], [sflag:s22] =	dma.local [hbm:s5], s20  }
0x9e: {  	_ =	swait.ge [sflag:s22], s20  }
0x9f: {  	s4 =	ssub.s32 $0x0, s20;
	[sflag:s22] =	ssyncset.done $0x0  }
0xa0: {  	[sflag:s22] =	ssyncadd.s32 s4;
	_ =	sdelay $0x1  }
0xa1: {  	s23 =	simm.s32 $0x1B8B  }
0xa2: {  	_ =	swait.ge [sflag:s23], $0x1  }
0xa3: {  	[sflag:s23] =	ssyncset.done $0x0  }
0xa4: {  	s25 =	simm.s32 $0x1B8E;
	s24 =	sld [smem:$0x3FFE];
	[sflag:s23] =	ssyncadd.s32 $0xFFFFFFFF  }
0xa5: {  	s26 =	simm.s32 $execute0_lowered;
	[smem:$0x3FD2] =	sst s25  }
0xa6: {  	s5 =	sshll.u32 s26, $0x1;
	_ =	strace $0x80000049;
	[dreg:$0x1] =	wrdreg $0xFFFFFFFF  }
0xa7: {  	s28 =	simm.s32 $_size_execute0_lowered;
	s3 =	sadd.s32 s3, s5;
	[dreg:$0x0] =	wrdreg $0x0  }
0xa8: {  	s5 =	sshll.u32 s28, $0x1;
	[dreg:$0x2] =	wrdreg s3  }
0xa9: {  	[dreg:$0x3] =	wrdreg s5  }
0xaa: {  	[dreg:$0x4] =	wrdreg $0xC0  }
0xab: {  	_ =	task [dreg:s7], $0x5FFFF  }
0xac: {  	[dreg:$0x1] =	wrdreg $0xFFFFFFFF  }
0xad: {  	[dreg:$0x0] =	wrdreg $0x60  }
0xae: {  	[dreg:$0x2] =	wrdreg s2  }
0xaf: {  	[dreg:$0x3] =	wrdreg s24  }
0xb0: {  	[dreg:$0x4] =	wrdreg $0x9  }
0xb1: {  	_ =	task.clear_ibuf [dreg:s7], $0x5FFFF;
	_ =	strace $0x90000049  }
0xb2: {  	s29 =	simm.s32 $0x9;
	_ =	strace $0x8000004B  }
0xb3: {  	_ =	swait.ge [sflag:s29], $0x1  }
0xb4: {  	[sflag:s29] =	ssyncadd.s32 $0xFFFFFFFF  }
0xb5: {  	_ =	strace $0x9000004B  }
0xb6: {  	_ =	sfence  }
0xb7: {  	s30 =	sld [smem:$0x0];
	_ =	sdelay $0x2  }
0xb8: {  	s31 =	sshll.u32 s1, $0xD;
	s1 =	sshrl.u32 s1, $0x2  }
0xb9: {  	s3 =	sand.u32 $0x4000, s31;
	s1 =	sadd.s32 s1, s30  }
0xba: {  	s0 =	sor.u32 s3, s0;
	s1 =	sshll.u32 s1, $0x11  }
0xbb: {  	s0 =	sor.u32 s1, s0  }
0xbc: {  	s0 =	sadd.s32 $0x8F2B, s0  }
0xbd: {  	[sflag:s0] =	ssyncadd.remote.s32 $0x1  }
0xbe: {  	_ =	sfence.sel $0xFFFF  }
0xbf: {  	[dreg:$0x0] =	wrdreg $0xFFFFFFFF;
	(pc) =	sbr.abs _section_cstart, $3  }
0xc0: {  	[dreg:$0x1] =	wrdreg $0xFFFFFFFF  }
0xc1: {  	_ =	task.clear_ibuf [dreg:s7], $0x2FFFF;
	_ =	strace $0x9FFFFFFF  }
0xc2: {  	(tm) =	ssettm $0x7FFFFFFF  }
0xc3: {  	_ =	shalt  }
tec
execute0_lowered:
.L_overlay_start_1:
0x0: {  	(tag) =	ssettag $0x1  }
0x1: {  	s1 =	rddreg [dreg:$0x0]  }
0x2: {  	s0 =	rddreg [dreg:$0x1];
	s2 =	simm.s32 $0x0  }
0x3: {  	s3 =	srdreg.scid;
	s6 =	stileid.u32;
	s11 =	simm.s32 $0x2  }
0x4: {  	[smem:$0x7FF] =	sst s2;
	s3 =	sand.u32 $0x1, s3;
	s5 =	sadd.s32 $0x50200, s0  }
.Ltmp0:
0x5: {  	s7 =	smov.u32 s3;
	s3 =	ssub.s32 $0x2, s3;
	(pc) =	sbr.rel .LBB2_1-.Ltmp0, $4  }
0x6: {  	s4 =	sadd.s32 $0x6AA00, s0;
	s0 =	sadd.s32 $0x6B000, s0;
	s30 =	sshrl.u32 s3, $0x1  }
0x7: {  	_ =	strace $0x8000004A;
	[dreg:$0x4] =	wrdreg s4;
	s31 =	ssub.s32 s3, s30  }
0x8: {  	s12 =	simm.s32 $0x1;
	[dreg:$0x5] =	wrdreg s0;
	s0 =	smax.u32 s31, $0x1  }
0x9: {  	v0 =	vlaneseq.u32;
	v1 =	vimm.f32 $0.0e+00;
	s8 =	sshll.u32 s6, $0x1;
	s3 =	simm.s32 $0x0;
	[dreg:$0x6] =	wrdreg s0  }
.LBB2_20:
0xa: {  	s3 =	rddreg [dreg:$0x7]  }
0xb: {  	s0 =	rddreg [dreg:$0x6];
	s3 =	sadd.s32 $0x1, s3  }
0xc: {  	p0 =	sne.s32 s3, s0  }
.Ltmp1:
0xd: {  	_ = 	snop;
	(pc) =	sbr.rel @!p0 .LBB2_21-.Ltmp1, $1  }
0xe: {  	_ =	sdelay $0x3  }
.LBB2_1:
0xf: {  	[dreg:$0x7] =	wrdreg s3  }
.Ltmp2:
0x10: {  	s0 =	rddreg [dreg:$0x4];
	s31 =	simm.s32 $0x18000;
	(pc) =	sbr.rel .LBB2_2-.Ltmp2, $4  }
0x11: {  	[tilespmem:s31], [sflag:$0x2] =	stream.linear.gather [hbm4b:s0+s2], $0x3000, $0x38;
	[tilespmem:$0x1B000] =	vst v63  }
0x12: {  	_ =	swait.ge [sflag:s11], $0x3000  }
0x13: {  	[sflag:s11] =	ssyncset.done $0x0  }
0x14: {  	s14 =	simm.s32 $0x0;
	[sflag:s11] =	ssyncadd.s32 $0xFFFFD000  }
.LBB2_19:
0x15: {  	s14 =	sadd.s32 $0x1, s14  }
0x16: {  	s0 =	sshll.u32 s17, $0xD;
	s3 =	rddreg [dreg:$0x5];
	p0 =	sne.s32 s14, $0x8  }
.Ltmp3:
0x17: {  	s0 =	sadd.s32 s3, s0;
	(pc) =	sbr.rel @!p0 .LBB2_20-.Ltmp3, $4  }
0x18: {  	[hbm4b:s0+s2] =	stream.linear.scatter [tilespmem:s2], [sflag:$0x2], $0x10000, $0x38;
	[tilespmem:$0x1B000] =	vst v63  }
0x19: {  	_ =	swait.ge [sflag:s11], $0x10000  }
0x1a: {  	[sflag:s11] =	ssyncset.done $0x0  }
0x1b: {  	[sflag:s11] =	ssyncadd.s32 $0xFFFF0000  }
.LBB2_2:
0x1c: {  	s0 =	sshll.u32 s14, $0x5  }
0x1d: {  	s3 =	sshll.u32 s14, $0x8;
	s0 =	sor.u32 s8, s0  }
0x1e: {  	s15 =	sand.u32 $0x400, s3;
	s16 =	sand.u32 $0x70, s0  }
0x1f: {  	s31 =	simm.s32 $0x0;
	s3 =	sor.u32 s16, s15  }
0x20: {  	s4 =	smul.u32 $0x3000, s31;
	s3 =	sor.u32 $0x18000, s3  }
0x21: {  	[dreg:$0x3] =	wrdreg s3  }
0x22: {  	s18 =	simm.s32 $0x0;
	s4 =	sshra.s32 s4, $0x2;
	s6 =	rddreg [dreg:$0x3]  }
0x23: {  	s9 =	sand.u32 $0x380, s18;
	s4 =	sadd.s32 s4, s6  }
0x24: {  	s4 =	sadd.s32 s9, s4  }
0x25: {  	v2 =	vld [tilespmem:s4+$0x0];
	_ =	sdelay $0x1  }
0x26: {  	s17 =	sor.u32 s7, s0  }
0x27: {  	s0 =	sand.u32 $0xF, s17  }
0x28: {  	v3 =	vmov s0  }
0x29: {  	vm0 =	veq.s32 v3, v0;
	v2 =	vxor.u32 $0x80000000, v2  }
0x2a: {  	v2 =	vnsel vm0, $0x0, v2  }
0x2b: {  	(xrf0) =	vmax.scan.msk.u32 $0xffff, v2;
	_ =	sdelay $0x5  }
0x2c: {  	v2, _, _ =	vpop (xrf0)  }
0x2d: {  	(v2sf) =	vpush v2, $0xF;
	_ =	sdelay $0xe  }
0x2e: {  	s6 =	spop (v2sf)  }
0x2f: {  	s3 =	smul.u32 $0x35000, s31;
	s0 =	sshll.u32 s6, $0x3  }
0x30: {  	s10 =	simm.s32 $0x0;
	s0 =	sand.u32 $0xFFFFF000, s0  }
0x31: {  	s25 =	sor.u32 s9, s10;
	s0 =	sadd.s32 s3, s0  }
0x32: {  	s19 =	simm.s32 $0x2;
	s21 =	sadd.s32 $0x10400, s25;
	s0 =	sor.u32 s9, s0  }
0x33: {  	s23 =	sadd.s32 $0x10800, s25;
	s26 =	sadd.s32 $0x10C00, s25;
	s0 =	sshrl.u32 s0, $0x3  }
0x34: {  	s28 =	sadd.s32 $0x14000, s25;
	s3 =	sadd.s32 $0x10000, s25;
	s13 =	sadd.s32 s1, s0  }
0x35: {  	[tilespmem:s3], [sflag:$0x1] =	stream.linear.gather [hbm4b:s13+s18], $0x80, $0x38;
	[tilespmem:$0x1B000] =	vst v63  }
0x36: {  	s29 =	sadd.s32 $0x14400, s25;
	s4 =	sadd.s32 $0x14800, s25;
	s20 =	sadd.s32 $0x80, s13  }
0x37: {  	[tilespmem:s21], [sflag:$0x1] =	stream.linear.gather [hbm4b:s20+s18], $0x80, $0x38;
	[tilespmem:$0x1B000] =	vst v63  }
0x38: {  	s6 =	rddreg [dreg:$0x3];
	s0 =	sadd.s32 s5, s0;
	s22 =	sadd.s32 $0x100, s13  }
0x39: {  	[tilespmem:s23], [sflag:$0x1] =	stream.linear.gather [hbm4b:s22+s18], $0x80, $0x38;
	[tilespmem:$0x1B000] =	vst v63  }
0x3a: {  	s24 =	sadd.s32 $0x180, s13;
	s31 =	sadd.s32 $0x80, s0;
	s22 =	simm.s32 $0x0  }
0x3b: {  	[tilespmem:s26], [sflag:$0x1] =	stream.linear.gather [hbm4b:s24+s18], $0x80, $0x38;
	[tilespmem:$0x1B000] =	vst v63  }
0x3c: {  	s3 =	sadd.s32 $0x100, s0;
	s20 =	simm.s32 $0x80;
	s30 =	smul.u32 $0x3000, s22  }
0x3d: {  	[tilespmem:s28], [sflag:$0x1] =	stream.linear.gather [hbm4b:s0+s18], $0x80, $0x38;
	[tilespmem:$0x1B000] =	vst v63  }
0x3e: {  	s21 =	sand.u32 $0x380, s20;
	s23 =	simm.s32 $0x0;
	s9 =	sshra.s32 s30, $0x2  }
0x3f: {  	[tilespmem:s29], [sflag:$0x1] =	stream.linear.gather [hbm4b:s31+s18], $0x80, $0x38;
	[tilespmem:$0x1B000] =	vst v63  }
.LBB2_3:
0x40: {  	[tilespmem:s4], [sflag:$0x1] =	stream.linear.gather [hbm4b:s3+s18], $0x80, $0x38;
	[tilespmem:$0x1B000] =	vst v63  }
0x41: {  	s13 =	sadd.s32 s9, s6  }
0x42: {  	s0 =	sadd.s32 $0x180, s0;
	s26 =	sadd.s32 $0x14C00, s25;
	s3 =	sadd.s32 s21, s13  }
0x43: {  	[tilespmem:s26], [sflag:$0x1] =	stream.linear.gather [hbm4b:s0+s18], $0x80, $0x38;
	[tilespmem:$0x1B000] =	vst v63  }
0x44: {  	v2 =	vld [tilespmem:s3+$0x0];
	_ =	sdelay $0x4  }
0x45: {  	v2 =	vxor.u32 $0x80000000, v2  }
0x46: {  	v2 =	vnsel vm0, $0x0, v2  }
0x47: {  	(xrf0) =	vmax.scan.msk.u32 $0xffff, v2;
	_ =	sdelay $0x5  }
0x48: {  	v2, _, _ =	vpop (xrf0)  }
0x49: {  	(v2sf) =	vpush v2, $0xF;
	_ =	sdelay $0xe  }
0x4a: {  	s28 =	spop (v2sf)  }
0x4b: {  	s29 =	smul.u32 $0x35000, s22;
	s0 =	sshll.u32 s28, $0x3  }
0x4c: {  	s0 =	sand.u32 $0xFFFFF000, s0  }
0x4d: {  	s24 =	smov.u32 s19;
	s0 =	sadd.s32 s29, s0  }
0x4e: {  	p0 =	sne.s32 s19, $0x1F;
	s19 =	sadd.s32 $0x1, s19;
	s0 =	sor.u32 s21, s0  }
0x4f: {  	s25 =	sor.u32 s21, s23;
	s20 =	sadd.s32 $0x80, s20;
	s0 =	sshrl.u32 s0, $0x3  }
0x50: {  	s6 =	rddreg [dreg:$0x3];
	s30 =	sadd.s32 $0x10000, s25;
	s31 =	sadd.s32 s1, s0  }
0x51: {  	[tilespmem:s30], [sflag:$0x1] =	stream.linear.gather [hbm4b:s31+s18], $0x80, $0x38;
	[tilespmem:$0x1B000] =	vst v63  }
0x52: {  	s10 =	sadd.s32 $0x10400, s25;
	s13 =	sadd.s32 $0x14400, s25;
	s9 =	sadd.s32 $0x80, s31  }
0x53: {  	[tilespmem:s10], [sflag:$0x1] =	stream.linear.gather [hbm4b:s9+s18], $0x80, $0x38;
	[tilespmem:$0x1B000] =	vst v63  }
0x54: {  	s22 =	sshrl.u32 s24, $0x3;
	s26 =	sadd.s32 $0x10800, s25;
	s23 =	sadd.s32 $0x100, s31  }
0x55: {  	[tilespmem:s26], [sflag:$0x1] =	stream.linear.gather [hbm4b:s23+s18], $0x80, $0x38;
	[tilespmem:$0x1B000] =	vst v63  }
0x56: {  	s4 =	sadd.s32 $0x14800, s25;
	s29 =	sadd.s32 $0x10C00, s25;
	s28 =	sadd.s32 $0x180, s31  }
0x57: {  	[tilespmem:s29], [sflag:$0x1] =	stream.linear.gather [hbm4b:s28+s18], $0x80, $0x38;
	[tilespmem:$0x1B000] =	vst v63  }
.Ltmp4:
0x58: {  	s21 =	sand.u32 $0x380, s20;
	s0 =	sadd.s32 s5, s0;
	(pc) =	sbr.rel @p0 .LBB2_3-.Ltmp4, $4  }
0x59: {  	s30 =	smul.u32 $0x3000, s22;
	s31 =	sadd.s32 $0x80, s0;
	s10 =	sadd.s32 $0x14000, s25  }
0x5a: {  	[tilespmem:s10], [sflag:$0x1] =	stream.linear.gather [hbm4b:s0+s18], $0x80, $0x38;
	[tilespmem:$0x1B000] =	vst v63  }
0x5b: {  	s3 =	sadd.s32 $0x100, s0;
	s9 =	sshra.s32 s30, $0x2;
	s23 =	sshll.u32 s22, $0xC  }
0x5c: {  	[tilespmem:s13], [sflag:$0x1] =	stream.linear.gather [hbm4b:s31+s18], $0x80, $0x38;
	[tilespmem:$0x1B000] =	vst v63  }
0x5d: {  	[tilespmem:s4], [sflag:$0x1] =	stream.linear.gather [hbm4b:s3+s18], $0x80, $0x38;
	[tilespmem:$0x1B000] =	vst v63  }
0x5e: {  	s30 =	sadd.s32 s9, s6  }
0x5f: {  	s0 =	sadd.s32 $0x180, s0;
	s31 =	sadd.s32 $0x14C00, s25;
	s3 =	sadd.s32 s21, s30  }
0x60: {  	[tilespmem:s31], [sflag:$0x1] =	stream.linear.gather [hbm4b:s0+s18], $0x80, $0x38;
	[tilespmem:$0x1B000] =	vst v63  }
0x61: {  	v2 =	vld [tilespmem:s3+$0x0];
	_ =	sdelay $0x4  }
0x62: {  	v2 =	vxor.u32 $0x80000000, v2  }
0x63: {  	v2 =	vnsel vm0, $0x0, v2  }
0x64: {  	(xrf0) =	vmax.scan.msk.u32 $0xffff, v2;
	_ =	sdelay $0x5  }
0x65: {  	v2, _, _ =	vpop (xrf0)  }
0x66: {  	(v2sf) =	vpush v2, $0xF;
	_ =	sdelay $0xe  }
0x67: {  	s6 =	spop (v2sf)  }
0x68: {  	s9 =	smul.u32 $0x35000, s22;
	s0 =	sshll.u32 s6, $0x3  }
0x69: {  	s0 =	sand.u32 $0xFFFFF000, s0  }
0x6a: {  	s0 =	sadd.s32 s9, s0  }
0x6b: {  	s0 =	sor.u32 s21, s0  }
0x6c: {  	s10 =	sor.u32 s21, s23;
	s0 =	sshrl.u32 s0, $0x3  }
0x6d: {  	s13 =	sadd.s32 $0x10000, s10;
	s19 =	sadd.s32 s1, s0  }
0x6e: {  	[tilespmem:s13], [sflag:$0x1] =	stream.linear.gather [hbm4b:s19+s18], $0x80, $0x38;
	[tilespmem:$0x1B000] =	vst v63  }
0x6f: {  	s21 =	sadd.s32 $0x10400, s10;
	s20 =	sadd.s32 $0x80, s19  }
0x70: {  	[tilespmem:s21], [sflag:$0x1] =	stream.linear.gather [hbm4b:s20+s18], $0x80, $0x38;
	[tilespmem:$0x1B000] =	vst v63  }
0x71: {  	s23 =	sadd.s32 $0x10800, s10;
	s22 =	sadd.s32 $0x100, s19  }
0x72: {  	[tilespmem:s23], [sflag:$0x1] =	stream.linear.gather [hbm4b:s22+s18], $0x80, $0x38;
	[tilespmem:$0x1B000] =	vst v63  }
0x73: {  	s25 =	sadd.s32 $0x10C00, s10;
	s24 =	sadd.s32 $0x180, s19  }
0x74: {  	[tilespmem:s25], [sflag:$0x1] =	stream.linear.gather [hbm4b:s24+s18], $0x80, $0x38;
	[tilespmem:$0x1B000] =	vst v63  }
0x75: {  	s26 =	sadd.s32 $0x14000, s10;
	s0 =	sadd.s32 s5, s0  }
0x76: {  	[tilespmem:s26], [sflag:$0x1] =	stream.linear.gather [hbm4b:s0+s18], $0x80, $0x38;
	[tilespmem:$0x1B000] =	vst v63  }
0x77: {  	p0 =	por $0x0, $0x0;
	s28 =	sadd.s32 $0x14400, s10;
	s29 =	sadd.s32 $0x80, s0  }
0x78: {  	[tilespmem:s28], [sflag:$0x1] =	stream.linear.gather [hbm4b:s29+s18], $0x80, $0x38;
	[tilespmem:$0x1B000] =	vst v63  }
.Ltmp5:
0x79: {  	s30 =	sadd.s32 $0x14800, s10;
	s31 =	sadd.s32 $0x100, s0;
	(pc) =	sbr.rel @p0 .LBB2_6-.Ltmp5, $4  }
0x7a: {  	[tilespmem:s30], [sflag:$0x1] =	stream.linear.gather [hbm4b:s31+s18], $0x80, $0x38;
	[tilespmem:$0x1B000] =	vst v63  }
0x7b: {  	s3 =	sadd.s32 $0x14C00, s10;
	s0 =	sadd.s32 $0x180, s0  }
0x7c: {  	[tilespmem:s3], [sflag:$0x1] =	stream.linear.gather [hbm4b:s0+s18], $0x80, $0x38;
	[tilespmem:$0x1B000] =	vst v63  }
0x7d: {  	s4 =	simm.s32 $0x400;
	s0 =	simm.s32 $0x0  }
.LBB2_5:
0x7e: {  	p0 =	seq.s32 s4, $0x3FC00;
	[tilespmem:s0+$0xF0] =	vst v1  }
0x7f: {  	[tilespmem:s0+$0x0] =	vst v1  }
0x80: {  	[tilespmem:s0+$0x10] =	vst v1  }
0x81: {  	[tilespmem:s0+$0x20] =	vst v1  }
0x82: {  	[tilespmem:s0+$0x30] =	vst v1  }
0x83: {  	[tilespmem:s0+$0x40] =	vst v1  }
0x84: {  	[tilespmem:s0+$0x50] =	vst v1  }
0x85: {  	[tilespmem:s0+$0x60] =	vst v1  }
0x86: {  	[tilespmem:s0+$0x70] =	vst v1  }
0x87: {  	[tilespmem:s0+$0x80] =	vst v1  }
0x88: {  	[tilespmem:s0+$0x90] =	vst v1  }
.Ltmp6:
0x89: {  	[tilespmem:s0+$0xA0] =	vst v1;
	(pc) =	sbr.rel @!p0 .LBB2_5-.Ltmp6, $4  }
0x8a: {  	[tilespmem:s0+$0xB0] =	vst v1  }
0x8b: {  	[tilespmem:s0+$0xC0] =	vst v1  }
0x8c: {  	[tilespmem:s0+$0xD0] =	vst v1  }
0x8d: {  	[tilespmem:s0+$0xE0] =	vst v1;
	s0 =	sshra.s32 s4, $0x2;
	s4 =	sadd.s32 $0x400, s4  }
.LBB2_6:
0x8e: {  	[tilespmem:s0+$0xF0] =	vst v1  }
0x8f: {  	[tilespmem:s0+$0x0] =	vst v1  }
0x90: {  	[tilespmem:s0+$0x10] =	vst v1  }
0x91: {  	[tilespmem:s0+$0x20] =	vst v1  }
0x92: {  	[tilespmem:s0+$0x30] =	vst v1  }
0x93: {  	[tilespmem:s0+$0x40] =	vst v1  }
0x94: {  	[tilespmem:s0+$0x50] =	vst v1  }
0x95: {  	[tilespmem:s0+$0x60] =	vst v1  }
0x96: {  	[tilespmem:s0+$0x70] =	vst v1  }
0x97: {  	[tilespmem:s0+$0x80] =	vst v1  }
0x98: {  	[tilespmem:s0+$0x90] =	vst v1  }
0x99: {  	[tilespmem:s0+$0xA0] =	vst v1  }
0x9a: {  	[tilespmem:s0+$0xB0] =	vst v1  }
0x9b: {  	[tilespmem:s0+$0xC0] =	vst v1  }
0x9c: {  	[tilespmem:s0+$0xD0] =	vst v1  }
0x9d: {  	[tilespmem:s0+$0xE0] =	vst v1  }
0x9e: {  	_ =	swait.ge [sflag:s12], $0x200  }
0x9f: {  	[sflag:s12] =	ssyncset.done $0x0  }
0xa0: {  	[sflag:s12] =	ssyncadd.s32 $0xFFFFFE00  }
0xa1: {  	_ =	swait.ge [sflag:s12], $0x200  }
0xa2: {  	s0 =	simm.s32 $0x1F;
	[sflag:s12] =	ssyncset.done $0x0  }
.LBB2_7:
0xa3: {  	p0 =	seq.s32 s0, $0x1;
	s0 =	sadd.s32 $0xFFFFFFFF, s0;
	[sflag:s12] =	ssyncadd.s32 $0xFFFFFE00  }
.Ltmp7:
0xa4: {  	_ =	swait.ge [sflag:s12], $0x200;
	(pc) =	sbr.rel @!p0 .LBB2_7-.Ltmp7, $4  }
0xa5: {  	[sflag:s12] =	ssyncset.done $0x0  }
0xa6: {  	[sflag:s12] =	ssyncadd.s32 $0xFFFFFE00  }
0xa7: {  	_ =	swait.ge [sflag:s12], $0x200  }
0xa8: {  	[sflag:s12] =	ssyncset.done $0x0  }
.Ltmp8:
0xa9: {  	(pc) =	sbr.rel .LBB2_9-.Ltmp8, $4  }
0xaa: {  	s0 =	sadd.s32 $0x1, s17  }
0xab: {  	s3 =	sand.u32 $0xF, s0  }
0xac: {  	[sflag:s12] =	ssyncadd.s32 $0xFFFFFE00;
	s4 =	sshll.u32 s0, $0x3;
	v2 =	vmov s3  }
0xad: {  	s20 =	simm.s32 $0x0;
	s18 =	sand.u32 $0x70, s0;
	s19 =	sand.u32 $0x7FFFFC00, s4;
	vm1 =	veq.s32 v2, v0  }
.LBB2_18:
0xae: {  	s20 =	sadd.s32 $0x1, s20  }
0xaf: {  	p0 =	sne.s32 s20, $0x20  }
.Ltmp9:
0xb0: {  	_ = 	snop;
	(pc) =	sbr.rel @!p0 .LBB2_19-.Ltmp9, $1  }
0xb1: {  	_ =	sdelay $0x3  }
.LBB2_9:
0xb2: {  	s23 =	sshrl.u32 s20, $0x3  }
0xb3: {  	s0 =	smul.u32 $0x3000, s23;
	_ =	sdelay $0x1  }
0xb4: {  	s0 =	sshra.s32 s0, $0x2  }
0xb5: {  	s0 =	sadd.s32 $0x18000, s0  }
0xb6: {  	s3 =	sshll.u32 s20, $0x7;
	s4 =	sadd.s32 s15, s0  }
0xb7: {  	s25 =	sand.u32 $0x380, s3;
	s0 =	sadd.s32 s19, s0;
	s29 =	sadd.s32 s16, s4  }
0xb8: {  	s0 =	sadd.s32 s18, s0;
	s3 =	sadd.s32 s25, s29  }
0xb9: {  	s0 =	sadd.s32 s25, s0;
	v2 =	vld [tilespmem:s3+$0x0]  }
0xba: {  	v3 =	vld [tilespmem:s0+$0x0];
	_ =	sdelay $0x3  }
0xbb: {  	v2 =	vxor.u32 $0x80000000, v2  }
0xbc: {  	v3 =	vxor.u32 $0x80000000, v3;
	v2 =	vnsel vm0, $0x0, v2  }
0xbd: {  	(xrf0) =	vmax.scan.msk.u32 $0xffff, v2;
	v2 =	vnsel vm1, $0x0, v3  }
0xbe: {  	(xrf0) =	vmax.scan.msk.u32 $0xffff, v2;
	_ =	sdelay $0x4  }
0xbf: {  	v2, _, _ =	vpop (xrf0)  }
0xc0: {  	(v2sf) =	vpush v2, $0xF;
	v2, _, _ =	vpop (xrf0)  }
0xc1: {  	(v2sf) =	vpush v2, $0xF;
	_ =	sdelay $0xd  }
0xc2: {  	s30 =	spop (v2sf)  }
0xc3: {  	s31 =	spop (v2sf)  }
0xc4: {  	s3 =	sxor.u32 $0x80000000, s30;
	s21 =	sxor.u32 $0x80000000, s31  }
0xc5: {  	p0 =	sle.s32 s21, s3  }
.Ltmp10:
0xc6: {  	_ = 	snop;
	(pc) =	sbr.rel @p0 .LBB2_18-.Ltmp10, $1  }
0xc7: {  	_ =	sdelay $0x3  }
0xc8: {  	s4 =	sshll.u32 s23, $0xC;
	s29 =	simm.s32 $0x0  }
0xc9: {  	s0 =	sand.u32 $0xFFFFFE00, s3;
	v3 =	vmov s3;
	s30 =	sand.u32 $0x70, s29;
	s3 =	sand.u32 $0xC00, s29  }
0xca: {  	s22 =	sor.u32 s25, s4;
	s3 =	sor.u32 s30, s3  }
0xcb: {  	s31 =	sadd.s32 $0x0, s0;
	s3 =	sor.u32 s22, s3  }
0xcc: {  	v2 =	vmov s21;
	v5 =	vor.u32 s31, v0;
	v4 =	vld [tilespmem:s3+$0x10000]  }
0xcd: {  	vm2 =	vge.s32 v5, v3;
	vm3 =	vlt.s32 v5, v2  }
0xce: {  	vm2 =	vmand vm2, vm3  }
0xcf: {  	v5 =	vld [tilespmem:s3+$0x14000];
	_ =	sdelay $0x1  }
0xd0: {  	s10 =	simm.s32 $0x80;
	s4 =	simm.s32 $0x10  }
0xd1: {  	s6 =	simm.s32 $0x20;
	s13 =	sand.u32 $0xC00, s10;
	s9 =	sand.u32 $0x70, s4  }
.LBB2_11:
0xd2: {  	p0 =	seq.s32 s6, $0x1F0;
	s3 =	sor.u32 s9, s13  }
0xd3: {  	s9 =	sadd.s32 s4, s0;
	s4 =	smov.u32 s6;
	s3 =	sor.u32 s22, s3;
	[tilespmem:v4+s2+$0x0] =	vst.idx.add.f32.msk vm2, v5  }
0xd4: {  	v5 =	vor.u32 s9, v0;
	v4 =	vld [tilespmem:s3+$0x10000]  }
0xd5: {  	vm2 =	vge.s32 v5, v3;
	vm3 =	vlt.s32 v5, v2  }
.Ltmp11:
0xd6: {  	vm2 =	vmand vm2, vm3;
	(pc) =	sbr.rel @!p0 .LBB2_11-.Ltmp11, $3  }
0xd7: {  	v5 =	vld [tilespmem:s3+$0x14000];
	_ =	sdelay $0x1  }
0xd8: {  	s10 =	sadd.s32 $0x80, s10  }
0xd9: {  	s6 =	sadd.s32 $0x10, s6;
	s9 =	sand.u32 $0x70, s4;
	s13 =	sand.u32 $0xC00, s10  }
0xda: {  	_ =	sdelay $0x3  }
0xdb: {  	s3 =	sor.u32 s9, s13  }
0xdc: {  	s4 =	sadd.s32 s4, s0;
	s3 =	sor.u32 s22, s3;
	[tilespmem:v4+s2+$0x0] =	vst.idx.add.f32.msk vm2, v5  }
0xdd: {  	v63 =	vor.u32 s4, v0;
	v5 =	vld [tilespmem:s3+$0x10000]  }
0xde: {  	vm2 =	vge.s32 v63, v3;
	vm3 =	vlt.s32 v63, v2  }
0xdf: {  	s24 =	sadd.s32 $0x200, s0;
	vm2 =	vmand vm2, vm3  }
0xe0: {  	p0 =	sge.s32 s24, s21;
	v3 =	vld [tilespmem:s3+$0x14000]  }
.Ltmp12:
0xe1: {  	_ = 	snop;
	(pc) =	sbr.rel @p0 .LBB2_18-.Ltmp12, $2  }
0xe2: {  	_ =	sdelay $0x2  }
0xe3: {  	[tilespmem:v5+s2+$0x0] =	vst.idx.add.f32.msk vm2, v3  }
0xe4: {  	s0 =	smul.u32 $0x35000, s23;
	s23 =	sadd.s32 $0x10000, s22  }
0xe5: {  	s28 =	sadd.s32 $0x10400, s22;
	s29 =	sadd.s32 $0x10800, s22;
	s30 =	sadd.s32 $0x10C00, s22  }
0xe6: {  	s31 =	sadd.s32 $0x14400, s22;
	s4 =	sadd.s32 $0x14C00, s22;
	s0 =	sor.u32 s25, s0  }
0xe7: {  	s25 =	sadd.s32 $0x14000, s22;
	s26 =	sshrl.u32 s0, $0x3;
	s0 =	sadd.s32 $0x14800, s22  }
.LBB2_15:
0xe8: {  	s3 =	sadd.s32 s24, s26  }
0xe9: {  	s3 =	sand.u32 $0x1FFFFE70, s3  }
0xea: {  	s9 =	simm.s32 $0x0;
	s6 =	sadd.s32 s1, s3  }
0xeb: {  	[tilespmem:s23], [sflag:$0x2] =	stream.linear.gather [hbm4b:s6+s9], $0x80, $0x38;
	[tilespmem:$0x1B000] =	vst v63  }
0xec: {  	s10 =	sadd.s32 $0x80, s6  }
0xed: {  	[tilespmem:s28], [sflag:$0x2] =	stream.linear.gather [hbm4b:s10+s9], $0x80, $0x38;
	[tilespmem:$0x1B000] =	vst v63  }
0xee: {  	s13 =	sadd.s32 $0x100, s6  }
0xef: {  	[tilespmem:s29], [sflag:$0x2] =	stream.linear.gather [hbm4b:s13+s9], $0x80, $0x38;
	[tilespmem:$0x1B000] =	vst v63  }
0xf0: {  	s6 =	sadd.s32 $0x180, s6  }
0xf1: {  	[tilespmem:s30], [sflag:$0x2] =	stream.linear.gather [hbm4b:s6+s9], $0x80, $0x38;
	[tilespmem:$0x1B000] =	vst v63  }
0xf2: {  	_ =	swait.ge [sflag:s11], $0x200  }
0xf3: {  	[sflag:s11] =	ssyncset.done $0x0  }
0xf4: {  	s3 =	sadd.s32 s5, s3;
	[sflag:s11] =	ssyncadd.s32 $0xFFFFFE00  }
0xf5: {  	[tilespmem:s25], [sflag:$0x2] =	stream.linear.gather [hbm4b:s3+s9], $0x80, $0x38;
	[tilespmem:$0x1B000] =	vst v63  }
0xf6: {  	s10 =	sadd.s32 $0x80, s3  }
0xf7: {  	[tilespmem:s31], [sflag:$0x2] =	stream.linear.gather [hbm4b:s10+s9], $0x80, $0x38;
	[tilespmem:$0x1B000] =	vst v63  }
0xf8: {  	s13 =	sadd.s32 $0x100, s3  }
0xf9: {  	[tilespmem:s0], [sflag:$0x2] =	stream.linear.gather [hbm4b:s13+s9], $0x80, $0x38;
	[tilespmem:$0x1B000] =	vst v63  }
0xfa: {  	s3 =	sadd.s32 $0x180, s3  }
0xfb: {  	[tilespmem:s4], [sflag:$0x2] =	stream.linear.gather [hbm4b:s3+s9], $0x80, $0x38;
	[tilespmem:$0x1B000] =	vst v63  }
0xfc: {  	s6 =	sand.u32 $0x70, s9;
	s10 =	sand.u32 $0xC00, s9;
	_ =	swait.ge [sflag:s11], $0x200  }
0xfd: {  	s3 =	sor.u32 s10, s6;
	[sflag:s11] =	ssyncset.done $0x0  }
0xfe: {  	s3 =	sor.u32 s22, s3;
	[sflag:s11] =	ssyncadd.s32 $0xFFFFFE00  }
0xff: {  	s13 =	sadd.s32 $0x0, s24;
	v3 =	vld [tilespmem:s3+$0x10000]  }
0x100: {  	v4 =	vor.u32 s13, v0  }
0x101: {  	vm2 =	vlt.s32 v4, v2  }
0x102: {  	v4 =	vld [tilespmem:s3+$0x14000];
	_ =	sdelay $0x1  }
0x103: {  	s10 =	simm.s32 $0x10;
	s6 =	simm.s32 $0x80  }
0x104: {  	s9 =	simm.s32 $0x20;
	s13 =	sand.u32 $0x70, s10;
	s3 =	sand.u32 $0xC00, s6  }
.LBB2_16:
0x105: {  	p0 =	seq.s32 s9, $0x1F0;
	s3 =	sor.u32 s3, s13  }
0x106: {  	s3 =	sor.u32 s22, s3;
	[tilespmem:v3+s2+$0x0] =	vst.idx.add.f32.msk vm2, v4  }
0x107: {  	s13 =	sadd.s32 s10, s24;
	s10 =	smov.u32 s9;
	v3 =	vld [tilespmem:s3+$0x10000]  }
0x108: {  	v4 =	vor.u32 s13, v0  }
.Ltmp13:
0x109: {  	vm2 =	vlt.s32 v4, v2;
	(pc) =	sbr.rel @!p0 .LBB2_16-.Ltmp13, $3  }
0x10a: {  	v4 =	vld [tilespmem:s3+$0x14000];
	_ =	sdelay $0x1  }
0x10b: {  	s6 =	sadd.s32 $0x80, s6  }
0x10c: {  	s9 =	sadd.s32 $0x10, s9;
	s13 =	sand.u32 $0x70, s10;
	s3 =	sand.u32 $0xC00, s6  }
0x10d: {  	_ =	sdelay $0x3  }
0x10e: {  	s3 =	sor.u32 s3, s13  }
0x10f: {  	s3 =	sor.u32 s22, s3;
	[tilespmem:v3+s2+$0x0] =	vst.idx.add.f32.msk vm2, v4  }
0x110: {  	s6 =	sadd.s32 s10, s24;
	v3 =	vld [tilespmem:s3+$0x10000]  }
0x111: {  	v62 =	vor.u32 s6, v0  }
0x112: {  	vm2 =	vlt.s32 v62, v2  }
0x113: {  	v63 =	vld [tilespmem:s3+$0x14000];
	_ =	sdelay $0x4  }
0x114: {  	[tilespmem:v3+s2+$0x0] =	vst.idx.add.f32.msk vm2, v63  }
0x115: {  	s24 =	sadd.s32 $0x200, s24  }
0x116: {  	p0 =	sge.s32 s24, s21  }
.Ltmp14:
0x117: {  	_ = 	snop;
	(pc) =	sbr.rel @!p0 .LBB2_15-.Ltmp14, $4  }
.Ltmp15:
0x118: {  	_ = 	snop;
	(pc) =	sbr.rel @p0 .LBB2_18-.Ltmp15, $4  }
0x119: {  	_ = 	snop  }
0x11a: {  	_ = 	snop  }
0x11b: {  	_ = 	snop  }
0x11c: {  	_ = 	snop  }
.LBB2_21:
0x11d: {  	_ =	sfence.sel $0x180000  }
0x11e: {  	[bflag:$0x0] =	sbarrier.arrive $0xFFFF  }
0x11f: {  	_ =	strace $0x9000004A  }
0x120: {  	s0 =	stileid.u32;
	[bflag:$0x2] =	sbarrier.arrive $0xFFFF  }
0x121: {  	p0 =	sne.s32 s0, $0x0;
	s0 =	rddreg [dreg:$0x2]  }
0x122: {  	s0 =	sadd.s32 @!p0 $0x100000, s0  }
0x123: {  	[sflag:s0] =	ssyncadd.tile.s32 @!p0 $0x1;
	_ =	shalt  }
.Lfunc_end2:
_tile_overlayer_lowered:
.L_overlay_start_2:
0x124: {  	(tag) =	ssettag $0x2  }
0x125: {  	s0 =	rddreg [dreg:$0x0];
	s2 =	stileid.u32  }
0x126: {  	s1 =	rddreg [dreg:$0x1];
	p0 =	sne.s32 s2, $0x0  }
0x127: {  	s3 =	rddreg [dreg:$0x2];
	[bflag:$0x3] =	sbarrier.arrive $0xFFFF;
	s2 =	simm.s32 @!p0 $0x1C02  }
0x128: {  	[timem:s3], [sflag:s2] =	dma.local @!p0 [hbm:s0], s1  }
0x129: {  	s0 =	simm.s32 @!p0 $0x2  }
0x12a: {  	_ =	swait.ge @!p0 [sflag:s0], s1  }
0x12b: {  	s1 =	ssub.s32 @!p0 $0x0, s1;
	[sflag:s0] =	ssyncset.done @!p0 $0x0  }
0x12c: {  	[sflag:s0] =	ssyncadd.s32 @!p0 s1  }
0x12d: {  	[bflag:$0x3] =	sbarrier.arrive $0xFFFF  }
0x12e: {  	_ =	shalt  }

</sc_bundles>
